<compile_context>
chip_gen: v7x
topology: tpu7x:2x2x1
jax: 0.10.2.dev20260603
libtpu: 0.0.44.dev20260713+nightly
codegen_flags: <defaults>
</compile_context>

<pallas_src>
import functools

import jax
import jax.numpy as jnp
from jax import lax
from jax.experimental import pallas as pl
from jax.experimental.pallas import tpu as pltpu
from jax.experimental.pallas import tpu_sc as plsc

N_COARSE = 12500
N_C_PAD = 12800
RB = 6400
N_FINE = 25000
VAL_DIM = 256
NR_FILTERS = 256
EXT = 9
GROUPS = 32
CG = VAL_DIM // GROUPS
EPS = 1e-5

NC, NS = 2, 16
NW = NC * NS
F_PAD = 25088
ROWS_W = F_PAD // NW
CV = 8
GSZ = CV * EXT
CHUNKS = ROWS_W // CV
NBUF = 2


def _tc_body(x_ref, g_ref, b_ref, w_ref, out_ref, a_ref):
    e = pl.program_id(0)
    i = pl.program_id(1)

    @pl.when((e == 0) & (i == 0))
    def _():
        x = x_ref[...]
        s = jnp.sum(x, axis=0, keepdims=True)
        ss = jnp.sum(x * x, axis=0, keepdims=True)
        ii = lax.broadcasted_iota(jnp.int32, (VAL_DIM, VAL_DIM), 0) // CG
        jj = lax.broadcasted_iota(jnp.int32, (VAL_DIM, VAL_DIM), 1) // CG
        gmat = (ii == jj).astype(jnp.float32)
        n = float(N_COARSE * CG)
        mean = jnp.dot(s, gmat, preferred_element_type=jnp.float32) / n
        ex2 = jnp.dot(ss, gmat, preferred_element_type=jnp.float32) / n
        var = ex2 - mean * mean
        rstd = lax.rsqrt(var + EPS)
        xn = (x - mean) * rstd * g_ref[...] + b_ref[...]
        a_ref[...] = jnp.maximum(xn, 0.0).astype(jnp.bfloat16)

    a = a_ref[pl.ds(i * RB, RB), :]
    w = w_ref[0].astype(jnp.bfloat16)
    out_ref[0] = jnp.dot(a, w, preferred_element_type=jnp.float32)


def _tc_stage(lv, gamma, beta, w3):
    return pl.pallas_call(
        _tc_body,
        grid=(EXT, N_C_PAD // RB),
        in_specs=[
            pl.BlockSpec((N_C_PAD, VAL_DIM), lambda e, i: (0, 0)),
            pl.BlockSpec((1, VAL_DIM), lambda e, i: (0, 0)),
            pl.BlockSpec((1, VAL_DIM), lambda e, i: (0, 0)),
            pl.BlockSpec((1, VAL_DIM, NR_FILTERS), lambda e, i: (e, 0, 0)),
        ],
        out_specs=pl.BlockSpec((1, RB, NR_FILTERS), lambda e, i: (e, i, 0)),
        out_shape=jax.ShapeDtypeStruct((EXT, N_C_PAD, NR_FILTERS), jnp.float32),
        scratch_shapes=[pltpu.VMEM((N_C_PAD, VAL_DIM), jnp.bfloat16)],
    )(lv, gamma, beta, w3)


@functools.lru_cache(maxsize=None)
def _sc_gather_kernel():
    @functools.partial(
        pl.kernel,
        out_type=jax.ShapeDtypeStruct((F_PAD, NR_FILTERS), jnp.float32),
        mesh=plsc.VectorSubcoreMesh(core_axis_name="c", subcore_axis_name="s"),
        scratch_types=[
            pltpu.VMEM((CHUNKS, GSZ), jnp.int32),
            pltpu.VMEM((GSZ, NR_FILTERS), jnp.float32),
            pltpu.VMEM((GSZ, NR_FILTERS), jnp.float32),
            pltpu.VMEM((CV, NR_FILTERS), jnp.float32),
            pltpu.SemaphoreType.DMA,
            pltpu.SemaphoreType.DMA,
        ],
    )
    def _sc_gather(y_hbm, idx_hbm, out_hbm, idxv, buf0, buf1, ob, sem0, sem1):
        w = lax.axis_index("s") * NC + lax.axis_index("c")
        pltpu.sync_copy(idx_hbm.at[w], idxv)
        obase = w * ROWS_W

        def accum(buf, c):
            def vrow(v, _):
                r0 = v * EXT
                for j in range(NR_FILTERS // 16):
                    sl = pl.ds(j * 16, 16)
                    t0 = buf[r0 + 0, sl] + buf[r0 + 1, sl]
                    t1 = buf[r0 + 2, sl] + buf[r0 + 3, sl]
                    t2 = buf[r0 + 4, sl] + buf[r0 + 5, sl]
                    t3 = buf[r0 + 6, sl] + buf[r0 + 7, sl]
                    ob[v, sl] = ((t0 + t1) + (t2 + t3)) + buf[r0 + 8, sl]
                return 0

            lax.fori_loop(0, CV, vrow, 0)
            pltpu.sync_copy(ob, out_hbm.at[pl.ds(obase + c * CV, CV)])

        pltpu.async_copy(y_hbm.at[idxv.at[0]], buf0, sem0)

        def pair(p, _):
            c0 = 2 * p
            pltpu.async_copy(y_hbm.at[idxv.at[c0 + 1]], buf1, sem1)
            pltpu.make_async_copy(y_hbm.at[idxv.at[c0]], buf0, sem0).wait()
            accum(buf0, c0)

            @pl.when(p + 1 < CHUNKS // 2)
            def _():
                pltpu.async_copy(y_hbm.at[idxv.at[c0 + 2]], buf0, sem0)

            pltpu.make_async_copy(y_hbm.at[idxv.at[c0 + 1]], buf1, sem1).wait()
            accum(buf1, c0 + 1)
            return 0

        lax.fori_loop(0, CHUNKS // 2, pair, 0)

    return _sc_gather


def kernel(lv_coarse, neighbor_idx, gn_gamma, gn_beta, weight):
    w3 = weight.reshape(EXT, VAL_DIM, NR_FILTERS)
    lv_pad = jnp.pad(lv_coarse, ((0, N_C_PAD - N_COARSE), (0, 0)))
    y = _tc_stage(lv_pad, gn_gamma.reshape(1, -1), gn_beta.reshape(1, -1), w3)
    yflat = y.reshape(EXT * N_C_PAD, NR_FILTERS)

    offs = (jnp.arange(EXT, dtype=jnp.int32) * N_C_PAD)[None, :]
    idx = neighbor_idx + offs
    idx = jnp.pad(idx, ((0, F_PAD - N_FINE), (0, 0)))
    idx_t = idx.reshape(NW, CHUNKS, GSZ)

    out = _sc_gather_kernel()(yflat, idx_t)
    return out[:N_FINE]

# --- scband reference (transcript-rebuilt; emitter-appended) ---
"""Pipeline reference for scband-gn-relu-finefy-25400436588659 (READ-ONLY COPY).

The authoritative reference and input builder live on the scoring server;
editing this copy changes nothing except your own understanding.
"""

import jax, jax.numpy as jnp
import numpy as np
import math

N_COARSE = 12500
N_FINE = 25000
VAL_DIM = 256
NR_FILTERS = 256
FILTER_EXTENT = 9  # permutohedral lattice 1-hop: 2*(pos_dim+1)+1 with pos_dim=3
GROUPS = 32
EPS = 1e-5


def setup_inputs(seed: int = 0) -> dict:
    key = jax.random.key(seed)
    k1, k2, k3 = jax.random.split(key, 3)
    lv_coarse = jax.random.normal(k1, (N_COARSE, VAL_DIM), dtype=jnp.float32)
    # neighbor indices: for each fine vertex, FILTER_EXTENT coarse-lattice neighbor vertices
    neighbor_idx = jax.random.randint(k2, (N_FINE, FILTER_EXTENT), 0, N_COARSE, dtype=jnp.int32)
    # FinefyLatticeModule weight init (kaiming-uniform variant from reset_parameters):
    # fan = fan_out(weight)/2 = (filter_extent*val_dim)/2, gain=sqrt(2) for relu,
    # std = gain/sqrt(fan)*2, bound = sqrt(3)*std
    fan = (FILTER_EXTENT * VAL_DIM) / 2.0
    gain = math.sqrt(2.0)
    std = gain / math.sqrt(fan) * 2.0
    bound = math.sqrt(3.0) * std
    weight = jax.random.uniform(k3, (FILTER_EXTENT * VAL_DIM, NR_FILTERS), dtype=jnp.float32, minval=-bound, maxval=bound)
    gn_gamma = jnp.ones((VAL_DIM,), dtype=jnp.float32)
    gn_beta = jnp.zeros((VAL_DIM,), dtype=jnp.float32)
    return {"lv_coarse": lv_coarse, "neighbor_idx": neighbor_idx, "gn_gamma": gn_gamma, "gn_beta": gn_beta, "weight": weight}


def _group_norm(x, gamma, beta):
    # Faithful to torch: x is [N_vertices, C]; torch code does x.unsqueeze(0).transpose(1,2)
    # -> [1, C, N], GroupNorm(32, C): each group normalizes over (C//groups)*N elements.
    n, c = x.shape
    cg = c // GROUPS
    xt = x.T  # [C, N]
    xg = xt.reshape(GROUPS, cg, n)
    mean = jnp.mean(xg, axis=(1, 2), keepdims=True)
    var = jnp.var(xg, axis=(1, 2), keepdims=True)
    xn = (xg - mean) / jnp.sqrt(var + EPS)
    xn = xn.reshape(c, n).T  # [N, C]
    return xn * gamma[None, :] + beta[None, :]


def reference(lv_coarse, neighbor_idx, gn_gamma, gn_beta, weight):
    # GnReluFinefy: GroupNorm -> ReLU -> Finefy (gather coarse neighbors per fine vertex, linear)
    lv = _group_norm(lv_coarse, gn_gamma, gn_beta)
    lv = jax.nn.relu(lv)
    # FinefyLattice: for each fine vertex gather FILTER_EXTENT coarse neighbor values
    gathered = jnp.take(lv, neighbor_idx, axis=0)  # [N_FINE, FILTER_EXTENT, VAL_DIM]
    gathered = gathered.reshape(N_FINE, FILTER_EXTENT * VAL_DIM)
    lv_1 = gathered @ weight  # [N_FINE, NR_FILTERS]
    return lv_1

if __name__ == "__main__":
    import jax
    _d = setup_inputs()
    print(jax.jit(kernel)(*tuple(_d.values())))

</pallas_src>

<mosaic_0001>
#map = affine_map<(d0, d1) -> (0, 0)>
#map1 = affine_map<(d0, d1) -> (0, 0, 0)>
module attributes {stable_mosaic.version = 14 : i64} {
  func.func @_sc_gather(%arg0: i32, %arg1: i32, %arg2: memref<115200x256xf32, #tpu.memory_space<hbm>>, %arg3: memref<32x98x72xi32, #tpu.memory_space<hbm>>, %arg4: memref<25088x256xf32, #tpu.memory_space<hbm>>, %arg5: memref<98x72xi32, #tpu.memory_space<vmem>>, %arg6: memref<72x256xf32, #tpu.memory_space<vmem>>, %arg7: memref<72x256xf32, #tpu.memory_space<vmem>>, %arg8: memref<8x256xf32, #tpu.memory_space<vmem>>, %arg9: memref<!tpu.dma_semaphore, #tpu.memory_space<semaphore_mem>>, %arg10: memref<!tpu.dma_semaphore, #tpu.memory_space<semaphore_mem>>) attributes {dimension_semantics = [#tpu.dimension_semantics<core_parallel>, #tpu.dimension_semantics<subcore_parallel>], iteration_bounds = array<i64: 2, 16>, scalar_prefetch = 0 : i64, scratch_operands = 6 : i64, tpu.core_type = #tpu.core_type<sc_vector_subcore>, window_params = [{transform_indices = #map}, {transform_indices = #map1}, {transform_indices = #map}]} {
    %mul3A = arith.constant 2 : i32
    %mul3A_0 = arith.muli %arg1, %mul3A : i32
    %add3A = arith.addi %mul3A_0, %arg0 : i32
    "tpu.region"() ({
      %run_scoped3A = tpu.sem_alloc : memref<!tpu.dma_semaphore, #tpu.memory_space<semaphore_mem>>
      %dma_start3A_15 = arith.constant 0 : i32
      %dma_start3A_16 = arith.constant 0 : i32
      %dma_start3A_17 = tpu.memref_slice %arg3[%add3A, %dma_start3A_15, %dma_start3A_16] : memref<32x98x72xi32, #tpu.memory_space<hbm>> -> memref<1x98x72xi32, #tpu.memory_space<hbm>>
      %dma_start3A_18 = tpu.memref_squeeze %dma_start3A_17 : memref<1x98x72xi32, #tpu.memory_space<hbm>> -> memref<98x72xi32, #tpu.memory_space<hbm>>
      %dma_start3A_19 = arith.constant 0 : i32
      %dma_start3A_20 = arith.constant 0 : i32
      %dma_start3A_21 = tpu.memref_slice %arg3[%add3A, %dma_start3A_19, %dma_start3A_20] : memref<32x98x72xi32, #tpu.memory_space<hbm>> -> memref<1x98x72xi32, #tpu.memory_space<hbm>>
      %dma_start3A_22 = tpu.memref_squeeze %dma_start3A_21 : memref<1x98x72xi32, #tpu.memory_space<hbm>> -> memref<98x72xi32, #tpu.memory_space<hbm>>
      tpu.enqueue_dma source(%dma_start3A_22 : memref<98x72xi32, #tpu.memory_space<hbm>>) target(%arg5 : memref<98x72xi32, #tpu.memory_space<vmem>>) target_semaphore(%run_scoped3A : memref<!tpu.dma_semaphore, #tpu.memory_space<semaphore_mem>>)
      %dma_wait3A = arith.constant 0 : i32
      %dma_wait3A_23 = arith.constant 0 : i32
      %dma_wait3A_24 = tpu.memref_slice %arg3[%add3A, %dma_wait3A, %dma_wait3A_23] : memref<32x98x72xi32, #tpu.memory_space<hbm>> -> memref<1x98x72xi32, #tpu.memory_space<hbm>>
      %dma_wait3A_25 = tpu.memref_squeeze %dma_wait3A_24 : memref<1x98x72xi32, #tpu.memory_space<hbm>> -> memref<98x72xi32, #tpu.memory_space<hbm>>
      %dma_wait3A_26 = arith.constant 0 : i32
      %dma_wait3A_27 = arith.constant 0 : i32
      %dma_wait3A_28 = tpu.memref_slice %arg3[%add3A, %dma_wait3A_26, %dma_wait3A_27] : memref<32x98x72xi32, #tpu.memory_space<hbm>> -> memref<1x98x72xi32, #tpu.memory_space<hbm>>
      %dma_wait3A_29 = tpu.memref_squeeze %dma_wait3A_28 : memref<1x98x72xi32, #tpu.memory_space<hbm>> -> memref<98x72xi32, #tpu.memory_space<hbm>>
      tpu.wait_dma2 semaphore(%run_scoped3A : memref<!tpu.dma_semaphore, #tpu.memory_space<semaphore_mem>>) src(%dma_wait3A_29 : memref<98x72xi32, #tpu.memory_space<hbm>>) dst(%arg5 : memref<98x72xi32, #tpu.memory_space<vmem>>)
      tpu.yield
    }) : () -> ()
    %mul3A_1 = arith.constant 784 : i32
    %mul3A_2 = arith.muli %add3A, %mul3A_1 : i32
    %dma_start3A = arith.constant 0 : i32
    %dma_start3A_3 = arith.constant 0 : i32
    %dma_start3A_4 = tpu.memref_slice %arg5[%dma_start3A, %dma_start3A_3] : memref<98x72xi32, #tpu.memory_space<vmem>> -> memref<1x72xi32, #tpu.memory_space<vmem>>
    %dma_start3A_5 = tpu.memref_squeeze %dma_start3A_4 : memref<1x72xi32, #tpu.memory_space<vmem>> -> memref<72xi32, #tpu.memory_space<vmem>>
    %dma_start3A_6 = arith.constant 0 : i32
    %dma_start3A_7 = arith.constant 0 : i32
    %dma_start3A_8 = tpu.memref_slice %arg2[%dma_start3A_6, %dma_start3A_7] : memref<115200x256xf32, #tpu.memory_space<hbm>> -> memref<115200x256xf32, #tpu.memory_space<hbm>>
    tpu.enqueue_indirect_dma source(%dma_start3A_8 : memref<115200x256xf32, #tpu.memory_space<hbm>>) target(%arg6 : memref<72x256xf32, #tpu.memory_space<vmem>>) offsets(%dma_start3A_5 : memref<72xi32, #tpu.memory_space<vmem>>) semaphore(%arg9 : memref<!tpu.dma_semaphore, #tpu.memory_space<semaphore_mem>>)
    %scan3A = arith.constant 0 : i32
    %scan3A_9 = arith.constant 0 : i32
    %scan3A_10 = arith.constant 49 : i32
    %scan3A_11 = arith.addi %scan3A_9, %scan3A_10 : i32
    %scan3A_12 = arith.constant 1 : i32
    %scan3A_13 = scf.for %scan3A_15 = %scan3A_9 to %scan3A_11 step %scan3A_12 iter_args(%scan3A_16 = %scan3A) -> (i32)  : i32 {
      %mul3A_17 = arith.constant 2 : i32
      %mul3A_18 = arith.muli %mul3A_17, %scan3A_15 : i32
      %add3A_19 = arith.constant 1 : i32
      %add3A_20 = arith.addi %mul3A_18, %add3A_19 : i32
      %dma_start3A_21 = arith.constant 0 : i32
      %dma_start3A_22 = tpu.memref_slice %arg5[%add3A_20, %dma_start3A_21] : memref<98x72xi32, #tpu.memory_space<vmem>> -> memref<1x72xi32, #tpu.memory_space<vmem>>
      %dma_start3A_23 = tpu.memref_squeeze %dma_start3A_22 : memref<1x72xi32, #tpu.memory_space<vmem>> -> memref<72xi32, #tpu.memory_space<vmem>>
      %dma_start3A_24 = arith.constant 0 : i32
      %dma_start3A_25 = arith.constant 0 : i32
      %dma_start3A_26 = tpu.memref_slice %arg2[%dma_start3A_24, %dma_start3A_25] : memref<115200x256xf32, #tpu.memory_space<hbm>> -> memref<115200x256xf32, #tpu.memory_space<hbm>>
      tpu.enqueue_indirect_dma source(%dma_start3A_26 : memref<115200x256xf32, #tpu.memory_space<hbm>>) target(%arg7 : memref<72x256xf32, #tpu.memory_space<vmem>>) offsets(%dma_start3A_23 : memref<72xi32, #tpu.memory_space<vmem>>) semaphore(%arg10 : memref<!tpu.dma_semaphore, #tpu.memory_space<semaphore_mem>>)
      %dma_wait3A = arith.constant 0 : i32
      %dma_wait3A_27 = tpu.memref_slice %arg5[%mul3A_18, %dma_wait3A] : memref<98x72xi32, #tpu.memory_space<vmem>> -> memref<1x72xi32, #tpu.memory_space<vmem>>
      %dma_wait3A_28 = tpu.memref_squeeze %dma_wait3A_27 : memref<1x72xi32, #tpu.memory_space<vmem>> -> memref<72xi32, #tpu.memory_space<vmem>>
      %dma_wait3A_29 = arith.constant 0 : i32
      %dma_wait3A_30 = arith.constant 0 : i32
      %dma_wait3A_31 = tpu.memref_slice %arg2[%dma_wait3A_29, %dma_wait3A_30] : memref<115200x256xf32, #tpu.memory_space<hbm>> -> memref<115200x256xf32, #tpu.memory_space<hbm>>
      tpu.wait_indirect_dma semaphore(%arg9 : memref<!tpu.dma_semaphore, #tpu.memory_space<semaphore_mem>>) src(%dma_wait3A_31 : memref<115200x256xf32, #tpu.memory_space<hbm>>) dst(%arg6 : memref<72x256xf32, #tpu.memory_space<vmem>>)
      %scan3A_32 = arith.constant 0 : i32
      %scan3A_33 = arith.constant 0 : i32
      %scan3A_34 = arith.constant 8 : i32
      %scan3A_35 = arith.addi %scan3A_33, %scan3A_34 : i32
      %scan3A_36 = arith.constant 1 : i32
      %scan3A_37 = scf.for %scan3A_67 = %scan3A_33 to %scan3A_35 step %scan3A_36 iter_args(%scan3A_68 = %scan3A_32) -> (i32)  : i32 {
        %mul3A_69 = arith.constant 9 : i32
        %mul3A_70 = arith.muli %scan3A_67, %mul3A_69 : i32
        %add3A_71 = arith.constant 0 : i32
        %add3A_72 = arith.addi %mul3A_70, %add3A_71 : i32
        %get3A = arith.index_cast %add3A_72 : i32 to index
        %get3A_73 = arith.constant 0 : index
        %get3A_74 = tpu.vector_load %arg6[%get3A, %get3A_73] {strides = array<i32>} : memref<72x256xf32, #tpu.memory_space<vmem>>, vector<1x16xf32>,
        %get3A_75 = vector.shape_cast %get3A_74 : vector<1x16xf32> to vector<16xf32>
        %add3A_76 = arith.constant 1 : i32
        %add3A_77 = arith.addi %mul3A_70, %add3A_76 : i32
        %get3A_78 = arith.index_cast %add3A_77 : i32 to index
        %get3A_79 = arith.constant 0 : index
        %get3A_80 = tpu.vector_load %arg6[%get3A_78, %get3A_79] {strides = array<i32>} : memref<72x256xf32, #tpu.memory_space<vmem>>, vector<1x16xf32>,
        %get3A_81 = vector.shape_cast %get3A_80 : vector<1x16xf32> to vector<16xf32>
        %add3A_82 = arith.addf %get3A_75, %get3A_81 : vector<16xf32>
        %add3A_83 = arith.constant 2 : i32
        %add3A_84 = arith.addi %mul3A_70, %add3A_83 : i32
        %get3A_85 = arith.index_cast %add3A_84 : i32 to index
        %get3A_86 = arith.constant 0 : index
        %get3A_87 = tpu.vector_load %arg6[%get3A_85, %get3A_86] {strides = array<i32>} : memref<72x256xf32, #tpu.memory_space<vmem>>, vector<1x16xf32>,
        %get3A_88 = vector.shape_cast %get3A_87 : vector<1x16xf32> to vector<16xf32>
        %add3A_89 = arith.constant 3 : i32
        %add3A_90 = arith.addi %mul3A_70, %add3A_89 : i32
        %get3A_91 = arith.index_cast %add3A_90 : i32 to index
        %get3A_92 = arith.constant 0 : index
        %get3A_93 = tpu.vector_load %arg6[%get3A_91, %get3A_92] {strides = array<i32>} : memref<72x256xf32, #tpu.memory_space<vmem>>, vector<1x16xf32>,
        %get3A_94 = vector.shape_cast %get3A_93 : vector<1x16xf32> to vector<16xf32>
        %add3A_95 = arith.addf %get3A_88, %get3A_94 : vector<16xf32>
        %add3A_96 = arith.constant 4 : i32
        %add3A_97 = arith.addi %mul3A_70, %add3A_96 : i32
        %get3A_98 = arith.index_cast %add3A_97 : i32 to index
        %get3A_99 = arith.constant 0 : index
        %get3A_100 = tpu.vector_load %arg6[%get3A_98, %get3A_99] {strides = array<i32>} : memref<72x256xf32, #tpu.memory_space<vmem>>, vector<1x16xf32>,
        %get3A_101 = vector.shape_cast %get3A_100 : vector<1x16xf32> to vector<16xf32>
        %add3A_102 = arith.constant 5 : i32
        %add3A_103 = arith.addi %mul3A_70, %add3A_102 : i32
        %get3A_104 = arith.index_cast %add3A_103 : i32 to index
        %get3A_105 = arith.constant 0 : index
        %get3A_106 = tpu.vector_load %arg6[%get3A_104, %get3A_105] {strides = array<i32>} : memref<72x256xf32, #tpu.memory_space<vmem>>, vector<1x16xf32>,
        %get3A_107 = vector.shape_cast %get3A_106 : vector<1x16xf32> to vector<16xf32>
        %add3A_108 = arith.addf %get3A_101, %get3A_107 : vector<16xf32>
        %add3A_109 = arith.constant 6 : i32
        %add3A_110 = arith.addi %mul3A_70, %add3A_109 : i32
        %get3A_111 = arith.index_cast %add3A_110 : i32 to index
        %get3A_112 = arith.constant 0 : index
        %get3A_113 = tpu.vector_load %arg6[%get3A_111, %get3A_112] {strides = array<i32>} : memref<72x256xf32, #tpu.memory_space<vmem>>, vector<1x16xf32>,
        %get3A_114 = vector.shape_cast %get3A_113 : vector<1x16xf32> to vector<16xf32>
        %add3A_115 = arith.constant 7 : i32
        %add3A_116 = arith.addi %mul3A_70, %add3A_115 : i32
        %get3A_117 = arith.index_cast %add3A_116 : i32 to index
        %get3A_118 = arith.constant 0 : index
        %get3A_119 = tpu.vector_load %arg6[%get3A_117, %get3A_118] {strides = array<i32>} : memref<72x256xf32, #tpu.memory_space<vmem>>, vector<1x16xf32>,
        %get3A_120 = vector.shape_cast %get3A_119 : vector<1x16xf32> to vector<16xf32>
        %add3A_121 = arith.addf %get3A_114, %get3A_120 : vector<16xf32>
        %add3A_122 = arith.addf %add3A_82, %add3A_95 : vector<16xf32>
        %add3A_123 = arith.addf %add3A_108, %add3A_121 : vector<16xf32>
        %add3A_124 = arith.addf %add3A_122, %add3A_123 : vector<16xf32>
        %add3A_125 = arith.constant 8 : i32
        %add3A_126 = arith.addi %mul3A_70, %add3A_125 : i32
        %get3A_127 = arith.index_cast %add3A_126 : i32 to index
        %get3A_128 = arith.constant 0 : index
        %get3A_129 = tpu.vector_load %arg6[%get3A_127, %get3A_128] {strides = array<i32>} : memref<72x256xf32, #tpu.memory_space<vmem>>, vector<1x16xf32>,
        %get3A_130 = vector.shape_cast %get3A_129 : vector<1x16xf32> to vector<16xf32>
        %add3A_131 = arith.addf %add3A_124, %get3A_130 : vector<16xf32>
        %swap3A = arith.index_cast %scan3A_67 : i32 to index
        %swap3A_132 = arith.constant 0 : index
        %swap3A_133 = tpu.vector_load %arg8[%swap3A, %swap3A_132] {strides = array<i32>} : memref<8x256xf32, #tpu.memory_space<vmem>>, vector<1x16xf32>,
        %swap3A_134 = vector.shape_cast %swap3A_133 : vector<1x16xf32> to vector<16xf32>
        %swap3A_135 = vector.shape_cast %add3A_131 : vector<16xf32> to vector<1x16xf32>
        tpu.vector_store %arg8[%swap3A, %swap3A_132], %swap3A_135 {strides = array<i32>} : memref<8x256xf32, #tpu.memory_space<vmem>>, vector<1x16xf32>,
        %add3A_136 = arith.constant 0 : i32
        %add3A_137 = arith.addi %mul3A_70, %add3A_136 : i32
        %get3A_138 = arith.index_cast %add3A_137 : i32 to index
        %get3A_139 = arith.constant 16 : index
        %get3A_140 = tpu.vector_load %arg6[%get3A_138, %get3A_139] {strides = array<i32>} : memref<72x256xf32, #tpu.memory_space<vmem>>, vector<1x16xf32>,
        %get3A_141 = vector.shape_cast %get3A_140 : vector<1x16xf32> to vector<16xf32>
        %add3A_142 = arith.constant 1 : i32
        %add3A_143 = arith.addi %mul3A_70, %add3A_142 : i32
        %get3A_144 = arith.index_cast %add3A_143 : i32 to index
        %get3A_145 = arith.constant 16 : index
        %get3A_146 = tpu.vector_load %arg6[%get3A_144, %get3A_145] {strides = array<i32>} : memref<72x256xf32, #tpu.memory_space<vmem>>, vector<1x16xf32>,
        %get3A_147 = vector.shape_cast %get3A_146 : vector<1x16xf32> to vector<16xf32>
        %add3A_148 = arith.addf %get3A_141, %get3A_147 : vector<16xf32>
        %add3A_149 = arith.constant 2 : i32
        %add3A_150 = arith.addi %mul3A_70, %add3A_149 : i32
        %get3A_151 = arith.index_cast %add3A_150 : i32 to index
        %get3A_152 = arith.constant 16 : index
        %get3A_153 = tpu.vector_load %arg6[%get3A_151, %get3A_152] {strides = array<i32>} : memref<72x256xf32, #tpu.memory_space<vmem>>, vector<1x16xf32>,
        %get3A_154 = vector.shape_cast %get3A_153 : vector<1x16xf32> to vector<16xf32>
        %add3A_155 = arith.constant 3 : i32
        %add3A_156 = arith.addi %mul3A_70, %add3A_155 : i32
        %get3A_157 = arith.index_cast %add3A_156 : i32 to index
        %get3A_158 = arith.constant 16 : index
        %get3A_159 = tpu.vector_load %arg6[%get3A_157, %get3A_158] {strides = array<i32>} : memref<72x256xf32, #tpu.memory_space<vmem>>, vector<1x16xf32>,
        %get3A_160 = vector.shape_cast %get3A_159 : vector<1x16xf32> to vector<16xf32>
        %add3A_161 = arith.addf %get3A_154, %get3A_160 : vector<16xf32>
        %add3A_162 = arith.constant 4 : i32
        %add3A_163 = arith.addi %mul3A_70, %add3A_162 : i32
        %get3A_164 = arith.index_cast %add3A_163 : i32 to index
        %get3A_165 = arith.constant 16 : index
        %get3A_166 = tpu.vector_load %arg6[%get3A_164, %get3A_165] {strides = array<i32>} : memref<72x256xf32, #tpu.memory_space<vmem>>, vector<1x16xf32>,
        %get3A_167 = vector.shape_cast %get3A_166 : vector<1x16xf32> to vector<16xf32>
        %add3A_168 = arith.constant 5 : i32
        %add3A_169 = arith.addi %mul3A_70, %add3A_168 : i32
        %get3A_170 = arith.index_cast %add3A_169 : i32 to index
        %get3A_171 = arith.constant 16 : index
        %get3A_172 = tpu.vector_load %arg6[%get3A_170, %get3A_171] {strides = array<i32>} : memref<72x256xf32, #tpu.memory_space<vmem>>, vector<1x16xf32>,
        %get3A_173 = vector.shape_cast %get3A_172 : vector<1x16xf32> to vector<16xf32>
        %add3A_174 = arith.addf %get3A_167, %get3A_173 : vector<16xf32>
        %add3A_175 = arith.constant 6 : i32
        %add3A_176 = arith.addi %mul3A_70, %add3A_175 : i32
        %get3A_177 = arith.index_cast %add3A_176 : i32 to index
        %get3A_178 = arith.constant 16 : index
        %get3A_179 = tpu.vector_load %arg6[%get3A_177, %get3A_178] {strides = array<i32>} : memref<72x256xf32, #tpu.memory_space<vmem>>, vector<1x16xf32>,
        %get3A_180 = vector.shape_cast %get3A_179 : vector<1x16xf32> to vector<16xf32>
        %add3A_181 = arith.constant 7 : i32
        %add3A_182 = arith.addi %mul3A_70, %add3A_181 : i32
        %get3A_183 = arith.index_cast %add3A_182 : i32 to index
        %get3A_184 = arith.constant 16 : index
        %get3A_185 = tpu.vector_load %arg6[%get3A_183, %get3A_184] {strides = array<i32>} : memref<72x256xf32, #tpu.memory_space<vmem>>, vector<1x16xf32>,
        %get3A_186 = vector.shape_cast %get3A_185 : vector<1x16xf32> to vector<16xf32>
        %add3A_187 = arith.addf %get3A_180, %get3A_186 : vector<16xf32>
        %add3A_188 = arith.addf %add3A_148, %add3A_161 : vector<16xf32>
        %add3A_189 = arith.addf %add3A_174, %add3A_187 : vector<16xf32>
        %add3A_190 = arith.addf %add3A_188, %add3A_189 : vector<16xf32>
        %add3A_191 = arith.constant 8 : i32
        %add3A_192 = arith.addi %mul3A_70, %add3A_191 : i32
        %get3A_193 = arith.index_cast %add3A_192 : i32 to index
        %get3A_194 = arith.constant 16 : index
        %get3A_195 = tpu.vector_load %arg6[%get3A_193, %get3A_194] {strides = array<i32>} : memref<72x256xf32, #tpu.memory_space<vmem>>, vector<1x16xf32>,
        %get3A_196 = vector.shape_cast %get3A_195 : vector<1x16xf32> to vector<16xf32>
        %add3A_197 = arith.addf %add3A_190, %get3A_196 : vector<16xf32>
        %swap3A_198 = arith.index_cast %scan3A_67 : i32 to index
        %swap3A_199 = arith.constant 16 : index
        %swap3A_200 = tpu.vector_load %arg8[%swap3A_198, %swap3A_199] {strides = array<i32>} : memref<8x256xf32, #tpu.memory_space<vmem>>, vector<1x16xf32>,
        %swap3A_201 = vector.shape_cast %swap3A_200 : vector<1x16xf32> to vector<16xf32>
        %swap3A_202 = vector.shape_cast %add3A_197 : vector<16xf32> to vector<1x16xf32>
        tpu.vector_store %arg8[%swap3A_198, %swap3A_199], %swap3A_202 {strides = array<i32>} : memref<8x256xf32, #tpu.memory_space<vmem>>, vector<1x16xf32>,
        %add3A_203 = arith.constant 0 : i32
        %add3A_204 = arith.addi %mul3A_70, %add3A_203 : i32
        %get3A_205 = arith.index_cast %add3A_204 : i32 to index
        %get3A_206 = arith.constant 32 : index
        %get3A_207 = tpu.vector_load %arg6[%get3A_205, %get3A_206] {strides = array<i32>} : memref<72x256xf32, #tpu.memory_space<vmem>>, vector<1x16xf32>,
        %get3A_208 = vector.shape_cast %get3A_207 : vector<1x16xf32> to vector<16xf32>
        %add3A_209 = arith.constant 1 : i32
        %add3A_210 = arith.addi %mul3A_70, %add3A_209 : i32
        %get3A_211 = arith.index_cast %add3A_210 : i32 to index
        %get3A_212 = arith.constant 32 : index
        %get3A_213 = tpu.vector_load %arg6[%get3A_211, %get3A_212] {strides = array<i32>} : memref<72x256xf32, #tpu.memory_space<vmem>>, vector<1x16xf32>,
        %get3A_214 = vector.shape_cast %get3A_213 : vector<1x16xf32> to vector<16xf32>
        %add3A_215 = arith.addf %get3A_208, %get3A_214 : vector<16xf32>
        %add3A_216 = arith.constant 2 : i32
        %add3A_217 = arith.addi %mul3A_70, %add3A_216 : i32
        %get3A_218 = arith.index_cast %add3A_217 : i32 to index
        %get3A_219 = arith.constant 32 : index
        %get3A_220 = tpu.vector_load %arg6[%get3A_218, %get3A_219] {strides = array<i32>} : memref<72x256xf32, #tpu.memory_space<vmem>>, vector<1x16xf32>,
        %get3A_221 = vector.shape_cast %get3A_220 : vector<1x16xf32> to vector<16xf32>
        %add3A_222 = arith.constant 3 : i32
        %add3A_223 = arith.addi %mul3A_70, %add3A_222 : i32
        %get3A_224 = arith.index_cast %add3A_223 : i32 to index
        %get3A_225 = arith.constant 32 : index
        %get3A_226 = tpu.vector_load %arg6[%get3A_224, %get3A_225] {strides = array<i32>} : memref<72x256xf32, #tpu.memory_space<vmem>>, vector<1x16xf32>,
        %get3A_227 = vector.shape_cast %get3A_226 : vector<1x16xf32> to vector<16xf32>
        %add3A_228 = arith.addf %get3A_221, %get3A_227 : vector<16xf32>
        %add3A_229 = arith.constant 4 : i32
        %add3A_230 = arith.addi %mul3A_70, %add3A_229 : i32
        %get3A_231 = arith.index_cast %add3A_230 : i32 to index
        %get3A_232 = arith.constant 32 : index
        %get3A_233 = tpu.vector_load %arg6[%get3A_231, %get3A_232] {strides = array<i32>} : memref<72x256xf32, #tpu.memory_space<vmem>>, vector<1x16xf32>,
        %get3A_234 = vector.shape_cast %get3A_233 : vector<1x16xf32> to vector<16xf32>
        %add3A_235 = arith.constant 5 : i32
        %add3A_236 = arith.addi %mul3A_70, %add3A_235 : i32
        %get3A_237 = arith.index_cast %add3A_236 : i32 to index
        %get3A_238 = arith.constant 32 : index
        %get3A_239 = tpu.vector_load %arg6[%get3A_237, %get3A_238] {strides = array<i32>} : memref<72x256xf32, #tpu.memory_space<vmem>>, vector<1x16xf32>,
        %get3A_240 = vector.shape_cast %get3A_239 : vector<1x16xf32> to vector<16xf32>
        %add3A_241 = arith.addf %get3A_234, %get3A_240 : vector<16xf32>
        %add3A_242 = arith.constant 6 : i32
        %add3A_243 = arith.addi %mul3A_70, %add3A_242 : i32
        %get3A_244 = arith.index_cast %add3A_243 : i32 to index
        %get3A_245 = arith.constant 32 : index
        %get3A_246 = tpu.vector_load %arg6[%get3A_244, %get3A_245] {strides = array<i32>} : memref<72x256xf32, #tpu.memory_space<vmem>>, vector<1x16xf32>,
        %get3A_247 = vector.shape_cast %get3A_246 : vector<1x16xf32> to vector<16xf32>
        %add3A_248 = arith.constant 7 : i32
        %add3A_249 = arith.addi %mul3A_70, %add3A_248 : i32
        %get3A_250 = arith.index_cast %add3A_249 : i32 to index
        %get3A_251 = arith.constant 32 : index
        %get3A_252 = tpu.vector_load %arg6[%get3A_250, %get3A_251] {strides = array<i32>} : memref<72x256xf32, #tpu.memory_space<vmem>>, vector<1x16xf32>,
        %get3A_253 = vector.shape_cast %get3A_252 : vector<1x16xf32> to vector<16xf32>
        %add3A_254 = arith.addf %get3A_247, %get3A_253 : vector<16xf32>
        %add3A_255 = arith.addf %add3A_215, %add3A_228 : vector<16xf32>
        %add3A_256 = arith.addf %add3A_241, %add3A_254 : vector<16xf32>
        %add3A_257 = arith.addf %add3A_255, %add3A_256 : vector<16xf32>
        %add3A_258 = arith.constant 8 : i32
        %add3A_259 = arith.addi %mul3A_70, %add3A_258 : i32
        %get3A_260 = arith.index_cast %add3A_259 : i32 to index
        %get3A_261 = arith.constant 32 : index
        %get3A_262 = tpu.vector_load %arg6[%get3A_260, %get3A_261] {strides = array<i32>} : memref<72x256xf32, #tpu.memory_space<vmem>>, vector<1x16xf32>,
        %get3A_263 = vector.shape_cast %get3A_262 : vector<1x16xf32> to vector<16xf32>
        %add3A_264 = arith.addf %add3A_257, %get3A_263 : vector<16xf32>
        %swap3A_265 = arith.index_cast %scan3A_67 : i32 to index
        %swap3A_266 = arith.constant 32 : index
        %swap3A_267 = tpu.vector_load %arg8[%swap3A_265, %swap3A_266] {strides = array<i32>} : memref<8x256xf32, #tpu.memory_space<vmem>>, vector<1x16xf32>,
        %swap3A_268 = vector.shape_cast %swap3A_267 : vector<1x16xf32> to vector<16xf32>
        %swap3A_269 = vector.shape_cast %add3A_264 : vector<16xf32> to vector<1x16xf32>
        tpu.vector_store %arg8[%swap3A_265, %swap3A_266], %swap3A_269 {strides = array<i32>} : memref<8x256xf32, #tpu.memory_space<vmem>>, vector<1x16xf32>,
        %add3A_270 = arith.constant 0 : i32
        %add3A_271 = arith.addi %mul3A_70, %add3A_270 : i32
        %get3A_272 = arith.index_cast %add3A_271 : i32 to index
        %get3A_273 = arith.constant 48 : index
        %get3A_274 = tpu.vector_load %arg6[%get3A_272, %get3A_273] {strides = array<i32>} : memref<72x256xf32, #tpu.memory_space<vmem>>, vector<1x16xf32>,
        %get3A_275 = vector.shape_cast %get3A_274 : vector<1x16xf32> to vector<16xf32>
        %add3A_276 = arith.constant 1 : i32
        %add3A_277 = arith.addi %mul3A_70, %add3A_276 : i32
        %get3A_278 = arith.index_cast %add3A_277 : i32 to index
        %get3A_279 = arith.constant 48 : index
        %get3A_280 = tpu.vector_load %arg6[%get3A_278, %get3A_279] {strides = array<i32>} : memref<72x256xf32, #tpu.memory_space<vmem>>, vector<1x16xf32>,
        %get3A_281 = vector.shape_cast %get3A_280 : vector<1x16xf32> to vector<16xf32>
        %add3A_282 = arith.addf %get3A_275, %get3A_281 : vector<16xf32>
        %add3A_283 = arith.constant 2 : i32
        %add3A_284 = arith.addi %mul3A_70, %add3A_283 : i32
        %get3A_285 = arith.index_cast %add3A_284 : i32 to index
        %get3A_286 = arith.constant 48 : index
        %get3A_287 = tpu.vector_load %arg6[%get3A_285, %get3A_286] {strides = array<i32>} : memref<72x256xf32, #tpu.memory_space<vmem>>, vector<1x16xf32>,
        %get3A_288 = vector.shape_cast %get3A_287 : vector<1x16xf32> to vector<16xf32>
        %add3A_289 = arith.constant 3 : i32
        %add3A_290 = arith.addi %mul3A_70, %add3A_289 : i32
        %get3A_291 = arith.index_cast %add3A_290 : i32 to index
        %get3A_292 = arith.constant 48 : index
        %get3A_293 = tpu.vector_load %arg6[%get3A_291, %get3A_292] {strides = array<i32>} : memref<72x256xf32, #tpu.memory_space<vmem>>, vector<1x16xf32>,
        %get3A_294 = vector.shape_cast %get3A_293 : vector<1x16xf32> to vector<16xf32>
        %add3A_295 = arith.addf %get3A_288, %get3A_294 : vector<16xf32>
        %add3A_296 = arith.constant 4 : i32
        %add3A_297 = arith.addi %mul3A_70, %add3A_296 : i32
        %get3A_298 = arith.index_cast %add3A_297 : i32 to index
        %get3A_299 = arith.constant 48 : index
        %get3A_300 = tpu.vector_load %arg6[%get3A_298, %get3A_299] {strides = array<i32>} : memref<72x256xf32, #tpu.memory_space<vmem>>, vector<1x16xf32>,
        %get3A_301 = vector.shape_cast %get3A_300 : vector<1x16xf32> to vector<16xf32>
        %add3A_302 = arith.constant 5 : i32
        %add3A_303 = arith.addi %mul3A_70, %add3A_302 : i32
        %get3A_304 = arith.index_cast %add3A_303 : i32 to index
        %get3A_305 = arith.constant 48 : index
        %get3A_306 = tpu.vector_load %arg6[%get3A_304, %get3A_305] {strides = array<i32>} : memref<72x256xf32, #tpu.memory_space<vmem>>, vector<1x16xf32>,
        %get3A_307 = vector.shape_cast %get3A_306 : vector<1x16xf32> to vector<16xf32>
        %add3A_308 = arith.addf %get3A_301, %get3A_307 : vector<16xf32>
        %add3A_309 = arith.constant 6 : i32
        %add3A_310 = arith.addi %mul3A_70, %add3A_309 : i32
        %get3A_311 = arith.index_cast %add3A_310 : i32 to index
        %get3A_312 = arith.constant 48 : index
        %get3A_313 = tpu.vector_load %arg6[%get3A_311, %get3A_312] {strides = array<i32>} : memref<72x256xf32, #tpu.memory_space<vmem>>, vector<1x16xf32>,
        %get3A_314 = vector.shape_cast %get3A_313 : vector<1x16xf32> to vector<16xf32>
        %add3A_315 = arith.constant 7 : i32
        %add3A_316 = arith.addi %mul3A_70, %add3A_315 : i32
        %get3A_317 = arith.index_cast %add3A_316 : i32 to index
        %get3A_318 = arith.constant 48 : index
        %get3A_319 = tpu.vector_load %arg6[%get3A_317, %get3A_318] {strides = array<i32>} : memref<72x256xf32, #tpu.memory_space<vmem>>, vector<1x16xf32>,
        %get3A_320 = vector.shape_cast %get3A_319 : vector<1x16xf32> to vector<16xf32>
        %add3A_321 = arith.addf %get3A_314, %get3A_320 : vector<16xf32>
        %add3A_322 = arith.addf %add3A_282, %add3A_295 : vector<16xf32>
        %add3A_323 = arith.addf %add3A_308, %add3A_321 : vector<16xf32>
        %add3A_324 = arith.addf %add3A_322, %add3A_323 : vector<16xf32>
        %add3A_325 = arith.constant 8 : i32
        %add3A_326 = arith.addi %mul3A_70, %add3A_325 : i32
        %get3A_327 = arith.index_cast %add3A_326 : i32 to index
        %get3A_328 = arith.constant 48 : index
        %get3A_329 = tpu.vector_load %arg6[%get3A_327, %get3A_328] {strides = array<i32>} : memref<72x256xf32, #tpu.memory_space<vmem>>, vector<1x16xf32>,
        %get3A_330 = vector.shape_cast %get3A_329 : vector<1x16xf32> to vector<16xf32>
        %add3A_331 = arith.addf %add3A_324, %get3A_330 : vector<16xf32>
        %swap3A_332 = arith.index_cast %scan3A_67 : i32 to index
        %swap3A_333 = arith.constant 48 : index
        %swap3A_334 = tpu.vector_load %arg8[%swap3A_332, %swap3A_333] {strides = array<i32>} : memref<8x256xf32, #tpu.memory_space<vmem>>, vector<1x16xf32>,
        %swap3A_335 = vector.shape_cast %swap3A_334 : vector<1x16xf32> to vector<16xf32>
        %swap3A_336 = vector.shape_cast %add3A_331 : vector<16xf32> to vector<1x16xf32>
        tpu.vector_store %arg8[%swap3A_332, %swap3A_333], %swap3A_336 {strides = array<i32>} : memref<8x256xf32, #tpu.memory_space<vmem>>, vector<1x16xf32>,
        %add3A_337 = arith.constant 0 : i32
        %add3A_338 = arith.addi %mul3A_70, %add3A_337 : i32
        %get3A_339 = arith.index_cast %add3A_338 : i32 to index
        %get3A_340 = arith.constant 64 : index
        %get3A_341 = tpu.vector_load %arg6[%get3A_339, %get3A_340] {strides = array<i32>} : memref<72x256xf32, #tpu.memory_space<vmem>>, vector<1x16xf32>,
        %get3A_342 = vector.shape_cast %get3A_341 : vector<1x16xf32> to vector<16xf32>
        %add3A_343 = arith.constant 1 : i32
        %add3A_344 = arith.addi %mul3A_70, %add3A_343 : i32
        %get3A_345 = arith.index_cast %add3A_344 : i32 to index
        %get3A_346 = arith.constant 64 : index
        %get3A_347 = tpu.vector_load %arg6[%get3A_345, %get3A_346] {strides = array<i32>} : memref<72x256xf32, #tpu.memory_space<vmem>>, vector<1x16xf32>,
        %get3A_348 = vector.shape_cast %get3A_347 : vector<1x16xf32> to vector<16xf32>
        %add3A_349 = arith.addf %get3A_342, %get3A_348 : vector<16xf32>
        %add3A_350 = arith.constant 2 : i32
        %add3A_351 = arith.addi %mul3A_70, %add3A_350 : i32
        %get3A_352 = arith.index_cast %add3A_351 : i32 to index
        %get3A_353 = arith.constant 64 : index
        %get3A_354 = tpu.vector_load %arg6[%get3A_352, %get3A_353] {strides = array<i32>} : memref<72x256xf32, #tpu.memory_space<vmem>>, vector<1x16xf32>,
        %get3A_355 = vector.shape_cast %get3A_354 : vector<1x16xf32> to vector<16xf32>
        %add3A_356 = arith.constant 3 : i32
        %add3A_357 = arith.addi %mul3A_70, %add3A_356 : i32
        %get3A_358 = arith.index_cast %add3A_357 : i32 to index
        %get3A_359 = arith.constant 64 : index
        %get3A_360 = tpu.vector_load %arg6[%get3A_358, %get3A_359] {strides = array<i32>} : memref<72x256xf32, #tpu.memory_space<vmem>>, vector<1x16xf32>,
        %get3A_361 = vector.shape_cast %get3A_360 : vector<1x16xf32> to vector<16xf32>
        %add3A_362 = arith.addf %get3A_355, %get3A_361 : vector<16xf32>
        %add3A_363 = arith.constant 4 : i32
        %add3A_364 = arith.addi %mul3A_70, %add3A_363 : i32
        %get3A_365 = arith.index_cast %add3A_364 : i32 to index
        %get3A_366 = arith.constant 64 : index
        %get3A_367 = tpu.vector_load %arg6[%get3A_365, %get3A_366] {strides = array<i32>} : memref<72x256xf32, #tpu.memory_space<vmem>>, vector<1x16xf32>,
        %get3A_368 = vector.shape_cast %get3A_367 : vector<1x16xf32> to vector<16xf32>
        %add3A_369 = arith.constant 5 : i32
        %add3A_370 = arith.addi %mul3A_70, %add3A_369 : i32
        %get3A_371 = arith.index_cast %add3A_370 : i32 to index
        %get3A_372 = arith.constant 64 : index
        %get3A_373 = tpu.vector_load %arg6[%get3A_371, %get3A_372] {strides = array<i32>} : memref<72x256xf32, #tpu.memory_space<vmem>>, vector<1x16xf32>,
        %get3A_374 = vector.shape_cast %get3A_373 : vector<1x16xf32> to vector<16xf32>
        %add3A_375 = arith.addf %get3A_368, %get3A_374 : vector<16xf32>
        %add3A_376 = arith.constant 6 : i32
        %add3A_377 = arith.addi %mul3A_70, %add3A_376 : i32
        %get3A_378 = arith.index_cast %add3A_377 : i32 to index
        %get3A_379 = arith.constant 64 : index
        %get3A_380 = tpu.vector_load %arg6[%get3A_378, %get3A_379] {strides = array<i32>} : memref<72x256xf32, #tpu.memory_space<vmem>>, vector<1x16xf32>,
        %get3A_381 = vector.shape_cast %get3A_380 : vector<1x16xf32> to vector<16xf32>
        %add3A_382 = arith.constant 7 : i32
        %add3A_383 = arith.addi %mul3A_70, %add3A_382 : i32
        %get3A_384 = arith.index_cast %add3A_383 : i32 to index
        %get3A_385 = arith.constant 64 : index
        %get3A_386 = tpu.vector_load %arg6[%get3A_384, %get3A_385] {strides = array<i32>} : memref<72x256xf32, #tpu.memory_space<vmem>>, vector<1x16xf32>,
        %get3A_387 = vector.shape_cast %get3A_386 : vector<1x16xf32> to vector<16xf32>
        %add3A_388 = arith.addf %get3A_381, %get3A_387 : vector<16xf32>
        %add3A_389 = arith.addf %add3A_349, %add3A_362 : vector<16xf32>
        %add3A_390 = arith.addf %add3A_375, %add3A_388 : vector<16xf32>
        %add3A_391 = arith.addf %add3A_389, %add3A_390 : vector<16xf32>
        %add3A_392 = arith.constant 8 : i32
        %add3A_393 = arith.addi %mul3A_70, %add3A_392 : i32
        %get3A_394 = arith.index_cast %add3A_393 : i32 to index
        %get3A_395 = arith.constant 64 : index
        %get3A_396 = tpu.vector_load %arg6[%get3A_394, %get3A_395] {strides = array<i32>} : memref<72x256xf32, #tpu.memory_space<vmem>>, vector<1x16xf32>,
        %get3A_397 = vector.shape_cast %get3A_396 : vector<1x16xf32> to vector<16xf32>
        %add3A_398 = arith.addf %add3A_391, %get3A_397 : vector<16xf32>
        %swap3A_399 = arith.index_cast %scan3A_67 : i32 to index
        %swap3A_400 = arith.constant 64 : index
        %swap3A_401 = tpu.vector_load %arg8[%swap3A_399, %swap3A_400] {strides = array<i32>} : memref<8x256xf32, #tpu.memory_space<vmem>>, vector<1x16xf32>,
        %swap3A_402 = vector.shape_cast %swap3A_401 : vector<1x16xf32> to vector<16xf32>
        %swap3A_403 = vector.shape_cast %add3A_398 : vector<16xf32> to vector<1x16xf32>
        tpu.vector_store %arg8[%swap3A_399, %swap3A_400], %swap3A_403 {strides = array<i32>} : memref<8x256xf32, #tpu.memory_space<vmem>>, vector<1x16xf32>,
        %add3A_404 = arith.constant 0 : i32
        %add3A_405 = arith.addi %mul3A_70, %add3A_404 : i32
        %get3A_406 = arith.index_cast %add3A_405 : i32 to index
        %get3A_407 = arith.constant 80 : index
        %get3A_408 = tpu.vector_load %arg6[%get3A_406, %get3A_407] {strides = array<i32>} : memref<72x256xf32, #tpu.memory_space<vmem>>, vector<1x16xf32>,
        %get3A_409 = vector.shape_cast %get3A_408 : vector<1x16xf32> to vector<16xf32>
        %add3A_410 = arith.constant 1 : i32
        %add3A_411 = arith.addi %mul3A_70, %add3A_410 : i32
        %get3A_412 = arith.index_cast %add3A_411 : i32 to index
        %get3A_413 = arith.constant 80 : index
        %get3A_414 = tpu.vector_load %arg6[%get3A_412, %get3A_413] {strides = array<i32>} : memref<72x256xf32, #tpu.memory_space<vmem>>, vector<1x16xf32>,
        %get3A_415 = vector.shape_cast %get3A_414 : vector<1x16xf32> to vector<16xf32>
        %add3A_416 = arith.addf %get3A_409, %get3A_415 : vector<16xf32>
        %add3A_417 = arith.constant 2 : i32
        %add3A_418 = arith.addi %mul3A_70, %add3A_417 : i32
        %get3A_419 = arith.index_cast %add3A_418 : i32 to index
        %get3A_420 = arith.constant 80 : index
        %get3A_421 = tpu.vector_load %arg6[%get3A_419, %get3A_420] {strides = array<i32>} : memref<72x256xf32, #tpu.memory_space<vmem>>, vector<1x16xf32>,
        %get3A_422 = vector.shape_cast %get3A_421 : vector<1x16xf32> to vector<16xf32>
        %add3A_423 = arith.constant 3 : i32
        %add3A_424 = arith.addi %mul3A_70, %add3A_423 : i32
        %get3A_425 = arith.index_cast %add3A_424 : i32 to index
        %get3A_426 = arith.constant 80 : index
        %get3A_427 = tpu.vector_load %arg6[%get3A_425, %get3A_426] {strides = array<i32>} : memref<72x256xf32, #tpu.memory_space<vmem>>, vector<1x16xf32>,
        %get3A_428 = vector.shape_cast %get3A_427 : vector<1x16xf32> to vector<16xf32>
        %add3A_429 = arith.addf %get3A_422, %get3A_428 : vector<16xf32>
        %add3A_430 = arith.constant 4 : i32
        %add3A_431 = arith.addi %mul3A_70, %add3A_430 : i32
        %get3A_432 = arith.index_cast %add3A_431 : i32 to index
        %get3A_433 = arith.constant 80 : index
        %get3A_434 = tpu.vector_load %arg6[%get3A_432, %get3A_433] {strides = array<i32>} : memref<72x256xf32, #tpu.memory_space<vmem>>, vector<1x16xf32>,
        %get3A_435 = vector.shape_cast %get3A_434 : vector<1x16xf32> to vector<16xf32>
        %add3A_436 = arith.constant 5 : i32
        %add3A_437 = arith.addi %mul3A_70, %add3A_436 : i32
        %get3A_438 = arith.index_cast %add3A_437 : i32 to index
        %get3A_439 = arith.constant 80 : index
        %get3A_440 = tpu.vector_load %arg6[%get3A_438, %get3A_439] {strides = array<i32>} : memref<72x256xf32, #tpu.memory_space<vmem>>, vector<1x16xf32>,
        %get3A_441 = vector.shape_cast %get3A_440 : vector<1x16xf32> to vector<16xf32>
        %add3A_442 = arith.addf %get3A_435, %get3A_441 : vector<16xf32>
        %add3A_443 = arith.constant 6 : i32
        %add3A_444 = arith.addi %mul3A_70, %add3A_443 : i32
        %get3A_445 = arith.index_cast %add3A_444 : i32 to index
        %get3A_446 = arith.constant 80 : index
        %get3A_447 = tpu.vector_load %arg6[%get3A_445, %get3A_446] {strides = array<i32>} : memref<72x256xf32, #tpu.memory_space<vmem>>, vector<1x16xf32>,
        %get3A_448 = vector.shape_cast %get3A_447 : vector<1x16xf32> to vector<16xf32>
        %add3A_449 = arith.constant 7 : i32
        %add3A_450 = arith.addi %mul3A_70, %add3A_449 : i32
        %get3A_451 = arith.index_cast %add3A_450 : i32 to index
        %get3A_452 = arith.constant 80 : index
        %get3A_453 = tpu.vector_load %arg6[%get3A_451, %get3A_452] {strides = array<i32>} : memref<72x256xf32, #tpu.memory_space<vmem>>, vector<1x16xf32>,
        %get3A_454 = vector.shape_cast %get3A_453 : vector<1x16xf32> to vector<16xf32>
        %add3A_455 = arith.addf %get3A_448, %get3A_454 : vector<16xf32>
        %add3A_456 = arith.addf %add3A_416, %add3A_429 : vector<16xf32>
        %add3A_457 = arith.addf %add3A_442, %add3A_455 : vector<16xf32>
        %add3A_458 = arith.addf %add3A_456, %add3A_457 : vector<16xf32>
        %add3A_459 = arith.constant 8 : i32
        %add3A_460 = arith.addi %mul3A_70, %add3A_459 : i32
        %get3A_461 = arith.index_cast %add3A_460 : i32 to index
        %get3A_462 = arith.constant 80 : index
        %get3A_463 = tpu.vector_load %arg6[%get3A_461, %get3A_462] {strides = array<i32>} : memref<72x256xf32, #tpu.memory_space<vmem>>, vector<1x16xf32>,
        %get3A_464 = vector.shape_cast %get3A_463 : vector<1x16xf32> to vector<16xf32>
        %add3A_465 = arith.addf %add3A_458, %get3A_464 : vector<16xf32>
        %swap3A_466 = arith.index_cast %scan3A_67 : i32 to index
        %swap3A_467 = arith.constant 80 : index
        %swap3A_468 = tpu.vector_load %arg8[%swap3A_466, %swap3A_467] {strides = array<i32>} : memref<8x256xf32, #tpu.memory_space<vmem>>, vector<1x16xf32>,
        %swap3A_469 = vector.shape_cast %swap3A_468 : vector<1x16xf32> to vector<16xf32>
        %swap3A_470 = vector.shape_cast %add3A_465 : vector<16xf32> to vector<1x16xf32>
        tpu.vector_store %arg8[%swap3A_466, %swap3A_467], %swap3A_470 {strides = array<i32>} : memref<8x256xf32, #tpu.memory_space<vmem>>, vector<1x16xf32>,
        %add3A_471 = arith.constant 0 : i32
        %add3A_472 = arith.addi %mul3A_70, %add3A_471 : i32
        %get3A_473 = arith.index_cast %add3A_472 : i32 to index
        %get3A_474 = arith.constant 96 : index
        %get3A_475 = tpu.vector_load %arg6[%get3A_473, %get3A_474] {strides = array<i32>} : memref<72x256xf32, #tpu.memory_space<vmem>>, vector<1x16xf32>,
        %get3A_476 = vector.shape_cast %get3A_475 : vector<1x16xf32> to vector<16xf32>
        %add3A_477 = arith.constant 1 : i32
        %add3A_478 = arith.addi %mul3A_70, %add3A_477 : i32
        %get3A_479 = arith.index_cast %add3A_478 : i32 to index
        %get3A_480 = arith.constant 96 : index
        %get3A_481 = tpu.vector_load %arg6[%get3A_479, %get3A_480] {strides = array<i32>} : memref<72x256xf32, #tpu.memory_space<vmem>>, vector<1x16xf32>,
        %get3A_482 = vector.shape_cast %get3A_481 : vector<1x16xf32> to vector<16xf32>
        %add3A_483 = arith.addf %get3A_476, %get3A_482 : vector<16xf32>
        %add3A_484 = arith.constant 2 : i32
        %add3A_485 = arith.addi %mul3A_70, %add3A_484 : i32
        %get3A_486 = arith.index_cast %add3A_485 : i32 to index
        %get3A_487 = arith.constant 96 : index
        %get3A_488 = tpu.vector_load %arg6[%get3A_486, %get3A_487] {strides = array<i32>} : memref<72x256xf32, #tpu.memory_space<vmem>>, vector<1x16xf32>,
        %get3A_489 = vector.shape_cast %get3A_488 : vector<1x16xf32> to vector<16xf32>
        %add3A_490 = arith.constant 3 : i32
        %add3A_491 = arith.addi %mul3A_70, %add3A_490 : i32
        %get3A_492 = arith.index_cast %add3A_491 : i32 to index
        %get3A_493 = arith.constant 96 : index
        %get3A_494 = tpu.vector_load %arg6[%get3A_492, %get3A_493] {strides = array<i32>} : memref<72x256xf32, #tpu.memory_space<vmem>>, vector<1x16xf32>,
        %get3A_495 = vector.shape_cast %get3A_494 : vector<1x16xf32> to vector<16xf32>
        %add3A_496 = arith.addf %get3A_489, %get3A_495 : vector<16xf32>
        %add3A_497 = arith.constant 4 : i32
        %add3A_498 = arith.addi %mul3A_70, %add3A_497 : i32
        %get3A_499 = arith.index_cast %add3A_498 : i32 to index
        %get3A_500 = arith.constant 96 : index
        %get3A_501 = tpu.vector_load %arg6[%get3A_499, %get3A_500] {strides = array<i32>} : memref<72x256xf32, #tpu.memory_space<vmem>>, vector<1x16xf32>,
        %get3A_502 = vector.shape_cast %get3A_501 : vector<1x16xf32> to vector<16xf32>
        %add3A_503 = arith.constant 5 : i32
        %add3A_504 = arith.addi %mul3A_70, %add3A_503 : i32
        %get3A_505 = arith.index_cast %add3A_504 : i32 to index
        %get3A_506 = arith.constant 96 : index
        %get3A_507 = tpu.vector_load %arg6[%get3A_505, %get3A_506] {strides = array<i32>} : memref<72x256xf32, #tpu.memory_space<vmem>>, vector<1x16xf32>,
        %get3A_508 = vector.shape_cast %get3A_507 : vector<1x16xf32> to vector<16xf32>
        %add3A_509 = arith.addf %get3A_502, %get3A_508 : vector<16xf32>
        %add3A_510 = arith.constant 6 : i32
        %add3A_511 = arith.addi %mul3A_70, %add3A_510 : i32
        %get3A_512 = arith.index_cast %add3A_511 : i32 to index
        %get3A_513 = arith.constant 96 : index
        %get3A_514 = tpu.vector_load %arg6[%get3A_512, %get3A_513] {strides = array<i32>} : memref<72x256xf32, #tpu.memory_space<vmem>>, vector<1x16xf32>,
        %get3A_515 = vector.shape_cast %get3A_514 : vector<1x16xf32> to vector<16xf32>
        %add3A_516 = arith.constant 7 : i32
        %add3A_517 = arith.addi %mul3A_70, %add3A_516 : i32
        %get3A_518 = arith.index_cast %add3A_517 : i32 to index
        %get3A_519 = arith.constant 96 : index
        %get3A_520 = tpu.vector_load %arg6[%get3A_518, %get3A_519] {strides = array<i32>} : memref<72x256xf32, #tpu.memory_space<vmem>>, vector<1x16xf32>,
        %get3A_521 = vector.shape_cast %get3A_520 : vector<1x16xf32> to vector<16xf32>
        %add3A_522 = arith.addf %get3A_515, %get3A_521 : vector<16xf32>
        %add3A_523 = arith.addf %add3A_483, %add3A_496 : vector<16xf32>
        %add3A_524 = arith.addf %add3A_509, %add3A_522 : vector<16xf32>
        %add3A_525 = arith.addf %add3A_523, %add3A_524 : vector<16xf32>
        %add3A_526 = arith.constant 8 : i32
        %add3A_527 = arith.addi %mul3A_70, %add3A_526 : i32
        %get3A_528 = arith.index_cast %add3A_527 : i32 to index
        %get3A_529 = arith.constant 96 : index
        %get3A_530 = tpu.vector_load %arg6[%get3A_528, %get3A_529] {strides = array<i32>} : memref<72x256xf32, #tpu.memory_space<vmem>>, vector<1x16xf32>,
        %get3A_531 = vector.shape_cast %get3A_530 : vector<1x16xf32> to vector<16xf32>
        %add3A_532 = arith.addf %add3A_525, %get3A_531 : vector<16xf32>
        %swap3A_533 = arith.index_cast %scan3A_67 : i32 to index
        %swap3A_534 = arith.constant 96 : index
        %swap3A_535 = tpu.vector_load %arg8[%swap3A_533, %swap3A_534] {strides = array<i32>} : memref<8x256xf32, #tpu.memory_space<vmem>>, vector<1x16xf32>,
        %swap3A_536 = vector.shape_cast %swap3A_535 : vector<1x16xf32> to vector<16xf32>
        %swap3A_537 = vector.shape_cast %add3A_532 : vector<16xf32> to vector<1x16xf32>
        tpu.vector_store %arg8[%swap3A_533, %swap3A_534], %swap3A_537 {strides = array<i32>} : memref<8x256xf32, #tpu.memory_space<vmem>>, vector<1x16xf32>,
        %add3A_538 = arith.constant 0 : i32
        %add3A_539 = arith.addi %mul3A_70, %add3A_538 : i32
        %get3A_540 = arith.index_cast %add3A_539 : i32 to index
        %get3A_541 = arith.constant 112 : index
        %get3A_542 = tpu.vector_load %arg6[%get3A_540, %get3A_541] {strides = array<i32>} : memref<72x256xf32, #tpu.memory_space<vmem>>, vector<1x16xf32>,
        %get3A_543 = vector.shape_cast %get3A_542 : vector<1x16xf32> to vector<16xf32>
        %add3A_544 = arith.constant 1 : i32
        %add3A_545 = arith.addi %mul3A_70, %add3A_544 : i32
        %get3A_546 = arith.index_cast %add3A_545 : i32 to index
        %get3A_547 = arith.constant 112 : index
        %get3A_548 = tpu.vector_load %arg6[%get3A_546, %get3A_547] {strides = array<i32>} : memref<72x256xf32, #tpu.memory_space<vmem>>, vector<1x16xf32>,
        %get3A_549 = vector.shape_cast %get3A_548 : vector<1x16xf32> to vector<16xf32>
        %add3A_550 = arith.addf %get3A_543, %get3A_549 : vector<16xf32>
        %add3A_551 = arith.constant 2 : i32
        %add3A_552 = arith.addi %mul3A_70, %add3A_551 : i32
        %get3A_553 = arith.index_cast %add3A_552 : i32 to index
        %get3A_554 = arith.constant 112 : index
        %get3A_555 = tpu.vector_load %arg6[%get3A_553, %get3A_554] {strides = array<i32>} : memref<72x256xf32, #tpu.memory_space<vmem>>, vector<1x16xf32>,
        %get3A_556 = vector.shape_cast %get3A_555 : vector<1x16xf32> to vector<16xf32>
        %add3A_557 = arith.constant 3 : i32
        %add3A_558 = arith.addi %mul3A_70, %add3A_557 : i32
        %get3A_559 = arith.index_cast %add3A_558 : i32 to index
        %get3A_560 = arith.constant 112 : index
        %get3A_561 = tpu.vector_load %arg6[%get3A_559, %get3A_560] {strides = array<i32>} : memref<72x256xf32, #tpu.memory_space<vmem>>, vector<1x16xf32>,
        %get3A_562 = vector.shape_cast %get3A_561 : vector<1x16xf32> to vector<16xf32>
        %add3A_563 = arith.addf %get3A_556, %get3A_562 : vector<16xf32>
        %add3A_564 = arith.constant 4 : i32
        %add3A_565 = arith.addi %mul3A_70, %add3A_564 : i32
        %get3A_566 = arith.index_cast %add3A_565 : i32 to index
        %get3A_567 = arith.constant 112 : index
        %get3A_568 = tpu.vector_load %arg6[%get3A_566, %get3A_567] {strides = array<i32>} : memref<72x256xf32, #tpu.memory_space<vmem>>, vector<1x16xf32>,
        %get3A_569 = vector.shape_cast %get3A_568 : vector<1x16xf32> to vector<16xf32>
        %add3A_570 = arith.constant 5 : i32
        %add3A_571 = arith.addi %mul3A_70, %add3A_570 : i32
        %get3A_572 = arith.index_cast %add3A_571 : i32 to index
        %get3A_573 = arith.constant 112 : index
        %get3A_574 = tpu.vector_load %arg6[%get3A_572, %get3A_573] {strides = array<i32>} : memref<72x256xf32, #tpu.memory_space<vmem>>, vector<1x16xf32>,
        %get3A_575 = vector.shape_cast %get3A_574 : vector<1x16xf32> to vector<16xf32>
        %add3A_576 = arith.addf %get3A_569, %get3A_575 : vector<16xf32>
        %add3A_577 = arith.constant 6 : i32
        %add3A_578 = arith.addi %mul3A_70, %add3A_577 : i32
        %get3A_579 = arith.index_cast %add3A_578 : i32 to index
        %get3A_580 = arith.constant 112 : index
        %get3A_581 = tpu.vector_load %arg6[%get3A_579, %get3A_580] {strides = array<i32>} : memref<72x256xf32, #tpu.memory_space<vmem>>, vector<1x16xf32>,
        %get3A_582 = vector.shape_cast %get3A_581 : vector<1x16xf32> to vector<16xf32>
        %add3A_583 = arith.constant 7 : i32
        %add3A_584 = arith.addi %mul3A_70, %add3A_583 : i32
        %get3A_585 = arith.index_cast %add3A_584 : i32 to index
        %get3A_586 = arith.constant 112 : index
        %get3A_587 = tpu.vector_load %arg6[%get3A_585, %get3A_586] {strides = array<i32>} : memref<72x256xf32, #tpu.memory_space<vmem>>, vector<1x16xf32>,
        %get3A_588 = vector.shape_cast %get3A_587 : vector<1x16xf32> to vector<16xf32>
        %add3A_589 = arith.addf %get3A_582, %get3A_588 : vector<16xf32>
        %add3A_590 = arith.addf %add3A_550, %add3A_563 : vector<16xf32>
        %add3A_591 = arith.addf %add3A_576, %add3A_589 : vector<16xf32>
        %add3A_592 = arith.addf %add3A_590, %add3A_591 : vector<16xf32>
        %add3A_593 = arith.constant 8 : i32
        %add3A_594 = arith.addi %mul3A_70, %add3A_593 : i32
        %get3A_595 = arith.index_cast %add3A_594 : i32 to index
        %get3A_596 = arith.constant 112 : index
        %get3A_597 = tpu.vector_load %arg6[%get3A_595, %get3A_596] {strides = array<i32>} : memref<72x256xf32, #tpu.memory_space<vmem>>, vector<1x16xf32>,
        %get3A_598 = vector.shape_cast %get3A_597 : vector<1x16xf32> to vector<16xf32>
        %add3A_599 = arith.addf %add3A_592, %get3A_598 : vector<16xf32>
        %swap3A_600 = arith.index_cast %scan3A_67 : i32 to index
        %swap3A_601 = arith.constant 112 : index
        %swap3A_602 = tpu.vector_load %arg8[%swap3A_600, %swap3A_601] {strides = array<i32>} : memref<8x256xf32, #tpu.memory_space<vmem>>, vector<1x16xf32>,
        %swap3A_603 = vector.shape_cast %swap3A_602 : vector<1x16xf32> to vector<16xf32>
        %swap3A_604 = vector.shape_cast %add3A_599 : vector<16xf32> to vector<1x16xf32>
        tpu.vector_store %arg8[%swap3A_600, %swap3A_601], %swap3A_604 {strides = array<i32>} : memref<8x256xf32, #tpu.memory_space<vmem>>, vector<1x16xf32>,
        %add3A_605 = arith.constant 0 : i32
        %add3A_606 = arith.addi %mul3A_70, %add3A_605 : i32
        %get3A_607 = arith.index_cast %add3A_606 : i32 to index
        %get3A_608 = arith.constant 128 : index
        %get3A_609 = tpu.vector_load %arg6[%get3A_607, %get3A_608] {strides = array<i32>} : memref<72x256xf32, #tpu.memory_space<vmem>>, vector<1x16xf32>,
        %get3A_610 = vector.shape_cast %get3A_609 : vector<1x16xf32> to vector<16xf32>
        %add3A_611 = arith.constant 1 : i32
        %add3A_612 = arith.addi %mul3A_70, %add3A_611 : i32
        %get3A_613 = arith.index_cast %add3A_612 : i32 to index
        %get3A_614 = arith.constant 128 : index
        %get3A_615 = tpu.vector_load %arg6[%get3A_613, %get3A_614] {strides = array<i32>} : memref<72x256xf32, #tpu.memory_space<vmem>>, vector<1x16xf32>,
        %get3A_616 = vector.shape_cast %get3A_615 : vector<1x16xf32> to vector<16xf32>
        %add3A_617 = arith.addf %get3A_610, %get3A_616 : vector<16xf32>
        %add3A_618 = arith.constant 2 : i32
        %add3A_619 = arith.addi %mul3A_70, %add3A_618 : i32
        %get3A_620 = arith.index_cast %add3A_619 : i32 to index
        %get3A_621 = arith.constant 128 : index
        %get3A_622 = tpu.vector_load %arg6[%get3A_620, %get3A_621] {strides = array<i32>} : memref<72x256xf32, #tpu.memory_space<vmem>>, vector<1x16xf32>,
        %get3A_623 = vector.shape_cast %get3A_622 : vector<1x16xf32> to vector<16xf32>
        %add3A_624 = arith.constant 3 : i32
        %add3A_625 = arith.addi %mul3A_70, %add3A_624 : i32
        %get3A_626 = arith.index_cast %add3A_625 : i32 to index
        %get3A_627 = arith.constant 128 : index
        %get3A_628 = tpu.vector_load %arg6[%get3A_626, %get3A_627] {strides = array<i32>} : memref<72x256xf32, #tpu.memory_space<vmem>>, vector<1x16xf32>,
        %get3A_629 = vector.shape_cast %get3A_628 : vector<1x16xf32> to vector<16xf32>
        %add3A_630 = arith.addf %get3A_623, %get3A_629 : vector<16xf32>
        %add3A_631 = arith.constant 4 : i32
        %add3A_632 = arith.addi %mul3A_70, %add3A_631 : i32
        %get3A_633 = arith.index_cast %add3A_632 : i32 to index
        %get3A_634 = arith.constant 128 : index
        %get3A_635 = tpu.vector_load %arg6[%get3A_633, %get3A_634] {strides = array<i32>} : memref<72x256xf32, #tpu.memory_space<vmem>>, vector<1x16xf32>,
        %get3A_636 = vector.shape_cast %get3A_635 : vector<1x16xf32> to vector<16xf32>
        %add3A_637 = arith.constant 5 : i32
        %add3A_638 = arith.addi %mul3A_70, %add3A_637 : i32
        %get3A_639 = arith.index_cast %add3A_638 : i32 to index
        %get3A_640 = arith.constant 128 : index
        %get3A_641 = tpu.vector_load %arg6[%get3A_639, %get3A_640] {strides = array<i32>} : memref<72x256xf32, #tpu.memory_space<vmem>>, vector<1x16xf32>,
        %get3A_642 = vector.shape_cast %get3A_641 : vector<1x16xf32> to vector<16xf32>
        %add3A_643 = arith.addf %get3A_636, %get3A_642 : vector<16xf32>
        %add3A_644 = arith.constant 6 : i32
        %add3A_645 = arith.addi %mul3A_70, %add3A_644 : i32
        %get3A_646 = arith.index_cast %add3A_645 : i32 to index
        %get3A_647 = arith.constant 128 : index
        %get3A_648 = tpu.vector_load %arg6[%get3A_646, %get3A_647] {strides = array<i32>} : memref<72x256xf32, #tpu.memory_space<vmem>>, vector<1x16xf32>,
        %get3A_649 = vector.shape_cast %get3A_648 : vector<1x16xf32> to vector<16xf32>
        %add3A_650 = arith.constant 7 : i32
        %add3A_651 = arith.addi %mul3A_70, %add3A_650 : i32
        %get3A_652 = arith.index_cast %add3A_651 : i32 to index
        %get3A_653 = arith.constant 128 : index
        %get3A_654 = tpu.vector_load %arg6[%get3A_652, %get3A_653] {strides = array<i32>} : memref<72x256xf32, #tpu.memory_space<vmem>>, vector<1x16xf32>,
        %get3A_655 = vector.shape_cast %get3A_654 : vector<1x16xf32> to vector<16xf32>
        %add3A_656 = arith.addf %get3A_649, %get3A_655 : vector<16xf32>
        %add3A_657 = arith.addf %add3A_617, %add3A_630 : vector<16xf32>
        %add3A_658 = arith.addf %add3A_643, %add3A_656 : vector<16xf32>
        %add3A_659 = arith.addf %add3A_657, %add3A_658 : vector<16xf32>
        %add3A_660 = arith.constant 8 : i32
        %add3A_661 = arith.addi %mul3A_70, %add3A_660 : i32
        %get3A_662 = arith.index_cast %add3A_661 : i32 to index
        %get3A_663 = arith.constant 128 : index
        %get3A_664 = tpu.vector_load %arg6[%get3A_662, %get3A_663] {strides = array<i32>} : memref<72x256xf32, #tpu.memory_space<vmem>>, vector<1x16xf32>,
        %get3A_665 = vector.shape_cast %get3A_664 : vector<1x16xf32> to vector<16xf32>
        %add3A_666 = arith.addf %add3A_659, %get3A_665 : vector<16xf32>
        %swap3A_667 = arith.index_cast %scan3A_67 : i32 to index
        %swap3A_668 = arith.constant 128 : index
        %swap3A_669 = tpu.vector_load %arg8[%swap3A_667, %swap3A_668] {strides = array<i32>} : memref<8x256xf32, #tpu.memory_space<vmem>>, vector<1x16xf32>,
        %swap3A_670 = vector.shape_cast %swap3A_669 : vector<1x16xf32> to vector<16xf32>
        %swap3A_671 = vector.shape_cast %add3A_666 : vector<16xf32> to vector<1x16xf32>
        tpu.vector_store %arg8[%swap3A_667, %swap3A_668], %swap3A_671 {strides = array<i32>} : memref<8x256xf32, #tpu.memory_space<vmem>>, vector<1x16xf32>,
        %add3A_672 = arith.constant 0 : i32
        %add3A_673 = arith.addi %mul3A_70, %add3A_672 : i32
        %get3A_674 = arith.index_cast %add3A_673 : i32 to index
        %get3A_675 = arith.constant 144 : index
        %get3A_676 = tpu.vector_load %arg6[%get3A_674, %get3A_675] {strides = array<i32>} : memref<72x256xf32, #tpu.memory_space<vmem>>, vector<1x16xf32>,
        %get3A_677 = vector.shape_cast %get3A_676 : vector<1x16xf32> to vector<16xf32>
        %add3A_678 = arith.constant 1 : i32
        %add3A_679 = arith.addi %mul3A_70, %add3A_678 : i32
        %get3A_680 = arith.index_cast %add3A_679 : i32 to index
        %get3A_681 = arith.constant 144 : index
        %get3A_682 = tpu.vector_load %arg6[%get3A_680, %get3A_681] {strides = array<i32>} : memref<72x256xf32, #tpu.memory_space<vmem>>, vector<1x16xf32>,
        %get3A_683 = vector.shape_cast %get3A_682 : vector<1x16xf32> to vector<16xf32>
        %add3A_684 = arith.addf %get3A_677, %get3A_683 : vector<16xf32>
        %add3A_685 = arith.constant 2 : i32
        %add3A_686 = arith.addi %mul3A_70, %add3A_685 : i32
        %get3A_687 = arith.index_cast %add3A_686 : i32 to index
        %get3A_688 = arith.constant 144 : index
        %get3A_689 = tpu.vector_load %arg6[%get3A_687, %get3A_688] {strides = array<i32>} : memref<72x256xf32, #tpu.memory_space<vmem>>, vector<1x16xf32>,
        %get3A_690 = vector.shape_cast %get3A_689 : vector<1x16xf32> to vector<16xf32>
        %add3A_691 = arith.constant 3 : i32
        %add3A_692 = arith.addi %mul3A_70, %add3A_691 : i32
        %get3A_693 = arith.index_cast %add3A_692 : i32 to index
        %get3A_694 = arith.constant 144 : index
        %get3A_695 = tpu.vector_load %arg6[%get3A_693, %get3A_694] {strides = array<i32>} : memref<72x256xf32, #tpu.memory_space<vmem>>, vector<1x16xf32>,
        %get3A_696 = vector.shape_cast %get3A_695 : vector<1x16xf32> to vector<16xf32>
        %add3A_697 = arith.addf %get3A_690, %get3A_696 : vector<16xf32>
        %add3A_698 = arith.constant 4 : i32
        %add3A_699 = arith.addi %mul3A_70, %add3A_698 : i32
        %get3A_700 = arith.index_cast %add3A_699 : i32 to index
        %get3A_701 = arith.constant 144 : index
        %get3A_702 = tpu.vector_load %arg6[%get3A_700, %get3A_701] {strides = array<i32>} : memref<72x256xf32, #tpu.memory_space<vmem>>, vector<1x16xf32>,
        %get3A_703 = vector.shape_cast %get3A_702 : vector<1x16xf32> to vector<16xf32>
        %add3A_704 = arith.constant 5 : i32
        %add3A_705 = arith.addi %mul3A_70, %add3A_704 : i32
        %get3A_706 = arith.index_cast %add3A_705 : i32 to index
        %get3A_707 = arith.constant 144 : index
        %get3A_708 = tpu.vector_load %arg6[%get3A_706, %get3A_707] {strides = array<i32>} : memref<72x256xf32, #tpu.memory_space<vmem>>, vector<1x16xf32>,
        %get3A_709 = vector.shape_cast %get3A_708 : vector<1x16xf32> to vector<16xf32>
        %add3A_710 = arith.addf %get3A_703, %get3A_709 : vector<16xf32>
        %add3A_711 = arith.constant 6 : i32
        %add3A_712 = arith.addi %mul3A_70, %add3A_711 : i32
        %get3A_713 = arith.index_cast %add3A_712 : i32 to index
        %get3A_714 = arith.constant 144 : index
        %get3A_715 = tpu.vector_load %arg6[%get3A_713, %get3A_714] {strides = array<i32>} : memref<72x256xf32, #tpu.memory_space<vmem>>, vector<1x16xf32>,
        %get3A_716 = vector.shape_cast %get3A_715 : vector<1x16xf32> to vector<16xf32>
        %add3A_717 = arith.constant 7 : i32
        %add3A_718 = arith.addi %mul3A_70, %add3A_717 : i32
        %get3A_719 = arith.index_cast %add3A_718 : i32 to index
        %get3A_720 = arith.constant 144 : index
        %get3A_721 = tpu.vector_load %arg6[%get3A_719, %get3A_720] {strides = array<i32>} : memref<72x256xf32, #tpu.memory_space<vmem>>, vector<1x16xf32>,
        %get3A_722 = vector.shape_cast %get3A_721 : vector<1x16xf32> to vector<16xf32>
        %add3A_723 = arith.addf %get3A_716, %get3A_722 : vector<16xf32>
        %add3A_724 = arith.addf %add3A_684, %add3A_697 : vector<16xf32>
        %add3A_725 = arith.addf %add3A_710, %add3A_723 : vector<16xf32>
        %add3A_726 = arith.addf %add3A_724, %add3A_725 : vector<16xf32>
        %add3A_727 = arith.constant 8 : i32
        %add3A_728 = arith.addi %mul3A_70, %add3A_727 : i32
        %get3A_729 = arith.index_cast %add3A_728 : i32 to index
        %get3A_730 = arith.constant 144 : index
        %get3A_731 = tpu.vector_load %arg6[%get3A_729, %get3A_730] {strides = array<i32>} : memref<72x256xf32, #tpu.memory_space<vmem>>, vector<1x16xf32>,
        %get3A_732 = vector.shape_cast %get3A_731 : vector<1x16xf32> to vector<16xf32>
        %add3A_733 = arith.addf %add3A_726, %get3A_732 : vector<16xf32>
        %swap3A_734 = arith.index_cast %scan3A_67 : i32 to index
        %swap3A_735 = arith.constant 144 : index
        %swap3A_736 = tpu.vector_load %arg8[%swap3A_734, %swap3A_735] {strides = array<i32>} : memref<8x256xf32, #tpu.memory_space<vmem>>, vector<1x16xf32>,
        %swap3A_737 = vector.shape_cast %swap3A_736 : vector<1x16xf32> to vector<16xf32>
        %swap3A_738 = vector.shape_cast %add3A_733 : vector<16xf32> to vector<1x16xf32>
        tpu.vector_store %arg8[%swap3A_734, %swap3A_735], %swap3A_738 {strides = array<i32>} : memref<8x256xf32, #tpu.memory_space<vmem>>, vector<1x16xf32>,
        %add3A_739 = arith.constant 0 : i32
        %add3A_740 = arith.addi %mul3A_70, %add3A_739 : i32
        %get3A_741 = arith.index_cast %add3A_740 : i32 to index
        %get3A_742 = arith.constant 160 : index
        %get3A_743 = tpu.vector_load %arg6[%get3A_741, %get3A_742] {strides = array<i32>} : memref<72x256xf32, #tpu.memory_space<vmem>>, vector<1x16xf32>,
        %get3A_744 = vector.shape_cast %get3A_743 : vector<1x16xf32> to vector<16xf32>
        %add3A_745 = arith.constant 1 : i32
        %add3A_746 = arith.addi %mul3A_70, %add3A_745 : i32
        %get3A_747 = arith.index_cast %add3A_746 : i32 to index
        %get3A_748 = arith.constant 160 : index
        %get3A_749 = tpu.vector_load %arg6[%get3A_747, %get3A_748] {strides = array<i32>} : memref<72x256xf32, #tpu.memory_space<vmem>>, vector<1x16xf32>,
        %get3A_750 = vector.shape_cast %get3A_749 : vector<1x16xf32> to vector<16xf32>
        %add3A_751 = arith.addf %get3A_744, %get3A_750 : vector<16xf32>
        %add3A_752 = arith.constant 2 : i32
        %add3A_753 = arith.addi %mul3A_70, %add3A_752 : i32
        %get3A_754 = arith.index_cast %add3A_753 : i32 to index
        %get3A_755 = arith.constant 160 : index
        %get3A_756 = tpu.vector_load %arg6[%get3A_754, %get3A_755] {strides = array<i32>} : memref<72x256xf32, #tpu.memory_space<vmem>>, vector<1x16xf32>,
        %get3A_757 = vector.shape_cast %get3A_756 : vector<1x16xf32> to vector<16xf32>
        %add3A_758 = arith.constant 3 : i32
        %add3A_759 = arith.addi %mul3A_70, %add3A_758 : i32
        %get3A_760 = arith.index_cast %add3A_759 : i32 to index
        %get3A_761 = arith.constant 160 : index
        %get3A_762 = tpu.vector_load %arg6[%get3A_760, %get3A_761] {strides = array<i32>} : memref<72x256xf32, #tpu.memory_space<vmem>>, vector<1x16xf32>,
        %get3A_763 = vector.shape_cast %get3A_762 : vector<1x16xf32> to vector<16xf32>
        %add3A_764 = arith.addf %get3A_757, %get3A_763 : vector<16xf32>
        %add3A_765 = arith.constant 4 : i32
        %add3A_766 = arith.addi %mul3A_70, %add3A_765 : i32
        %get3A_767 = arith.index_cast %add3A_766 : i32 to index
        %get3A_768 = arith.constant 160 : index
        %get3A_769 = tpu.vector_load %arg6[%get3A_767, %get3A_768] {strides = array<i32>} : memref<72x256xf32, #tpu.memory_space<vmem>>, vector<1x16xf32>,
        %get3A_770 = vector.shape_cast %get3A_769 : vector<1x16xf32> to vector<16xf32>
        %add3A_771 = arith.constant 5 : i32
        %add3A_772 = arith.addi %mul3A_70, %add3A_771 : i32
        %get3A_773 = arith.index_cast %add3A_772 : i32 to index
        %get3A_774 = arith.constant 160 : index
        %get3A_775 = tpu.vector_load %arg6[%get3A_773, %get3A_774] {strides = array<i32>} : memref<72x256xf32, #tpu.memory_space<vmem>>, vector<1x16xf32>,
        %get3A_776 = vector.shape_cast %get3A_775 : vector<1x16xf32> to vector<16xf32>
        %add3A_777 = arith.addf %get3A_770, %get3A_776 : vector<16xf32>
        %add3A_778 = arith.constant 6 : i32
        %add3A_779 = arith.addi %mul3A_70, %add3A_778 : i32
        %get3A_780 = arith.index_cast %add3A_779 : i32 to index
        %get3A_781 = arith.constant 160 : index
        %get3A_782 = tpu.vector_load %arg6[%get3A_780, %get3A_781] {strides = array<i32>} : memref<72x256xf32, #tpu.memory_space<vmem>>, vector<1x16xf32>,
        %get3A_783 = vector.shape_cast %get3A_782 : vector<1x16xf32> to vector<16xf32>
        %add3A_784 = arith.constant 7 : i32
        %add3A_785 = arith.addi %mul3A_70, %add3A_784 : i32
        %get3A_786 = arith.index_cast %add3A_785 : i32 to index
        %get3A_787 = arith.constant 160 : index
        %get3A_788 = tpu.vector_load %arg6[%get3A_786, %get3A_787] {strides = array<i32>} : memref<72x256xf32, #tpu.memory_space<vmem>>, vector<1x16xf32>,
        %get3A_789 = vector.shape_cast %get3A_788 : vector<1x16xf32> to vector<16xf32>
        %add3A_790 = arith.addf %get3A_783, %get3A_789 : vector<16xf32>
        %add3A_791 = arith.addf %add3A_751, %add3A_764 : vector<16xf32>
        %add3A_792 = arith.addf %add3A_777, %add3A_790 : vector<16xf32>
        %add3A_793 = arith.addf %add3A_791, %add3A_792 : vector<16xf32>
        %add3A_794 = arith.constant 8 : i32
        %add3A_795 = arith.addi %mul3A_70, %add3A_794 : i32
        %get3A_796 = arith.index_cast %add3A_795 : i32 to index
        %get3A_797 = arith.constant 160 : index
        %get3A_798 = tpu.vector_load %arg6[%get3A_796, %get3A_797] {strides = array<i32>} : memref<72x256xf32, #tpu.memory_space<vmem>>, vector<1x16xf32>,
        %get3A_799 = vector.shape_cast %get3A_798 : vector<1x16xf32> to vector<16xf32>
        %add3A_800 = arith.addf %add3A_793, %get3A_799 : vector<16xf32>
        %swap3A_801 = arith.index_cast %scan3A_67 : i32 to index
        %swap3A_802 = arith.constant 160 : index
        %swap3A_803 = tpu.vector_load %arg8[%swap3A_801, %swap3A_802] {strides = array<i32>} : memref<8x256xf32, #tpu.memory_space<vmem>>, vector<1x16xf32>,
        %swap3A_804 = vector.shape_cast %swap3A_803 : vector<1x16xf32> to vector<16xf32>
        %swap3A_805 = vector.shape_cast %add3A_800 : vector<16xf32> to vector<1x16xf32>
        tpu.vector_store %arg8[%swap3A_801, %swap3A_802], %swap3A_805 {strides = array<i32>} : memref<8x256xf32, #tpu.memory_space<vmem>>, vector<1x16xf32>,
        %add3A_806 = arith.constant 0 : i32
        %add3A_807 = arith.addi %mul3A_70, %add3A_806 : i32
        %get3A_808 = arith.index_cast %add3A_807 : i32 to index
        %get3A_809 = arith.constant 176 : index
        %get3A_810 = tpu.vector_load %arg6[%get3A_808, %get3A_809] {strides = array<i32>} : memref<72x256xf32, #tpu.memory_space<vmem>>, vector<1x16xf32>,
        %get3A_811 = vector.shape_cast %get3A_810 : vector<1x16xf32> to vector<16xf32>
        %add3A_812 = arith.constant 1 : i32
        %add3A_813 = arith.addi %mul3A_70, %add3A_812 : i32
        %get3A_814 = arith.index_cast %add3A_813 : i32 to index
        %get3A_815 = arith.constant 176 : index
        %get3A_816 = tpu.vector_load %arg6[%get3A_814, %get3A_815] {strides = array<i32>} : memref<72x256xf32, #tpu.memory_space<vmem>>, vector<1x16xf32>,
        %get3A_817 = vector.shape_cast %get3A_816 : vector<1x16xf32> to vector<16xf32>
        %add3A_818 = arith.addf %get3A_811, %get3A_817 : vector<16xf32>
        %add3A_819 = arith.constant 2 : i32
        %add3A_820 = arith.addi %mul3A_70, %add3A_819 : i32
        %get3A_821 = arith.index_cast %add3A_820 : i32 to index
        %get3A_822 = arith.constant 176 : index
        %get3A_823 = tpu.vector_load %arg6[%get3A_821, %get3A_822] {strides = array<i32>} : memref<72x256xf32, #tpu.memory_space<vmem>>, vector<1x16xf32>,
        %get3A_824 = vector.shape_cast %get3A_823 : vector<1x16xf32> to vector<16xf32>
        %add3A_825 = arith.constant 3 : i32
        %add3A_826 = arith.addi %mul3A_70, %add3A_825 : i32
        %get3A_827 = arith.index_cast %add3A_826 : i32 to index
        %get3A_828 = arith.constant 176 : index
        %get3A_829 = tpu.vector_load %arg6[%get3A_827, %get3A_828] {strides = array<i32>} : memref<72x256xf32, #tpu.memory_space<vmem>>, vector<1x16xf32>,
        %get3A_830 = vector.shape_cast %get3A_829 : vector<1x16xf32> to vector<16xf32>
        %add3A_831 = arith.addf %get3A_824, %get3A_830 : vector<16xf32>
        %add3A_832 = arith.constant 4 : i32
        %add3A_833 = arith.addi %mul3A_70, %add3A_832 : i32
        %get3A_834 = arith.index_cast %add3A_833 : i32 to index
        %get3A_835 = arith.constant 176 : index
        %get3A_836 = tpu.vector_load %arg6[%get3A_834, %get3A_835] {strides = array<i32>} : memref<72x256xf32, #tpu.memory_space<vmem>>, vector<1x16xf32>,
        %get3A_837 = vector.shape_cast %get3A_836 : vector<1x16xf32> to vector<16xf32>
        %add3A_838 = arith.constant 5 : i32
        %add3A_839 = arith.addi %mul3A_70, %add3A_838 : i32
        %get3A_840 = arith.index_cast %add3A_839 : i32 to index
        %get3A_841 = arith.constant 176 : index
        %get3A_842 = tpu.vector_load %arg6[%get3A_840, %get3A_841] {strides = array<i32>} : memref<72x256xf32, #tpu.memory_space<vmem>>, vector<1x16xf32>,
        %get3A_843 = vector.shape_cast %get3A_842 : vector<1x16xf32> to vector<16xf32>
        %add3A_844 = arith.addf %get3A_837, %get3A_843 : vector<16xf32>
        %add3A_845 = arith.constant 6 : i32
        %add3A_846 = arith.addi %mul3A_70, %add3A_845 : i32
        %get3A_847 = arith.index_cast %add3A_846 : i32 to index
        %get3A_848 = arith.constant 176 : index
        %get3A_849 = tpu.vector_load %arg6[%get3A_847, %get3A_848] {strides = array<i32>} : memref<72x256xf32, #tpu.memory_space<vmem>>, vector<1x16xf32>,
        %get3A_850 = vector.shape_cast %get3A_849 : vector<1x16xf32> to vector<16xf32>
        %add3A_851 = arith.constant 7 : i32
        %add3A_852 = arith.addi %mul3A_70, %add3A_851 : i32
        %get3A_853 = arith.index_cast %add3A_852 : i32 to index
        %get3A_854 = arith.constant 176 : index
        %get3A_855 = tpu.vector_load %arg6[%get3A_853, %get3A_854] {strides = array<i32>} : memref<72x256xf32, #tpu.memory_space<vmem>>, vector<1x16xf32>,
        %get3A_856 = vector.shape_cast %get3A_855 : vector<1x16xf32> to vector<16xf32>
        %add3A_857 = arith.addf %get3A_850, %get3A_856 : vector<16xf32>
        %add3A_858 = arith.addf %add3A_818, %add3A_831 : vector<16xf32>
        %add3A_859 = arith.addf %add3A_844, %add3A_857 : vector<16xf32>
        %add3A_860 = arith.addf %add3A_858, %add3A_859 : vector<16xf32>
        %add3A_861 = arith.constant 8 : i32
        %add3A_862 = arith.addi %mul3A_70, %add3A_861 : i32
        %get3A_863 = arith.index_cast %add3A_862 : i32 to index
        %get3A_864 = arith.constant 176 : index
        %get3A_865 = tpu.vector_load %arg6[%get3A_863, %get3A_864] {strides = array<i32>} : memref<72x256xf32, #tpu.memory_space<vmem>>, vector<1x16xf32>,
        %get3A_866 = vector.shape_cast %get3A_865 : vector<1x16xf32> to vector<16xf32>
        %add3A_867 = arith.addf %add3A_860, %get3A_866 : vector<16xf32>
        %swap3A_868 = arith.index_cast %scan3A_67 : i32 to index
        %swap3A_869 = arith.constant 176 : index
        %swap3A_870 = tpu.vector_load %arg8[%swap3A_868, %swap3A_869] {strides = array<i32>} : memref<8x256xf32, #tpu.memory_space<vmem>>, vector<1x16xf32>,
        %swap3A_871 = vector.shape_cast %swap3A_870 : vector<1x16xf32> to vector<16xf32>
        %swap3A_872 = vector.shape_cast %add3A_867 : vector<16xf32> to vector<1x16xf32>
        tpu.vector_store %arg8[%swap3A_868, %swap3A_869], %swap3A_872 {strides = array<i32>} : memref<8x256xf32, #tpu.memory_space<vmem>>, vector<1x16xf32>,
        %add3A_873 = arith.constant 0 : i32
        %add3A_874 = arith.addi %mul3A_70, %add3A_873 : i32
        %get3A_875 = arith.index_cast %add3A_874 : i32 to index
        %get3A_876 = arith.constant 192 : index
        %get3A_877 = tpu.vector_load %arg6[%get3A_875, %get3A_876] {strides = array<i32>} : memref<72x256xf32, #tpu.memory_space<vmem>>, vector<1x16xf32>,
        %get3A_878 = vector.shape_cast %get3A_877 : vector<1x16xf32> to vector<16xf32>
        %add3A_879 = arith.constant 1 : i32
        %add3A_880 = arith.addi %mul3A_70, %add3A_879 : i32
        %get3A_881 = arith.index_cast %add3A_880 : i32 to index
        %get3A_882 = arith.constant 192 : index
        %get3A_883 = tpu.vector_load %arg6[%get3A_881, %get3A_882] {strides = array<i32>} : memref<72x256xf32, #tpu.memory_space<vmem>>, vector<1x16xf32>,
        %get3A_884 = vector.shape_cast %get3A_883 : vector<1x16xf32> to vector<16xf32>
        %add3A_885 = arith.addf %get3A_878, %get3A_884 : vector<16xf32>
        %add3A_886 = arith.constant 2 : i32
        %add3A_887 = arith.addi %mul3A_70, %add3A_886 : i32
        %get3A_888 = arith.index_cast %add3A_887 : i32 to index
        %get3A_889 = arith.constant 192 : index
        %get3A_890 = tpu.vector_load %arg6[%get3A_888, %get3A_889] {strides = array<i32>} : memref<72x256xf32, #tpu.memory_space<vmem>>, vector<1x16xf32>,
        %get3A_891 = vector.shape_cast %get3A_890 : vector<1x16xf32> to vector<16xf32>
        %add3A_892 = arith.constant 3 : i32
        %add3A_893 = arith.addi %mul3A_70, %add3A_892 : i32
        %get3A_894 = arith.index_cast %add3A_893 : i32 to index
        %get3A_895 = arith.constant 192 : index
        %get3A_896 = tpu.vector_load %arg6[%get3A_894, %get3A_895] {strides = array<i32>} : memref<72x256xf32, #tpu.memory_space<vmem>>, vector<1x16xf32>,
        %get3A_897 = vector.shape_cast %get3A_896 : vector<1x16xf32> to vector<16xf32>
        %add3A_898 = arith.addf %get3A_891, %get3A_897 : vector<16xf32>
        %add3A_899 = arith.constant 4 : i32
        %add3A_900 = arith.addi %mul3A_70, %add3A_899 : i32
        %get3A_901 = arith.index_cast %add3A_900 : i32 to index
        %get3A_902 = arith.constant 192 : index
        %get3A_903 = tpu.vector_load %arg6[%get3A_901, %get3A_902] {strides = array<i32>} : memref<72x256xf32, #tpu.memory_space<vmem>>, vector<1x16xf32>,
        %get3A_904 = vector.shape_cast %get3A_903 : vector<1x16xf32> to vector<16xf32>
        %add3A_905 = arith.constant 5 : i32
        %add3A_906 = arith.addi %mul3A_70, %add3A_905 : i32
        %get3A_907 = arith.index_cast %add3A_906 : i32 to index
        %get3A_908 = arith.constant 192 : index
        %get3A_909 = tpu.vector_load %arg6[%get3A_907, %get3A_908] {strides = array<i32>} : memref<72x256xf32, #tpu.memory_space<vmem>>, vector<1x16xf32>,
        %get3A_910 = vector.shape_cast %get3A_909 : vector<1x16xf32> to vector<16xf32>
        %add3A_911 = arith.addf %get3A_904, %get3A_910 : vector<16xf32>
        %add3A_912 = arith.constant 6 : i32
        %add3A_913 = arith.addi %mul3A_70, %add3A_912 : i32
        %get3A_914 = arith.index_cast %add3A_913 : i32 to index
        %get3A_915 = arith.constant 192 : index
        %get3A_916 = tpu.vector_load %arg6[%get3A_914, %get3A_915] {strides = array<i32>} : memref<72x256xf32, #tpu.memory_space<vmem>>, vector<1x16xf32>,
        %get3A_917 = vector.shape_cast %get3A_916 : vector<1x16xf32> to vector<16xf32>
        %add3A_918 = arith.constant 7 : i32
        %add3A_919 = arith.addi %mul3A_70, %add3A_918 : i32
        %get3A_920 = arith.index_cast %add3A_919 : i32 to index
        %get3A_921 = arith.constant 192 : index
        %get3A_922 = tpu.vector_load %arg6[%get3A_920, %get3A_921] {strides = array<i32>} : memref<72x256xf32, #tpu.memory_space<vmem>>, vector<1x16xf32>,
        %get3A_923 = vector.shape_cast %get3A_922 : vector<1x16xf32> to vector<16xf32>
        %add3A_924 = arith.addf %get3A_917, %get3A_923 : vector<16xf32>
        %add3A_925 = arith.addf %add3A_885, %add3A_898 : vector<16xf32>
        %add3A_926 = arith.addf %add3A_911, %add3A_924 : vector<16xf32>
        %add3A_927 = arith.addf %add3A_925, %add3A_926 : vector<16xf32>
        %add3A_928 = arith.constant 8 : i32
        %add3A_929 = arith.addi %mul3A_70, %add3A_928 : i32
        %get3A_930 = arith.index_cast %add3A_929 : i32 to index
        %get3A_931 = arith.constant 192 : index
        %get3A_932 = tpu.vector_load %arg6[%get3A_930, %get3A_931] {strides = array<i32>} : memref<72x256xf32, #tpu.memory_space<vmem>>, vector<1x16xf32>,
        %get3A_933 = vector.shape_cast %get3A_932 : vector<1x16xf32> to vector<16xf32>
        %add3A_934 = arith.addf %add3A_927, %get3A_933 : vector<16xf32>
        %swap3A_935 = arith.index_cast %scan3A_67 : i32 to index
        %swap3A_936 = arith.constant 192 : index
        %swap3A_937 = tpu.vector_load %arg8[%swap3A_935, %swap3A_936] {strides = array<i32>} : memref<8x256xf32, #tpu.memory_space<vmem>>, vector<1x16xf32>,
        %swap3A_938 = vector.shape_cast %swap3A_937 : vector<1x16xf32> to vector<16xf32>
        %swap3A_939 = vector.shape_cast %add3A_934 : vector<16xf32> to vector<1x16xf32>
        tpu.vector_store %arg8[%swap3A_935, %swap3A_936], %swap3A_939 {strides = array<i32>} : memref<8x256xf32, #tpu.memory_space<vmem>>, vector<1x16xf32>,
        %add3A_940 = arith.constant 0 : i32
        %add3A_941 = arith.addi %mul3A_70, %add3A_940 : i32
        %get3A_942 = arith.index_cast %add3A_941 : i32 to index
        %get3A_943 = arith.constant 208 : index
        %get3A_944 = tpu.vector_load %arg6[%get3A_942, %get3A_943] {strides = array<i32>} : memref<72x256xf32, #tpu.memory_space<vmem>>, vector<1x16xf32>,
        %get3A_945 = vector.shape_cast %get3A_944 : vector<1x16xf32> to vector<16xf32>
        %add3A_946 = arith.constant 1 : i32
        %add3A_947 = arith.addi %mul3A_70, %add3A_946 : i32
        %get3A_948 = arith.index_cast %add3A_947 : i32 to index
        %get3A_949 = arith.constant 208 : index
        %get3A_950 = tpu.vector_load %arg6[%get3A_948, %get3A_949] {strides = array<i32>} : memref<72x256xf32, #tpu.memory_space<vmem>>, vector<1x16xf32>,
        %get3A_951 = vector.shape_cast %get3A_950 : vector<1x16xf32> to vector<16xf32>
        %add3A_952 = arith.addf %get3A_945, %get3A_951 : vector<16xf32>
        %add3A_953 = arith.constant 2 : i32
        %add3A_954 = arith.addi %mul3A_70, %add3A_953 : i32
        %get3A_955 = arith.index_cast %add3A_954 : i32 to index
        %get3A_956 = arith.constant 208 : index
        %get3A_957 = tpu.vector_load %arg6[%get3A_955, %get3A_956] {strides = array<i32>} : memref<72x256xf32, #tpu.memory_space<vmem>>, vector<1x16xf32>,
        %get3A_958 = vector.shape_cast %get3A_957 : vector<1x16xf32> to vector<16xf32>
        %add3A_959 = arith.constant 3 : i32
        %add3A_960 = arith.addi %mul3A_70, %add3A_959 : i32
        %get3A_961 = arith.index_cast %add3A_960 : i32 to index
        %get3A_962 = arith.constant 208 : index
        %get3A_963 = tpu.vector_load %arg6[%get3A_961, %get3A_962] {strides = array<i32>} : memref<72x256xf32, #tpu.memory_space<vmem>>, vector<1x16xf32>,
        %get3A_964 = vector.shape_cast %get3A_963 : vector<1x16xf32> to vector<16xf32>
        %add3A_965 = arith.addf %get3A_958, %get3A_964 : vector<16xf32>
        %add3A_966 = arith.constant 4 : i32
        %add3A_967 = arith.addi %mul3A_70, %add3A_966 : i32
        %get3A_968 = arith.index_cast %add3A_967 : i32 to index
        %get3A_969 = arith.constant 208 : index
        %get3A_970 = tpu.vector_load %arg6[%get3A_968, %get3A_969] {strides = array<i32>} : memref<72x256xf32, #tpu.memory_space<vmem>>, vector<1x16xf32>,
        %get3A_971 = vector.shape_cast %get3A_970 : vector<1x16xf32> to vector<16xf32>
        %add3A_972 = arith.constant 5 : i32
        %add3A_973 = arith.addi %mul3A_70, %add3A_972 : i32
        %get3A_974 = arith.index_cast %add3A_973 : i32 to index
        %get3A_975 = arith.constant 208 : index
        %get3A_976 = tpu.vector_load %arg6[%get3A_974, %get3A_975] {strides = array<i32>} : memref<72x256xf32, #tpu.memory_space<vmem>>, vector<1x16xf32>,
        %get3A_977 = vector.shape_cast %get3A_976 : vector<1x16xf32> to vector<16xf32>
        %add3A_978 = arith.addf %get3A_971, %get3A_977 : vector<16xf32>
        %add3A_979 = arith.constant 6 : i32
        %add3A_980 = arith.addi %mul3A_70, %add3A_979 : i32
        %get3A_981 = arith.index_cast %add3A_980 : i32 to index
        %get3A_982 = arith.constant 208 : index
        %get3A_983 = tpu.vector_load %arg6[%get3A_981, %get3A_982] {strides = array<i32>} : memref<72x256xf32, #tpu.memory_space<vmem>>, vector<1x16xf32>,
        %get3A_984 = vector.shape_cast %get3A_983 : vector<1x16xf32> to vector<16xf32>
        %add3A_985 = arith.constant 7 : i32
        %add3A_986 = arith.addi %mul3A_70, %add3A_985 : i32
        %get3A_987 = arith.index_cast %add3A_986 : i32 to index
        %get3A_988 = arith.constant 208 : index
        %get3A_989 = tpu.vector_load %arg6[%get3A_987, %get3A_988] {strides = array<i32>} : memref<72x256xf32, #tpu.memory_space<vmem>>, vector<1x16xf32>,
        %get3A_990 = vector.shape_cast %get3A_989 : vector<1x16xf32> to vector<16xf32>
        %add3A_991 = arith.addf %get3A_984, %get3A_990 : vector<16xf32>
        %add3A_992 = arith.addf %add3A_952, %add3A_965 : vector<16xf32>
        %add3A_993 = arith.addf %add3A_978, %add3A_991 : vector<16xf32>
        %add3A_994 = arith.addf %add3A_992, %add3A_993 : vector<16xf32>
        %add3A_995 = arith.constant 8 : i32
        %add3A_996 = arith.addi %mul3A_70, %add3A_995 : i32
        %get3A_997 = arith.index_cast %add3A_996 : i32 to index
        %get3A_998 = arith.constant 208 : index
        %get3A_999 = tpu.vector_load %arg6[%get3A_997, %get3A_998] {strides = array<i32>} : memref<72x256xf32, #tpu.memory_space<vmem>>, vector<1x16xf32>,
        %get3A_1000 = vector.shape_cast %get3A_999 : vector<1x16xf32> to vector<16xf32>
        %add3A_1001 = arith.addf %add3A_994, %get3A_1000 : vector<16xf32>
        %swap3A_1002 = arith.index_cast %scan3A_67 : i32 to index
        %swap3A_1003 = arith.constant 208 : index
        %swap3A_1004 = tpu.vector_load %arg8[%swap3A_1002, %swap3A_1003] {strides = array<i32>} : memref<8x256xf32, #tpu.memory_space<vmem>>, vector<1x16xf32>,
        %swap3A_1005 = vector.shape_cast %swap3A_1004 : vector<1x16xf32> to vector<16xf32>
        %swap3A_1006 = vector.shape_cast %add3A_1001 : vector<16xf32> to vector<1x16xf32>
        tpu.vector_store %arg8[%swap3A_1002, %swap3A_1003], %swap3A_1006 {strides = array<i32>} : memref<8x256xf32, #tpu.memory_space<vmem>>, vector<1x16xf32>,
        %add3A_1007 = arith.constant 0 : i32
        %add3A_1008 = arith.addi %mul3A_70, %add3A_1007 : i32
        %get3A_1009 = arith.index_cast %add3A_1008 : i32 to index
        %get3A_1010 = arith.constant 224 : index
        %get3A_1011 = tpu.vector_load %arg6[%get3A_1009, %get3A_1010] {strides = array<i32>} : memref<72x256xf32, #tpu.memory_space<vmem>>, vector<1x16xf32>,
        %get3A_1012 = vector.shape_cast %get3A_1011 : vector<1x16xf32> to vector<16xf32>
        %add3A_1013 = arith.constant 1 : i32
        %add3A_1014 = arith.addi %mul3A_70, %add3A_1013 : i32
        %get3A_1015 = arith.index_cast %add3A_1014 : i32 to index
        %get3A_1016 = arith.constant 224 : index
        %get3A_1017 = tpu.vector_load %arg6[%get3A_1015, %get3A_1016] {strides = array<i32>} : memref<72x256xf32, #tpu.memory_space<vmem>>, vector<1x16xf32>,
        %get3A_1018 = vector.shape_cast %get3A_1017 : vector<1x16xf32> to vector<16xf32>
        %add3A_1019 = arith.addf %get3A_1012, %get3A_1018 : vector<16xf32>
        %add3A_1020 = arith.constant 2 : i32
        %add3A_1021 = arith.addi %mul3A_70, %add3A_1020 : i32
        %get3A_1022 = arith.index_cast %add3A_1021 : i32 to index
        %get3A_1023 = arith.constant 224 : index
        %get3A_1024 = tpu.vector_load %arg6[%get3A_1022, %get3A_1023] {strides = array<i32>} : memref<72x256xf32, #tpu.memory_space<vmem>>, vector<1x16xf32>,
        %get3A_1025 = vector.shape_cast %get3A_1024 : vector<1x16xf32> to vector<16xf32>
        %add3A_1026 = arith.constant 3 : i32
        %add3A_1027 = arith.addi %mul3A_70, %add3A_1026 : i32
        %get3A_1028 = arith.index_cast %add3A_1027 : i32 to index
        %get3A_1029 = arith.constant 224 : index
        %get3A_1030 = tpu.vector_load %arg6[%get3A_1028, %get3A_1029] {strides = array<i32>} : memref<72x256xf32, #tpu.memory_space<vmem>>, vector<1x16xf32>,
        %get3A_1031 = vector.shape_cast %get3A_1030 : vector<1x16xf32> to vector<16xf32>
        %add3A_1032 = arith.addf %get3A_1025, %get3A_1031 : vector<16xf32>
        %add3A_1033 = arith.constant 4 : i32
        %add3A_1034 = arith.addi %mul3A_70, %add3A_1033 : i32
        %get3A_1035 = arith.index_cast %add3A_1034 : i32 to index
        %get3A_1036 = arith.constant 224 : index
        %get3A_1037 = tpu.vector_load %arg6[%get3A_1035, %get3A_1036] {strides = array<i32>} : memref<72x256xf32, #tpu.memory_space<vmem>>, vector<1x16xf32>,
        %get3A_1038 = vector.shape_cast %get3A_1037 : vector<1x16xf32> to vector<16xf32>
        %add3A_1039 = arith.constant 5 : i32
        %add3A_1040 = arith.addi %mul3A_70, %add3A_1039 : i32
        %get3A_1041 = arith.index_cast %add3A_1040 : i32 to index
        %get3A_1042 = arith.constant 224 : index
        %get3A_1043 = tpu.vector_load %arg6[%get3A_1041, %get3A_1042] {strides = array<i32>} : memref<72x256xf32, #tpu.memory_space<vmem>>, vector<1x16xf32>,
        %get3A_1044 = vector.shape_cast %get3A_1043 : vector<1x16xf32> to vector<16xf32>
        %add3A_1045 = arith.addf %get3A_1038, %get3A_1044 : vector<16xf32>
        %add3A_1046 = arith.constant 6 : i32
        %add3A_1047 = arith.addi %mul3A_70, %add3A_1046 : i32
        %get3A_1048 = arith.index_cast %add3A_1047 : i32 to index
        %get3A_1049 = arith.constant 224 : index
        %get3A_1050 = tpu.vector_load %arg6[%get3A_1048, %get3A_1049] {strides = array<i32>} : memref<72x256xf32, #tpu.memory_space<vmem>>, vector<1x16xf32>,
        %get3A_1051 = vector.shape_cast %get3A_1050 : vector<1x16xf32> to vector<16xf32>
        %add3A_1052 = arith.constant 7 : i32
        %add3A_1053 = arith.addi %mul3A_70, %add3A_1052 : i32
        %get3A_1054 = arith.index_cast %add3A_1053 : i32 to index
        %get3A_1055 = arith.constant 224 : index
        %get3A_1056 = tpu.vector_load %arg6[%get3A_1054, %get3A_1055] {strides = array<i32>} : memref<72x256xf32, #tpu.memory_space<vmem>>, vector<1x16xf32>,
        %get3A_1057 = vector.shape_cast %get3A_1056 : vector<1x16xf32> to vector<16xf32>
        %add3A_1058 = arith.addf %get3A_1051, %get3A_1057 : vector<16xf32>
        %add3A_1059 = arith.addf %add3A_1019, %add3A_1032 : vector<16xf32>
        %add3A_1060 = arith.addf %add3A_1045, %add3A_1058 : vector<16xf32>
        %add3A_1061 = arith.addf %add3A_1059, %add3A_1060 : vector<16xf32>
        %add3A_1062 = arith.constant 8 : i32
        %add3A_1063 = arith.addi %mul3A_70, %add3A_1062 : i32
        %get3A_1064 = arith.index_cast %add3A_1063 : i32 to index
        %get3A_1065 = arith.constant 224 : index
        %get3A_1066 = tpu.vector_load %arg6[%get3A_1064, %get3A_1065] {strides = array<i32>} : memref<72x256xf32, #tpu.memory_space<vmem>>, vector<1x16xf32>,
        %get3A_1067 = vector.shape_cast %get3A_1066 : vector<1x16xf32> to vector<16xf32>
        %add3A_1068 = arith.addf %add3A_1061, %get3A_1067 : vector<16xf32>
        %swap3A_1069 = arith.index_cast %scan3A_67 : i32 to index
        %swap3A_1070 = arith.constant 224 : index
        %swap3A_1071 = tpu.vector_load %arg8[%swap3A_1069, %swap3A_1070] {strides = array<i32>} : memref<8x256xf32, #tpu.memory_space<vmem>>, vector<1x16xf32>,
        %swap3A_1072 = vector.shape_cast %swap3A_1071 : vector<1x16xf32> to vector<16xf32>
        %swap3A_1073 = vector.shape_cast %add3A_1068 : vector<16xf32> to vector<1x16xf32>
        tpu.vector_store %arg8[%swap3A_1069, %swap3A_1070], %swap3A_1073 {strides = array<i32>} : memref<8x256xf32, #tpu.memory_space<vmem>>, vector<1x16xf32>,
        %add3A_1074 = arith.constant 0 : i32
        %add3A_1075 = arith.addi %mul3A_70, %add3A_1074 : i32
        %get3A_1076 = arith.index_cast %add3A_1075 : i32 to index
        %get3A_1077 = arith.constant 240 : index
        %get3A_1078 = tpu.vector_load %arg6[%get3A_1076, %get3A_1077] {strides = array<i32>} : memref<72x256xf32, #tpu.memory_space<vmem>>, vector<1x16xf32>,
        %get3A_1079 = vector.shape_cast %get3A_1078 : vector<1x16xf32> to vector<16xf32>
        %add3A_1080 = arith.constant 1 : i32
        %add3A_1081 = arith.addi %mul3A_70, %add3A_1080 : i32
        %get3A_1082 = arith.index_cast %add3A_1081 : i32 to index
        %get3A_1083 = arith.constant 240 : index
        %get3A_1084 = tpu.vector_load %arg6[%get3A_1082, %get3A_1083] {strides = array<i32>} : memref<72x256xf32, #tpu.memory_space<vmem>>, vector<1x16xf32>,
        %get3A_1085 = vector.shape_cast %get3A_1084 : vector<1x16xf32> to vector<16xf32>
        %add3A_1086 = arith.addf %get3A_1079, %get3A_1085 : vector<16xf32>
        %add3A_1087 = arith.constant 2 : i32
        %add3A_1088 = arith.addi %mul3A_70, %add3A_1087 : i32
        %get3A_1089 = arith.index_cast %add3A_1088 : i32 to index
        %get3A_1090 = arith.constant 240 : index
        %get3A_1091 = tpu.vector_load %arg6[%get3A_1089, %get3A_1090] {strides = array<i32>} : memref<72x256xf32, #tpu.memory_space<vmem>>, vector<1x16xf32>,
        %get3A_1092 = vector.shape_cast %get3A_1091 : vector<1x16xf32> to vector<16xf32>
        %add3A_1093 = arith.constant 3 : i32
        %add3A_1094 = arith.addi %mul3A_70, %add3A_1093 : i32
        %get3A_1095 = arith.index_cast %add3A_1094 : i32 to index
        %get3A_1096 = arith.constant 240 : index
        %get3A_1097 = tpu.vector_load %arg6[%get3A_1095, %get3A_1096] {strides = array<i32>} : memref<72x256xf32, #tpu.memory_space<vmem>>, vector<1x16xf32>,
        %get3A_1098 = vector.shape_cast %get3A_1097 : vector<1x16xf32> to vector<16xf32>
        %add3A_1099 = arith.addf %get3A_1092, %get3A_1098 : vector<16xf32>
        %add3A_1100 = arith.constant 4 : i32
        %add3A_1101 = arith.addi %mul3A_70, %add3A_1100 : i32
        %get3A_1102 = arith.index_cast %add3A_1101 : i32 to index
        %get3A_1103 = arith.constant 240 : index
        %get3A_1104 = tpu.vector_load %arg6[%get3A_1102, %get3A_1103] {strides = array<i32>} : memref<72x256xf32, #tpu.memory_space<vmem>>, vector<1x16xf32>,
        %get3A_1105 = vector.shape_cast %get3A_1104 : vector<1x16xf32> to vector<16xf32>
        %add3A_1106 = arith.constant 5 : i32
        %add3A_1107 = arith.addi %mul3A_70, %add3A_1106 : i32
        %get3A_1108 = arith.index_cast %add3A_1107 : i32 to index
        %get3A_1109 = arith.constant 240 : index
        %get3A_1110 = tpu.vector_load %arg6[%get3A_1108, %get3A_1109] {strides = array<i32>} : memref<72x256xf32, #tpu.memory_space<vmem>>, vector<1x16xf32>,
        %get3A_1111 = vector.shape_cast %get3A_1110 : vector<1x16xf32> to vector<16xf32>
        %add3A_1112 = arith.addf %get3A_1105, %get3A_1111 : vector<16xf32>
        %add3A_1113 = arith.constant 6 : i32
        %add3A_1114 = arith.addi %mul3A_70, %add3A_1113 : i32
        %get3A_1115 = arith.index_cast %add3A_1114 : i32 to index
        %get3A_1116 = arith.constant 240 : index
        %get3A_1117 = tpu.vector_load %arg6[%get3A_1115, %get3A_1116] {strides = array<i32>} : memref<72x256xf32, #tpu.memory_space<vmem>>, vector<1x16xf32>,
        %get3A_1118 = vector.shape_cast %get3A_1117 : vector<1x16xf32> to vector<16xf32>
        %add3A_1119 = arith.constant 7 : i32
        %add3A_1120 = arith.addi %mul3A_70, %add3A_1119 : i32
        %get3A_1121 = arith.index_cast %add3A_1120 : i32 to index
        %get3A_1122 = arith.constant 240 : index
        %get3A_1123 = tpu.vector_load %arg6[%get3A_1121, %get3A_1122] {strides = array<i32>} : memref<72x256xf32, #tpu.memory_space<vmem>>, vector<1x16xf32>,
        %get3A_1124 = vector.shape_cast %get3A_1123 : vector<1x16xf32> to vector<16xf32>
        %add3A_1125 = arith.addf %get3A_1118, %get3A_1124 : vector<16xf32>
        %add3A_1126 = arith.addf %add3A_1086, %add3A_1099 : vector<16xf32>
        %add3A_1127 = arith.addf %add3A_1112, %add3A_1125 : vector<16xf32>
        %add3A_1128 = arith.addf %add3A_1126, %add3A_1127 : vector<16xf32>
        %add3A_1129 = arith.constant 8 : i32
        %add3A_1130 = arith.addi %mul3A_70, %add3A_1129 : i32
        %get3A_1131 = arith.index_cast %add3A_1130 : i32 to index
        %get3A_1132 = arith.constant 240 : index
        %get3A_1133 = tpu.vector_load %arg6[%get3A_1131, %get3A_1132] {strides = array<i32>} : memref<72x256xf32, #tpu.memory_space<vmem>>, vector<1x16xf32>,
        %get3A_1134 = vector.shape_cast %get3A_1133 : vector<1x16xf32> to vector<16xf32>
        %add3A_1135 = arith.addf %add3A_1128, %get3A_1134 : vector<16xf32>
        %swap3A_1136 = arith.index_cast %scan3A_67 : i32 to index
        %swap3A_1137 = arith.constant 240 : index
        %swap3A_1138 = tpu.vector_load %arg8[%swap3A_1136, %swap3A_1137] {strides = array<i32>} : memref<8x256xf32, #tpu.memory_space<vmem>>, vector<1x16xf32>,
        %swap3A_1139 = vector.shape_cast %swap3A_1138 : vector<1x16xf32> to vector<16xf32>
        %swap3A_1140 = vector.shape_cast %add3A_1135 : vector<16xf32> to vector<1x16xf32>
        tpu.vector_store %arg8[%swap3A_1136, %swap3A_1137], %swap3A_1140 {strides = array<i32>} : memref<8x256xf32, #tpu.memory_space<vmem>>, vector<1x16xf32>,
        %scan3A_1141 = arith.constant 0 : i32
        scf.yield %scan3A_1141 : i32
      }
      %scan3A_38 = arith.constant 8 : i32
      %mul3A_39 = arith.constant 8 : i32
      %mul3A_40 = arith.muli %mul3A_18, %mul3A_39 : i32
      %add3A_41 = arith.addi %mul3A_2, %mul3A_40 : i32
      "tpu.region"() ({
        %run_scoped3A = tpu.sem_alloc : memref<!tpu.dma_semaphore, #tpu.memory_space<semaphore_mem>>
        %dma_start3A_67 = arith.constant 0 : i32
        %dma_start3A_68 = tpu.memref_slice %arg4[%add3A_41, %dma_start3A_67] : memref<25088x256xf32, #tpu.memory_space<hbm>> -> memref<8x256xf32, #tpu.memory_space<hbm>>
        %dma_start3A_69 = arith.constant 0 : i32
        %dma_start3A_70 = tpu.memref_slice %arg4[%add3A_41, %dma_start3A_69] : memref<25088x256xf32, #tpu.memory_space<hbm>> -> memref<8x256xf32, #tpu.memory_space<hbm>>
        tpu.enqueue_dma source(%arg8 : memref<8x256xf32, #tpu.memory_space<vmem>>) target(%dma_start3A_70 : memref<8x256xf32, #tpu.memory_space<hbm>>) target_semaphore(%run_scoped3A : memref<!tpu.dma_semaphore, #tpu.memory_space<semaphore_mem>>)
        %dma_wait3A_71 = arith.constant 0 : i32
        %dma_wait3A_72 = tpu.memref_slice %arg4[%add3A_41, %dma_wait3A_71] : memref<25088x256xf32, #tpu.memory_space<hbm>> -> memref<8x256xf32, #tpu.memory_space<hbm>>
        %dma_wait3A_73 = arith.constant 0 : i32
        %dma_wait3A_74 = tpu.memref_slice %arg4[%add3A_41, %dma_wait3A_73] : memref<25088x256xf32, #tpu.memory_space<hbm>> -> memref<8x256xf32, #tpu.memory_space<hbm>>
        tpu.wait_dma2 semaphore(%run_scoped3A : memref<!tpu.dma_semaphore, #tpu.memory_space<semaphore_mem>>) src(%arg8 : memref<8x256xf32, #tpu.memory_space<vmem>>) dst(%dma_wait3A_74 : memref<8x256xf32, #tpu.memory_space<hbm>>)
        tpu.yield
      }) : () -> ()
      %add3A_42 = arith.constant 1 : i32
      %add3A_43 = arith.addi %scan3A_15, %add3A_42 : i32
      %lt3A = arith.constant 49 : i32
      %lt3A_44 = arith.cmpi slt, %add3A_43, %lt3A : i32
      %convert_element_type3A = arith.extui %lt3A_44 : i1 to i32
      %cond3A = arith.constant 0 : i32
      %cond3A_45 = arith.cmpi ne, %convert_element_type3A, %cond3A : i32
      scf.if %cond3A_45 {
        %add3A_67 = arith.constant 2 : i32
        %add3A_68 = arith.addi %mul3A_18, %add3A_67 : i32
        %dma_start3A_69 = arith.constant 0 : i32
        %dma_start3A_70 = tpu.memref_slice %arg5[%add3A_68, %dma_start3A_69] : memref<98x72xi32, #tpu.memory_space<vmem>> -> memref<1x72xi32, #tpu.memory_space<vmem>>
        %dma_start3A_71 = tpu.memref_squeeze %dma_start3A_70 : memref<1x72xi32, #tpu.memory_space<vmem>> -> memref<72xi32, #tpu.memory_space<vmem>>
        %dma_start3A_72 = arith.constant 0 : i32
        %dma_start3A_73 = arith.constant 0 : i32
        %dma_start3A_74 = tpu.memref_slice %arg2[%dma_start3A_72, %dma_start3A_73] : memref<115200x256xf32, #tpu.memory_space<hbm>> -> memref<115200x256xf32, #tpu.memory_space<hbm>>
        tpu.enqueue_indirect_dma source(%dma_start3A_74 : memref<115200x256xf32, #tpu.memory_space<hbm>>) target(%arg6 : memref<72x256xf32, #tpu.memory_space<vmem>>) offsets(%dma_start3A_71 : memref<72xi32, #tpu.memory_space<vmem>>) semaphore(%arg9 : memref<!tpu.dma_semaphore, #tpu.memory_space<semaphore_mem>>)
      } else {
      }
      %add3A_46 = arith.constant 1 : i32
      %add3A_47 = arith.addi %mul3A_18, %add3A_46 : i32
      %dma_wait3A_48 = arith.constant 0 : i32
      %dma_wait3A_49 = tpu.memref_slice %arg5[%add3A_47, %dma_wait3A_48] : memref<98x72xi32, #tpu.memory_space<vmem>> -> memref<1x72xi32, #tpu.memory_space<vmem>>
      %dma_wait3A_50 = tpu.memref_squeeze %dma_wait3A_49 : memref<1x72xi32, #tpu.memory_space<vmem>> -> memref<72xi32, #tpu.memory_space<vmem>>
      %dma_wait3A_51 = arith.constant 0 : i32
      %dma_wait3A_52 = arith.constant 0 : i32
      %dma_wait3A_53 = tpu.memref_slice %arg2[%dma_wait3A_51, %dma_wait3A_52] : memref<115200x256xf32, #tpu.memory_space<hbm>> -> memref<115200x256xf32, #tpu.memory_space<hbm>>
      tpu.wait_indirect_dma semaphore(%arg10 : memref<!tpu.dma_semaphore, #tpu.memory_space<semaphore_mem>>) src(%dma_wait3A_53 : memref<115200x256xf32, #tpu.memory_space<hbm>>) dst(%arg7 : memref<72x256xf32, #tpu.memory_space<vmem>>)
      %add3A_54 = arith.constant 1 : i32
      %add3A_55 = arith.addi %mul3A_18, %add3A_54 : i32
      %scan3A_56 = arith.constant 0 : i32
      %scan3A_57 = arith.constant 0 : i32
      %scan3A_58 = arith.constant 8 : i32
      %scan3A_59 = arith.addi %scan3A_57, %scan3A_58 : i32
      %scan3A_60 = arith.constant 1 : i32
      %scan3A_61 = scf.for %scan3A_67 = %scan3A_57 to %scan3A_59 step %scan3A_60 iter_args(%scan3A_68 = %scan3A_56) -> (i32)  : i32 {
        %mul3A_69 = arith.constant 9 : i32
        %mul3A_70 = arith.muli %scan3A_67, %mul3A_69 : i32
        %add3A_71 = arith.constant 0 : i32
        %add3A_72 = arith.addi %mul3A_70, %add3A_71 : i32
        %get3A = arith.index_cast %add3A_72 : i32 to index
        %get3A_73 = arith.constant 0 : index
        %get3A_74 = tpu.vector_load %arg7[%get3A, %get3A_73] {strides = array<i32>} : memref<72x256xf32, #tpu.memory_space<vmem>>, vector<1x16xf32>,
        %get3A_75 = vector.shape_cast %get3A_74 : vector<1x16xf32> to vector<16xf32>
        %add3A_76 = arith.constant 1 : i32
        %add3A_77 = arith.addi %mul3A_70, %add3A_76 : i32
        %get3A_78 = arith.index_cast %add3A_77 : i32 to index
        %get3A_79 = arith.constant 0 : index
        %get3A_80 = tpu.vector_load %arg7[%get3A_78, %get3A_79] {strides = array<i32>} : memref<72x256xf32, #tpu.memory_space<vmem>>, vector<1x16xf32>,
        %get3A_81 = vector.shape_cast %get3A_80 : vector<1x16xf32> to vector<16xf32>
        %add3A_82 = arith.addf %get3A_75, %get3A_81 : vector<16xf32>
        %add3A_83 = arith.constant 2 : i32
        %add3A_84 = arith.addi %mul3A_70, %add3A_83 : i32
        %get3A_85 = arith.index_cast %add3A_84 : i32 to index
        %get3A_86 = arith.constant 0 : index
        %get3A_87 = tpu.vector_load %arg7[%get3A_85, %get3A_86] {strides = array<i32>} : memref<72x256xf32, #tpu.memory_space<vmem>>, vector<1x16xf32>,
        %get3A_88 = vector.shape_cast %get3A_87 : vector<1x16xf32> to vector<16xf32>
        %add3A_89 = arith.constant 3 : i32
        %add3A_90 = arith.addi %mul3A_70, %add3A_89 : i32
        %get3A_91 = arith.index_cast %add3A_90 : i32 to index
        %get3A_92 = arith.constant 0 : index
        %get3A_93 = tpu.vector_load %arg7[%get3A_91, %get3A_92] {strides = array<i32>} : memref<72x256xf32, #tpu.memory_space<vmem>>, vector<1x16xf32>,
        %get3A_94 = vector.shape_cast %get3A_93 : vector<1x16xf32> to vector<16xf32>
        %add3A_95 = arith.addf %get3A_88, %get3A_94 : vector<16xf32>
        %add3A_96 = arith.constant 4 : i32
        %add3A_97 = arith.addi %mul3A_70, %add3A_96 : i32
        %get3A_98 = arith.index_cast %add3A_97 : i32 to index
        %get3A_99 = arith.constant 0 : index
        %get3A_100 = tpu.vector_load %arg7[%get3A_98, %get3A_99] {strides = array<i32>} : memref<72x256xf32, #tpu.memory_space<vmem>>, vector<1x16xf32>,
        %get3A_101 = vector.shape_cast %get3A_100 : vector<1x16xf32> to vector<16xf32>
        %add3A_102 = arith.constant 5 : i32
        %add3A_103 = arith.addi %mul3A_70, %add3A_102 : i32
        %get3A_104 = arith.index_cast %add3A_103 : i32 to index
        %get3A_105 = arith.constant 0 : index
        %get3A_106 = tpu.vector_load %arg7[%get3A_104, %get3A_105] {strides = array<i32>} : memref<72x256xf32, #tpu.memory_space<vmem>>, vector<1x16xf32>,
        %get3A_107 = vector.shape_cast %get3A_106 : vector<1x16xf32> to vector<16xf32>
        %add3A_108 = arith.addf %get3A_101, %get3A_107 : vector<16xf32>
        %add3A_109 = arith.constant 6 : i32
        %add3A_110 = arith.addi %mul3A_70, %add3A_109 : i32
        %get3A_111 = arith.index_cast %add3A_110 : i32 to index
        %get3A_112 = arith.constant 0 : index
        %get3A_113 = tpu.vector_load %arg7[%get3A_111, %get3A_112] {strides = array<i32>} : memref<72x256xf32, #tpu.memory_space<vmem>>, vector<1x16xf32>,
        %get3A_114 = vector.shape_cast %get3A_113 : vector<1x16xf32> to vector<16xf32>
        %add3A_115 = arith.constant 7 : i32
        %add3A_116 = arith.addi %mul3A_70, %add3A_115 : i32
        %get3A_117 = arith.index_cast %add3A_116 : i32 to index
        %get3A_118 = arith.constant 0 : index
        %get3A_119 = tpu.vector_load %arg7[%get3A_117, %get3A_118] {strides = array<i32>} : memref<72x256xf32, #tpu.memory_space<vmem>>, vector<1x16xf32>,
        %get3A_120 = vector.shape_cast %get3A_119 : vector<1x16xf32> to vector<16xf32>
        %add3A_121 = arith.addf %get3A_114, %get3A_120 : vector<16xf32>
        %add3A_122 = arith.addf %add3A_82, %add3A_95 : vector<16xf32>
        %add3A_123 = arith.addf %add3A_108, %add3A_121 : vector<16xf32>
        %add3A_124 = arith.addf %add3A_122, %add3A_123 : vector<16xf32>
        %add3A_125 = arith.constant 8 : i32
        %add3A_126 = arith.addi %mul3A_70, %add3A_125 : i32
        %get3A_127 = arith.index_cast %add3A_126 : i32 to index
        %get3A_128 = arith.constant 0 : index
        %get3A_129 = tpu.vector_load %arg7[%get3A_127, %get3A_128] {strides = array<i32>} : memref<72x256xf32, #tpu.memory_space<vmem>>, vector<1x16xf32>,
        %get3A_130 = vector.shape_cast %get3A_129 : vector<1x16xf32> to vector<16xf32>
        %add3A_131 = arith.addf %add3A_124, %get3A_130 : vector<16xf32>
        %swap3A = arith.index_cast %scan3A_67 : i32 to index
        %swap3A_132 = arith.constant 0 : index
        %swap3A_133 = tpu.vector_load %arg8[%swap3A, %swap3A_132] {strides = array<i32>} : memref<8x256xf32, #tpu.memory_space<vmem>>, vector<1x16xf32>,
        %swap3A_134 = vector.shape_cast %swap3A_133 : vector<1x16xf32> to vector<16xf32>
        %swap3A_135 = vector.shape_cast %add3A_131 : vector<16xf32> to vector<1x16xf32>
        tpu.vector_store %arg8[%swap3A, %swap3A_132], %swap3A_135 {strides = array<i32>} : memref<8x256xf32, #tpu.memory_space<vmem>>, vector<1x16xf32>,
        %add3A_136 = arith.constant 0 : i32
        %add3A_137 = arith.addi %mul3A_70, %add3A_136 : i32
        %get3A_138 = arith.index_cast %add3A_137 : i32 to index
        %get3A_139 = arith.constant 16 : index
        %get3A_140 = tpu.vector_load %arg7[%get3A_138, %get3A_139] {strides = array<i32>} : memref<72x256xf32, #tpu.memory_space<vmem>>, vector<1x16xf32>,
        %get3A_141 = vector.shape_cast %get3A_140 : vector<1x16xf32> to vector<16xf32>
        %add3A_142 = arith.constant 1 : i32
        %add3A_143 = arith.addi %mul3A_70, %add3A_142 : i32
        %get3A_144 = arith.index_cast %add3A_143 : i32 to index
        %get3A_145 = arith.constant 16 : index
        %get3A_146 = tpu.vector_load %arg7[%get3A_144, %get3A_145] {strides = array<i32>} : memref<72x256xf32, #tpu.memory_space<vmem>>, vector<1x16xf32>,
        %get3A_147 = vector.shape_cast %get3A_146 : vector<1x16xf32> to vector<16xf32>
        %add3A_148 = arith.addf %get3A_141, %get3A_147 : vector<16xf32>
        %add3A_149 = arith.constant 2 : i32
        %add3A_150 = arith.addi %mul3A_70, %add3A_149 : i32
        %get3A_151 = arith.index_cast %add3A_150 : i32 to index
        %get3A_152 = arith.constant 16 : index
        %get3A_153 = tpu.vector_load %arg7[%get3A_151, %get3A_152] {strides = array<i32>} : memref<72x256xf32, #tpu.memory_space<vmem>>, vector<1x16xf32>,
        %get3A_154 = vector.shape_cast %get3A_153 : vector<1x16xf32> to vector<16xf32>
        %add3A_155 = arith.constant 3 : i32
        %add3A_156 = arith.addi %mul3A_70, %add3A_155 : i32
        %get3A_157 = arith.index_cast %add3A_156 : i32 to index
        %get3A_158 = arith.constant 16 : index
        %get3A_159 = tpu.vector_load %arg7[%get3A_157, %get3A_158] {strides = array<i32>} : memref<72x256xf32, #tpu.memory_space<vmem>>, vector<1x16xf32>,
        %get3A_160 = vector.shape_cast %get3A_159 : vector<1x16xf32> to vector<16xf32>
        %add3A_161 = arith.addf %get3A_154, %get3A_160 : vector<16xf32>
        %add3A_162 = arith.constant 4 : i32
        %add3A_163 = arith.addi %mul3A_70, %add3A_162 : i32
        %get3A_164 = arith.index_cast %add3A_163 : i32 to index
        %get3A_165 = arith.constant 16 : index
        %get3A_166 = tpu.vector_load %arg7[%get3A_164, %get3A_165] {strides = array<i32>} : memref<72x256xf32, #tpu.memory_space<vmem>>, vector<1x16xf32>,
        %get3A_167 = vector.shape_cast %get3A_166 : vector<1x16xf32> to vector<16xf32>
        %add3A_168 = arith.constant 5 : i32
        %add3A_169 = arith.addi %mul3A_70, %add3A_168 : i32
        %get3A_170 = arith.index_cast %add3A_169 : i32 to index
        %get3A_171 = arith.constant 16 : index
        %get3A_172 = tpu.vector_load %arg7[%get3A_170, %get3A_171] {strides = array<i32>} : memref<72x256xf32, #tpu.memory_space<vmem>>, vector<1x16xf32>,
        %get3A_173 = vector.shape_cast %get3A_172 : vector<1x16xf32> to vector<16xf32>
        %add3A_174 = arith.addf %get3A_167, %get3A_173 : vector<16xf32>
        %add3A_175 = arith.constant 6 : i32
        %add3A_176 = arith.addi %mul3A_70, %add3A_175 : i32
        %get3A_177 = arith.index_cast %add3A_176 : i32 to index
        %get3A_178 = arith.constant 16 : index
        %get3A_179 = tpu.vector_load %arg7[%get3A_177, %get3A_178] {strides = array<i32>} : memref<72x256xf32, #tpu.memory_space<vmem>>, vector<1x16xf32>,
        %get3A_180 = vector.shape_cast %get3A_179 : vector<1x16xf32> to vector<16xf32>
        %add3A_181 = arith.constant 7 : i32
        %add3A_182 = arith.addi %mul3A_70, %add3A_181 : i32
        %get3A_183 = arith.index_cast %add3A_182 : i32 to index
        %get3A_184 = arith.constant 16 : index
        %get3A_185 = tpu.vector_load %arg7[%get3A_183, %get3A_184] {strides = array<i32>} : memref<72x256xf32, #tpu.memory_space<vmem>>, vector<1x16xf32>,
        %get3A_186 = vector.shape_cast %get3A_185 : vector<1x16xf32> to vector<16xf32>
        %add3A_187 = arith.addf %get3A_180, %get3A_186 : vector<16xf32>
        %add3A_188 = arith.addf %add3A_148, %add3A_161 : vector<16xf32>
        %add3A_189 = arith.addf %add3A_174, %add3A_187 : vector<16xf32>
        %add3A_190 = arith.addf %add3A_188, %add3A_189 : vector<16xf32>
        %add3A_191 = arith.constant 8 : i32
        %add3A_192 = arith.addi %mul3A_70, %add3A_191 : i32
        %get3A_193 = arith.index_cast %add3A_192 : i32 to index
        %get3A_194 = arith.constant 16 : index
        %get3A_195 = tpu.vector_load %arg7[%get3A_193, %get3A_194] {strides = array<i32>} : memref<72x256xf32, #tpu.memory_space<vmem>>, vector<1x16xf32>,
        %get3A_196 = vector.shape_cast %get3A_195 : vector<1x16xf32> to vector<16xf32>
        %add3A_197 = arith.addf %add3A_190, %get3A_196 : vector<16xf32>
        %swap3A_198 = arith.index_cast %scan3A_67 : i32 to index
        %swap3A_199 = arith.constant 16 : index
        %swap3A_200 = tpu.vector_load %arg8[%swap3A_198, %swap3A_199] {strides = array<i32>} : memref<8x256xf32, #tpu.memory_space<vmem>>, vector<1x16xf32>,
        %swap3A_201 = vector.shape_cast %swap3A_200 : vector<1x16xf32> to vector<16xf32>
        %swap3A_202 = vector.shape_cast %add3A_197 : vector<16xf32> to vector<1x16xf32>
        tpu.vector_store %arg8[%swap3A_198, %swap3A_199], %swap3A_202 {strides = array<i32>} : memref<8x256xf32, #tpu.memory_space<vmem>>, vector<1x16xf32>,
        %add3A_203 = arith.constant 0 : i32
        %add3A_204 = arith.addi %mul3A_70, %add3A_203 : i32
        %get3A_205 = arith.index_cast %add3A_204 : i32 to index
        %get3A_206 = arith.constant 32 : index
        %get3A_207 = tpu.vector_load %arg7[%get3A_205, %get3A_206] {strides = array<i32>} : memref<72x256xf32, #tpu.memory_space<vmem>>, vector<1x16xf32>,
        %get3A_208 = vector.shape_cast %get3A_207 : vector<1x16xf32> to vector<16xf32>
        %add3A_209 = arith.constant 1 : i32
        %add3A_210 = arith.addi %mul3A_70, %add3A_209 : i32
        %get3A_211 = arith.index_cast %add3A_210 : i32 to index
        %get3A_212 = arith.constant 32 : index
        %get3A_213 = tpu.vector_load %arg7[%get3A_211, %get3A_212] {strides = array<i32>} : memref<72x256xf32, #tpu.memory_space<vmem>>, vector<1x16xf32>,
        %get3A_214 = vector.shape_cast %get3A_213 : vector<1x16xf32> to vector<16xf32>
        %add3A_215 = arith.addf %get3A_208, %get3A_214 : vector<16xf32>
        %add3A_216 = arith.constant 2 : i32
        %add3A_217 = arith.addi %mul3A_70, %add3A_216 : i32
        %get3A_218 = arith.index_cast %add3A_217 : i32 to index
        %get3A_219 = arith.constant 32 : index
        %get3A_220 = tpu.vector_load %arg7[%get3A_218, %get3A_219] {strides = array<i32>} : memref<72x256xf32, #tpu.memory_space<vmem>>, vector<1x16xf32>,
        %get3A_221 = vector.shape_cast %get3A_220 : vector<1x16xf32> to vector<16xf32>
        %add3A_222 = arith.constant 3 : i32
        %add3A_223 = arith.addi %mul3A_70, %add3A_222 : i32
        %get3A_224 = arith.index_cast %add3A_223 : i32 to index
        %get3A_225 = arith.constant 32 : index
        %get3A_226 = tpu.vector_load %arg7[%get3A_224, %get3A_225] {strides = array<i32>} : memref<72x256xf32, #tpu.memory_space<vmem>>, vector<1x16xf32>,
        %get3A_227 = vector.shape_cast %get3A_226 : vector<1x16xf32> to vector<16xf32>
        %add3A_228 = arith.addf %get3A_221, %get3A_227 : vector<16xf32>
        %add3A_229 = arith.constant 4 : i32
        %add3A_230 = arith.addi %mul3A_70, %add3A_229 : i32
        %get3A_231 = arith.index_cast %add3A_230 : i32 to index
        %get3A_232 = arith.constant 32 : index
        %get3A_233 = tpu.vector_load %arg7[%get3A_231, %get3A_232] {strides = array<i32>} : memref<72x256xf32, #tpu.memory_space<vmem>>, vector<1x16xf32>,
        %get3A_234 = vector.shape_cast %get3A_233 : vector<1x16xf32> to vector<16xf32>
        %add3A_235 = arith.constant 5 : i32
        %add3A_236 = arith.addi %mul3A_70, %add3A_235 : i32
        %get3A_237 = arith.index_cast %add3A_236 : i32 to index
        %get3A_238 = arith.constant 32 : index
        %get3A_239 = tpu.vector_load %arg7[%get3A_237, %get3A_238] {strides = array<i32>} : memref<72x256xf32, #tpu.memory_space<vmem>>, vector<1x16xf32>,
        %get3A_240 = vector.shape_cast %get3A_239 : vector<1x16xf32> to vector<16xf32>
        %add3A_241 = arith.addf %get3A_234, %get3A_240 : vector<16xf32>
        %add3A_242 = arith.constant 6 : i32
        %add3A_243 = arith.addi %mul3A_70, %add3A_242 : i32
        %get3A_244 = arith.index_cast %add3A_243 : i32 to index
        %get3A_245 = arith.constant 32 : index
        %get3A_246 = tpu.vector_load %arg7[%get3A_244, %get3A_245] {strides = array<i32>} : memref<72x256xf32, #tpu.memory_space<vmem>>, vector<1x16xf32>,
        %get3A_247 = vector.shape_cast %get3A_246 : vector<1x16xf32> to vector<16xf32>
        %add3A_248 = arith.constant 7 : i32
        %add3A_249 = arith.addi %mul3A_70, %add3A_248 : i32
        %get3A_250 = arith.index_cast %add3A_249 : i32 to index
        %get3A_251 = arith.constant 32 : index
        %get3A_252 = tpu.vector_load %arg7[%get3A_250, %get3A_251] {strides = array<i32>} : memref<72x256xf32, #tpu.memory_space<vmem>>, vector<1x16xf32>,
        %get3A_253 = vector.shape_cast %get3A_252 : vector<1x16xf32> to vector<16xf32>
        %add3A_254 = arith.addf %get3A_247, %get3A_253 : vector<16xf32>
        %add3A_255 = arith.addf %add3A_215, %add3A_228 : vector<16xf32>
        %add3A_256 = arith.addf %add3A_241, %add3A_254 : vector<16xf32>
        %add3A_257 = arith.addf %add3A_255, %add3A_256 : vector<16xf32>
        %add3A_258 = arith.constant 8 : i32
        %add3A_259 = arith.addi %mul3A_70, %add3A_258 : i32
        %get3A_260 = arith.index_cast %add3A_259 : i32 to index
        %get3A_261 = arith.constant 32 : index
        %get3A_262 = tpu.vector_load %arg7[%get3A_260, %get3A_261] {strides = array<i32>} : memref<72x256xf32, #tpu.memory_space<vmem>>, vector<1x16xf32>,
        %get3A_263 = vector.shape_cast %get3A_262 : vector<1x16xf32> to vector<16xf32>
        %add3A_264 = arith.addf %add3A_257, %get3A_263 : vector<16xf32>
        %swap3A_265 = arith.index_cast %scan3A_67 : i32 to index
        %swap3A_266 = arith.constant 32 : index
        %swap3A_267 = tpu.vector_load %arg8[%swap3A_265, %swap3A_266] {strides = array<i32>} : memref<8x256xf32, #tpu.memory_space<vmem>>, vector<1x16xf32>,
        %swap3A_268 = vector.shape_cast %swap3A_267 : vector<1x16xf32> to vector<16xf32>
        %swap3A_269 = vector.shape_cast %add3A_264 : vector<16xf32> to vector<1x16xf32>
        tpu.vector_store %arg8[%swap3A_265, %swap3A_266], %swap3A_269 {strides = array<i32>} : memref<8x256xf32, #tpu.memory_space<vmem>>, vector<1x16xf32>,
        %add3A_270 = arith.constant 0 : i32
        %add3A_271 = arith.addi %mul3A_70, %add3A_270 : i32
        %get3A_272 = arith.index_cast %add3A_271 : i32 to index
        %get3A_273 = arith.constant 48 : index
        %get3A_274 = tpu.vector_load %arg7[%get3A_272, %get3A_273] {strides = array<i32>} : memref<72x256xf32, #tpu.memory_space<vmem>>, vector<1x16xf32>,
        %get3A_275 = vector.shape_cast %get3A_274 : vector<1x16xf32> to vector<16xf32>
        %add3A_276 = arith.constant 1 : i32
        %add3A_277 = arith.addi %mul3A_70, %add3A_276 : i32
        %get3A_278 = arith.index_cast %add3A_277 : i32 to index
        %get3A_279 = arith.constant 48 : index
        %get3A_280 = tpu.vector_load %arg7[%get3A_278, %get3A_279] {strides = array<i32>} : memref<72x256xf32, #tpu.memory_space<vmem>>, vector<1x16xf32>,
        %get3A_281 = vector.shape_cast %get3A_280 : vector<1x16xf32> to vector<16xf32>
        %add3A_282 = arith.addf %get3A_275, %get3A_281 : vector<16xf32>
        %add3A_283 = arith.constant 2 : i32
        %add3A_284 = arith.addi %mul3A_70, %add3A_283 : i32
        %get3A_285 = arith.index_cast %add3A_284 : i32 to index
        %get3A_286 = arith.constant 48 : index
        %get3A_287 = tpu.vector_load %arg7[%get3A_285, %get3A_286] {strides = array<i32>} : memref<72x256xf32, #tpu.memory_space<vmem>>, vector<1x16xf32>,
        %get3A_288 = vector.shape_cast %get3A_287 : vector<1x16xf32> to vector<16xf32>
        %add3A_289 = arith.constant 3 : i32
        %add3A_290 = arith.addi %mul3A_70, %add3A_289 : i32
        %get3A_291 = arith.index_cast %add3A_290 : i32 to index
        %get3A_292 = arith.constant 48 : index
        %get3A_293 = tpu.vector_load %arg7[%get3A_291, %get3A_292] {strides = array<i32>} : memref<72x256xf32, #tpu.memory_space<vmem>>, vector<1x16xf32>,
        %get3A_294 = vector.shape_cast %get3A_293 : vector<1x16xf32> to vector<16xf32>
        %add3A_295 = arith.addf %get3A_288, %get3A_294 : vector<16xf32>
        %add3A_296 = arith.constant 4 : i32
        %add3A_297 = arith.addi %mul3A_70, %add3A_296 : i32
        %get3A_298 = arith.index_cast %add3A_297 : i32 to index
        %get3A_299 = arith.constant 48 : index
        %get3A_300 = tpu.vector_load %arg7[%get3A_298, %get3A_299] {strides = array<i32>} : memref<72x256xf32, #tpu.memory_space<vmem>>, vector<1x16xf32>,
        %get3A_301 = vector.shape_cast %get3A_300 : vector<1x16xf32> to vector<16xf32>
        %add3A_302 = arith.constant 5 : i32
        %add3A_303 = arith.addi %mul3A_70, %add3A_302 : i32
        %get3A_304 = arith.index_cast %add3A_303 : i32 to index
        %get3A_305 = arith.constant 48 : index
        %get3A_306 = tpu.vector_load %arg7[%get3A_304, %get3A_305] {strides = array<i32>} : memref<72x256xf32, #tpu.memory_space<vmem>>, vector<1x16xf32>,
        %get3A_307 = vector.shape_cast %get3A_306 : vector<1x16xf32> to vector<16xf32>
        %add3A_308 = arith.addf %get3A_301, %get3A_307 : vector<16xf32>
        %add3A_309 = arith.constant 6 : i32
        %add3A_310 = arith.addi %mul3A_70, %add3A_309 : i32
        %get3A_311 = arith.index_cast %add3A_310 : i32 to index
        %get3A_312 = arith.constant 48 : index
        %get3A_313 = tpu.vector_load %arg7[%get3A_311, %get3A_312] {strides = array<i32>} : memref<72x256xf32, #tpu.memory_space<vmem>>, vector<1x16xf32>,
        %get3A_314 = vector.shape_cast %get3A_313 : vector<1x16xf32> to vector<16xf32>
        %add3A_315 = arith.constant 7 : i32
        %add3A_316 = arith.addi %mul3A_70, %add3A_315 : i32
        %get3A_317 = arith.index_cast %add3A_316 : i32 to index
        %get3A_318 = arith.constant 48 : index
        %get3A_319 = tpu.vector_load %arg7[%get3A_317, %get3A_318] {strides = array<i32>} : memref<72x256xf32, #tpu.memory_space<vmem>>, vector<1x16xf32>,
        %get3A_320 = vector.shape_cast %get3A_319 : vector<1x16xf32> to vector<16xf32>
        %add3A_321 = arith.addf %get3A_314, %get3A_320 : vector<16xf32>
        %add3A_322 = arith.addf %add3A_282, %add3A_295 : vector<16xf32>
        %add3A_323 = arith.addf %add3A_308, %add3A_321 : vector<16xf32>
        %add3A_324 = arith.addf %add3A_322, %add3A_323 : vector<16xf32>
        %add3A_325 = arith.constant 8 : i32
        %add3A_326 = arith.addi %mul3A_70, %add3A_325 : i32
        %get3A_327 = arith.index_cast %add3A_326 : i32 to index
        %get3A_328 = arith.constant 48 : index
        %get3A_329 = tpu.vector_load %arg7[%get3A_327, %get3A_328] {strides = array<i32>} : memref<72x256xf32, #tpu.memory_space<vmem>>, vector<1x16xf32>,
        %get3A_330 = vector.shape_cast %get3A_329 : vector<1x16xf32> to vector<16xf32>
        %add3A_331 = arith.addf %add3A_324, %get3A_330 : vector<16xf32>
        %swap3A_332 = arith.index_cast %scan3A_67 : i32 to index
        %swap3A_333 = arith.constant 48 : index
        %swap3A_334 = tpu.vector_load %arg8[%swap3A_332, %swap3A_333] {strides = array<i32>} : memref<8x256xf32, #tpu.memory_space<vmem>>, vector<1x16xf32>,
        %swap3A_335 = vector.shape_cast %swap3A_334 : vector<1x16xf32> to vector<16xf32>
        %swap3A_336 = vector.shape_cast %add3A_331 : vector<16xf32> to vector<1x16xf32>
        tpu.vector_store %arg8[%swap3A_332, %swap3A_333], %swap3A_336 {strides = array<i32>} : memref<8x256xf32, #tpu.memory_space<vmem>>, vector<1x16xf32>,
        %add3A_337 = arith.constant 0 : i32
        %add3A_338 = arith.addi %mul3A_70, %add3A_337 : i32
        %get3A_339 = arith.index_cast %add3A_338 : i32 to index
        %get3A_340 = arith.constant 64 : index
        %get3A_341 = tpu.vector_load %arg7[%get3A_339, %get3A_340] {strides = array<i32>} : memref<72x256xf32, #tpu.memory_space<vmem>>, vector<1x16xf32>,
        %get3A_342 = vector.shape_cast %get3A_341 : vector<1x16xf32> to vector<16xf32>
        %add3A_343 = arith.constant 1 : i32
        %add3A_344 = arith.addi %mul3A_70, %add3A_343 : i32
        %get3A_345 = arith.index_cast %add3A_344 : i32 to index
        %get3A_346 = arith.constant 64 : index
        %get3A_347 = tpu.vector_load %arg7[%get3A_345, %get3A_346] {strides = array<i32>} : memref<72x256xf32, #tpu.memory_space<vmem>>, vector<1x16xf32>,
        %get3A_348 = vector.shape_cast %get3A_347 : vector<1x16xf32> to vector<16xf32>
        %add3A_349 = arith.addf %get3A_342, %get3A_348 : vector<16xf32>
        %add3A_350 = arith.constant 2 : i32
        %add3A_351 = arith.addi %mul3A_70, %add3A_350 : i32
        %get3A_352 = arith.index_cast %add3A_351 : i32 to index
        %get3A_353 = arith.constant 64 : index
        %get3A_354 = tpu.vector_load %arg7[%get3A_352, %get3A_353] {strides = array<i32>} : memref<72x256xf32, #tpu.memory_space<vmem>>, vector<1x16xf32>,
        %get3A_355 = vector.shape_cast %get3A_354 : vector<1x16xf32> to vector<16xf32>
        %add3A_356 = arith.constant 3 : i32
        %add3A_357 = arith.addi %mul3A_70, %add3A_356 : i32
        %get3A_358 = arith.index_cast %add3A_357 : i32 to index
        %get3A_359 = arith.constant 64 : index
        %get3A_360 = tpu.vector_load %arg7[%get3A_358, %get3A_359] {strides = array<i32>} : memref<72x256xf32, #tpu.memory_space<vmem>>, vector<1x16xf32>,
        %get3A_361 = vector.shape_cast %get3A_360 : vector<1x16xf32> to vector<16xf32>
        %add3A_362 = arith.addf %get3A_355, %get3A_361 : vector<16xf32>
        %add3A_363 = arith.constant 4 : i32
        %add3A_364 = arith.addi %mul3A_70, %add3A_363 : i32
        %get3A_365 = arith.index_cast %add3A_364 : i32 to index
        %get3A_366 = arith.constant 64 : index
        %get3A_367 = tpu.vector_load %arg7[%get3A_365, %get3A_366] {strides = array<i32>} : memref<72x256xf32, #tpu.memory_space<vmem>>, vector<1x16xf32>,
        %get3A_368 = vector.shape_cast %get3A_367 : vector<1x16xf32> to vector<16xf32>
        %add3A_369 = arith.constant 5 : i32
        %add3A_370 = arith.addi %mul3A_70, %add3A_369 : i32
        %get3A_371 = arith.index_cast %add3A_370 : i32 to index
        %get3A_372 = arith.constant 64 : index
        %get3A_373 = tpu.vector_load %arg7[%get3A_371, %get3A_372] {strides = array<i32>} : memref<72x256xf32, #tpu.memory_space<vmem>>, vector<1x16xf32>,
        %get3A_374 = vector.shape_cast %get3A_373 : vector<1x16xf32> to vector<16xf32>
        %add3A_375 = arith.addf %get3A_368, %get3A_374 : vector<16xf32>
        %add3A_376 = arith.constant 6 : i32
        %add3A_377 = arith.addi %mul3A_70, %add3A_376 : i32
        %get3A_378 = arith.index_cast %add3A_377 : i32 to index
        %get3A_379 = arith.constant 64 : index
        %get3A_380 = tpu.vector_load %arg7[%get3A_378, %get3A_379] {strides = array<i32>} : memref<72x256xf32, #tpu.memory_space<vmem>>, vector<1x16xf32>,
        %get3A_381 = vector.shape_cast %get3A_380 : vector<1x16xf32> to vector<16xf32>
        %add3A_382 = arith.constant 7 : i32
        %add3A_383 = arith.addi %mul3A_70, %add3A_382 : i32
        %get3A_384 = arith.index_cast %add3A_383 : i32 to index
        %get3A_385 = arith.constant 64 : index
        %get3A_386 = tpu.vector_load %arg7[%get3A_384, %get3A_385] {strides = array<i32>} : memref<72x256xf32, #tpu.memory_space<vmem>>, vector<1x16xf32>,
        %get3A_387 = vector.shape_cast %get3A_386 : vector<1x16xf32> to vector<16xf32>
        %add3A_388 = arith.addf %get3A_381, %get3A_387 : vector<16xf32>
        %add3A_389 = arith.addf %add3A_349, %add3A_362 : vector<16xf32>
        %add3A_390 = arith.addf %add3A_375, %add3A_388 : vector<16xf32>
        %add3A_391 = arith.addf %add3A_389, %add3A_390 : vector<16xf32>
        %add3A_392 = arith.constant 8 : i32
        %add3A_393 = arith.addi %mul3A_70, %add3A_392 : i32
        %get3A_394 = arith.index_cast %add3A_393 : i32 to index
        %get3A_395 = arith.constant 64 : index
        %get3A_396 = tpu.vector_load %arg7[%get3A_394, %get3A_395] {strides = array<i32>} : memref<72x256xf32, #tpu.memory_space<vmem>>, vector<1x16xf32>,
        %get3A_397 = vector.shape_cast %get3A_396 : vector<1x16xf32> to vector<16xf32>
        %add3A_398 = arith.addf %add3A_391, %get3A_397 : vector<16xf32>
        %swap3A_399 = arith.index_cast %scan3A_67 : i32 to index
        %swap3A_400 = arith.constant 64 : index
        %swap3A_401 = tpu.vector_load %arg8[%swap3A_399, %swap3A_400] {strides = array<i32>} : memref<8x256xf32, #tpu.memory_space<vmem>>, vector<1x16xf32>,
        %swap3A_402 = vector.shape_cast %swap3A_401 : vector<1x16xf32> to vector<16xf32>
        %swap3A_403 = vector.shape_cast %add3A_398 : vector<16xf32> to vector<1x16xf32>
        tpu.vector_store %arg8[%swap3A_399, %swap3A_400], %swap3A_403 {strides = array<i32>} : memref<8x256xf32, #tpu.memory_space<vmem>>, vector<1x16xf32>,
        %add3A_404 = arith.constant 0 : i32
        %add3A_405 = arith.addi %mul3A_70, %add3A_404 : i32
        %get3A_406 = arith.index_cast %add3A_405 : i32 to index
        %get3A_407 = arith.constant 80 : index
        %get3A_408 = tpu.vector_load %arg7[%get3A_406, %get3A_407] {strides = array<i32>} : memref<72x256xf32, #tpu.memory_space<vmem>>, vector<1x16xf32>,
        %get3A_409 = vector.shape_cast %get3A_408 : vector<1x16xf32> to vector<16xf32>
        %add3A_410 = arith.constant 1 : i32
        %add3A_411 = arith.addi %mul3A_70, %add3A_410 : i32
        %get3A_412 = arith.index_cast %add3A_411 : i32 to index
        %get3A_413 = arith.constant 80 : index
        %get3A_414 = tpu.vector_load %arg7[%get3A_412, %get3A_413] {strides = array<i32>} : memref<72x256xf32, #tpu.memory_space<vmem>>, vector<1x16xf32>,
        %get3A_415 = vector.shape_cast %get3A_414 : vector<1x16xf32> to vector<16xf32>
        %add3A_416 = arith.addf %get3A_409, %get3A_415 : vector<16xf32>
        %add3A_417 = arith.constant 2 : i32
        %add3A_418 = arith.addi %mul3A_70, %add3A_417 : i32
        %get3A_419 = arith.index_cast %add3A_418 : i32 to index
        %get3A_420 = arith.constant 80 : index
        %get3A_421 = tpu.vector_load %arg7[%get3A_419, %get3A_420] {strides = array<i32>} : memref<72x256xf32, #tpu.memory_space<vmem>>, vector<1x16xf32>,
        %get3A_422 = vector.shape_cast %get3A_421 : vector<1x16xf32> to vector<16xf32>
        %add3A_423 = arith.constant 3 : i32
        %add3A_424 = arith.addi %mul3A_70, %add3A_423 : i32
        %get3A_425 = arith.index_cast %add3A_424 : i32 to index
        %get3A_426 = arith.constant 80 : index
        %get3A_427 = tpu.vector_load %arg7[%get3A_425, %get3A_426] {strides = array<i32>} : memref<72x256xf32, #tpu.memory_space<vmem>>, vector<1x16xf32>,
        %get3A_428 = vector.shape_cast %get3A_427 : vector<1x16xf32> to vector<16xf32>
        %add3A_429 = arith.addf %get3A_422, %get3A_428 : vector<16xf32>
        %add3A_430 = arith.constant 4 : i32
        %add3A_431 = arith.addi %mul3A_70, %add3A_430 : i32
        %get3A_432 = arith.index_cast %add3A_431 : i32 to index
        %get3A_433 = arith.constant 80 : index
        %get3A_434 = tpu.vector_load %arg7[%get3A_432, %get3A_433] {strides = array<i32>} : memref<72x256xf32, #tpu.memory_space<vmem>>, vector<1x16xf32>,
        %get3A_435 = vector.shape_cast %get3A_434 : vector<1x16xf32> to vector<16xf32>
        %add3A_436 = arith.constant 5 : i32
        %add3A_437 = arith.addi %mul3A_70, %add3A_436 : i32
        %get3A_438 = arith.index_cast %add3A_437 : i32 to index
        %get3A_439 = arith.constant 80 : index
        %get3A_440 = tpu.vector_load %arg7[%get3A_438, %get3A_439] {strides = array<i32>} : memref<72x256xf32, #tpu.memory_space<vmem>>, vector<1x16xf32>,
        %get3A_441 = vector.shape_cast %get3A_440 : vector<1x16xf32> to vector<16xf32>
        %add3A_442 = arith.addf %get3A_435, %get3A_441 : vector<16xf32>
        %add3A_443 = arith.constant 6 : i32
        %add3A_444 = arith.addi %mul3A_70, %add3A_443 : i32
        %get3A_445 = arith.index_cast %add3A_444 : i32 to index
        %get3A_446 = arith.constant 80 : index
        %get3A_447 = tpu.vector_load %arg7[%get3A_445, %get3A_446] {strides = array<i32>} : memref<72x256xf32, #tpu.memory_space<vmem>>, vector<1x16xf32>,
        %get3A_448 = vector.shape_cast %get3A_447 : vector<1x16xf32> to vector<16xf32>
        %add3A_449 = arith.constant 7 : i32
        %add3A_450 = arith.addi %mul3A_70, %add3A_449 : i32
        %get3A_451 = arith.index_cast %add3A_450 : i32 to index
        %get3A_452 = arith.constant 80 : index
        %get3A_453 = tpu.vector_load %arg7[%get3A_451, %get3A_452] {strides = array<i32>} : memref<72x256xf32, #tpu.memory_space<vmem>>, vector<1x16xf32>,
        %get3A_454 = vector.shape_cast %get3A_453 : vector<1x16xf32> to vector<16xf32>
        %add3A_455 = arith.addf %get3A_448, %get3A_454 : vector<16xf32>
        %add3A_456 = arith.addf %add3A_416, %add3A_429 : vector<16xf32>
        %add3A_457 = arith.addf %add3A_442, %add3A_455 : vector<16xf32>
        %add3A_458 = arith.addf %add3A_456, %add3A_457 : vector<16xf32>
        %add3A_459 = arith.constant 8 : i32
        %add3A_460 = arith.addi %mul3A_70, %add3A_459 : i32
        %get3A_461 = arith.index_cast %add3A_460 : i32 to index
        %get3A_462 = arith.constant 80 : index
        %get3A_463 = tpu.vector_load %arg7[%get3A_461, %get3A_462] {strides = array<i32>} : memref<72x256xf32, #tpu.memory_space<vmem>>, vector<1x16xf32>,
        %get3A_464 = vector.shape_cast %get3A_463 : vector<1x16xf32> to vector<16xf32>
        %add3A_465 = arith.addf %add3A_458, %get3A_464 : vector<16xf32>
        %swap3A_466 = arith.index_cast %scan3A_67 : i32 to index
        %swap3A_467 = arith.constant 80 : index
        %swap3A_468 = tpu.vector_load %arg8[%swap3A_466, %swap3A_467] {strides = array<i32>} : memref<8x256xf32, #tpu.memory_space<vmem>>, vector<1x16xf32>,
        %swap3A_469 = vector.shape_cast %swap3A_468 : vector<1x16xf32> to vector<16xf32>
        %swap3A_470 = vector.shape_cast %add3A_465 : vector<16xf32> to vector<1x16xf32>
        tpu.vector_store %arg8[%swap3A_466, %swap3A_467], %swap3A_470 {strides = array<i32>} : memref<8x256xf32, #tpu.memory_space<vmem>>, vector<1x16xf32>,
        %add3A_471 = arith.constant 0 : i32
        %add3A_472 = arith.addi %mul3A_70, %add3A_471 : i32
        %get3A_473 = arith.index_cast %add3A_472 : i32 to index
        %get3A_474 = arith.constant 96 : index
        %get3A_475 = tpu.vector_load %arg7[%get3A_473, %get3A_474] {strides = array<i32>} : memref<72x256xf32, #tpu.memory_space<vmem>>, vector<1x16xf32>,
        %get3A_476 = vector.shape_cast %get3A_475 : vector<1x16xf32> to vector<16xf32>
        %add3A_477 = arith.constant 1 : i32
        %add3A_478 = arith.addi %mul3A_70, %add3A_477 : i32
        %get3A_479 = arith.index_cast %add3A_478 : i32 to index
        %get3A_480 = arith.constant 96 : index
        %get3A_481 = tpu.vector_load %arg7[%get3A_479, %get3A_480] {strides = array<i32>} : memref<72x256xf32, #tpu.memory_space<vmem>>, vector<1x16xf32>,
        %get3A_482 = vector.shape_cast %get3A_481 : vector<1x16xf32> to vector<16xf32>
        %add3A_483 = arith.addf %get3A_476, %get3A_482 : vector<16xf32>
        %add3A_484 = arith.constant 2 : i32
        %add3A_485 = arith.addi %mul3A_70, %add3A_484 : i32
        %get3A_486 = arith.index_cast %add3A_485 : i32 to index
        %get3A_487 = arith.constant 96 : index
        %get3A_488 = tpu.vector_load %arg7[%get3A_486, %get3A_487] {strides = array<i32>} : memref<72x256xf32, #tpu.memory_space<vmem>>, vector<1x16xf32>,
        %get3A_489 = vector.shape_cast %get3A_488 : vector<1x16xf32> to vector<16xf32>
        %add3A_490 = arith.constant 3 : i32
        %add3A_491 = arith.addi %mul3A_70, %add3A_490 : i32
        %get3A_492 = arith.index_cast %add3A_491 : i32 to index
        %get3A_493 = arith.constant 96 : index
        %get3A_494 = tpu.vector_load %arg7[%get3A_492, %get3A_493] {strides = array<i32>} : memref<72x256xf32, #tpu.memory_space<vmem>>, vector<1x16xf32>,
        %get3A_495 = vector.shape_cast %get3A_494 : vector<1x16xf32> to vector<16xf32>
        %add3A_496 = arith.addf %get3A_489, %get3A_495 : vector<16xf32>
        %add3A_497 = arith.constant 4 : i32
        %add3A_498 = arith.addi %mul3A_70, %add3A_497 : i32
        %get3A_499 = arith.index_cast %add3A_498 : i32 to index
        %get3A_500 = arith.constant 96 : index
        %get3A_501 = tpu.vector_load %arg7[%get3A_499, %get3A_500] {strides = array<i32>} : memref<72x256xf32, #tpu.memory_space<vmem>>, vector<1x16xf32>,
        %get3A_502 = vector.shape_cast %get3A_501 : vector<1x16xf32> to vector<16xf32>
        %add3A_503 = arith.constant 5 : i32
        %add3A_504 = arith.addi %mul3A_70, %add3A_503 : i32
        %get3A_505 = arith.index_cast %add3A_504 : i32 to index
        %get3A_506 = arith.constant 96 : index
        %get3A_507 = tpu.vector_load %arg7[%get3A_505, %get3A_506] {strides = array<i32>} : memref<72x256xf32, #tpu.memory_space<vmem>>, vector<1x16xf32>,
        %get3A_508 = vector.shape_cast %get3A_507 : vector<1x16xf32> to vector<16xf32>
        %add3A_509 = arith.addf %get3A_502, %get3A_508 : vector<16xf32>
        %add3A_510 = arith.constant 6 : i32
        %add3A_511 = arith.addi %mul3A_70, %add3A_510 : i32
        %get3A_512 = arith.index_cast %add3A_511 : i32 to index
        %get3A_513 = arith.constant 96 : index
        %get3A_514 = tpu.vector_load %arg7[%get3A_512, %get3A_513] {strides = array<i32>} : memref<72x256xf32, #tpu.memory_space<vmem>>, vector<1x16xf32>,
        %get3A_515 = vector.shape_cast %get3A_514 : vector<1x16xf32> to vector<16xf32>
        %add3A_516 = arith.constant 7 : i32
        %add3A_517 = arith.addi %mul3A_70, %add3A_516 : i32
        %get3A_518 = arith.index_cast %add3A_517 : i32 to index
        %get3A_519 = arith.constant 96 : index
        %get3A_520 = tpu.vector_load %arg7[%get3A_518, %get3A_519] {strides = array<i32>} : memref<72x256xf32, #tpu.memory_space<vmem>>, vector<1x16xf32>,
        %get3A_521 = vector.shape_cast %get3A_520 : vector<1x16xf32> to vector<16xf32>
        %add3A_522 = arith.addf %get3A_515, %get3A_521 : vector<16xf32>
        %add3A_523 = arith.addf %add3A_483, %add3A_496 : vector<16xf32>
        %add3A_524 = arith.addf %add3A_509, %add3A_522 : vector<16xf32>
        %add3A_525 = arith.addf %add3A_523, %add3A_524 : vector<16xf32>
        %add3A_526 = arith.constant 8 : i32
        %add3A_527 = arith.addi %mul3A_70, %add3A_526 : i32
        %get3A_528 = arith.index_cast %add3A_527 : i32 to index
        %get3A_529 = arith.constant 96 : index
        %get3A_530 = tpu.vector_load %arg7[%get3A_528, %get3A_529] {strides = array<i32>} : memref<72x256xf32, #tpu.memory_space<vmem>>, vector<1x16xf32>,
        %get3A_531 = vector.shape_cast %get3A_530 : vector<1x16xf32> to vector<16xf32>
        %add3A_532 = arith.addf %add3A_525, %get3A_531 : vector<16xf32>
        %swap3A_533 = arith.index_cast %scan3A_67 : i32 to index
        %swap3A_534 = arith.constant 96 : index
        %swap3A_535 = tpu.vector_load %arg8[%swap3A_533, %swap3A_534] {strides = array<i32>} : memref<8x256xf32, #tpu.memory_space<vmem>>, vector<1x16xf32>,
        %swap3A_536 = vector.shape_cast %swap3A_535 : vector<1x16xf32> to vector<16xf32>
        %swap3A_537 = vector.shape_cast %add3A_532 : vector<16xf32> to vector<1x16xf32>
        tpu.vector_store %arg8[%swap3A_533, %swap3A_534], %swap3A_537 {strides = array<i32>} : memref<8x256xf32, #tpu.memory_space<vmem>>, vector<1x16xf32>,
        %add3A_538 = arith.constant 0 : i32
        %add3A_539 = arith.addi %mul3A_70, %add3A_538 : i32
        %get3A_540 = arith.index_cast %add3A_539 : i32 to index
        %get3A_541 = arith.constant 112 : index
        %get3A_542 = tpu.vector_load %arg7[%get3A_540, %get3A_541] {strides = array<i32>} : memref<72x256xf32, #tpu.memory_space<vmem>>, vector<1x16xf32>,
        %get3A_543 = vector.shape_cast %get3A_542 : vector<1x16xf32> to vector<16xf32>
        %add3A_544 = arith.constant 1 : i32
        %add3A_545 = arith.addi %mul3A_70, %add3A_544 : i32
        %get3A_546 = arith.index_cast %add3A_545 : i32 to index
        %get3A_547 = arith.constant 112 : index
        %get3A_548 = tpu.vector_load %arg7[%get3A_546, %get3A_547] {strides = array<i32>} : memref<72x256xf32, #tpu.memory_space<vmem>>, vector<1x16xf32>,
        %get3A_549 = vector.shape_cast %get3A_548 : vector<1x16xf32> to vector<16xf32>
        %add3A_550 = arith.addf %get3A_543, %get3A_549 : vector<16xf32>
        %add3A_551 = arith.constant 2 : i32
        %add3A_552 = arith.addi %mul3A_70, %add3A_551 : i32
        %get3A_553 = arith.index_cast %add3A_552 : i32 to index
        %get3A_554 = arith.constant 112 : index
        %get3A_555 = tpu.vector_load %arg7[%get3A_553, %get3A_554] {strides = array<i32>} : memref<72x256xf32, #tpu.memory_space<vmem>>, vector<1x16xf32>,
        %get3A_556 = vector.shape_cast %get3A_555 : vector<1x16xf32> to vector<16xf32>
        %add3A_557 = arith.constant 3 : i32
        %add3A_558 = arith.addi %mul3A_70, %add3A_557 : i32
        %get3A_559 = arith.index_cast %add3A_558 : i32 to index
        %get3A_560 = arith.constant 112 : index
        %get3A_561 = tpu.vector_load %arg7[%get3A_559, %get3A_560] {strides = array<i32>} : memref<72x256xf32, #tpu.memory_space<vmem>>, vector<1x16xf32>,
        %get3A_562 = vector.shape_cast %get3A_561 : vector<1x16xf32> to vector<16xf32>
        %add3A_563 = arith.addf %get3A_556, %get3A_562 : vector<16xf32>
        %add3A_564 = arith.constant 4 : i32
        %add3A_565 = arith.addi %mul3A_70, %add3A_564 : i32
        %get3A_566 = arith.index_cast %add3A_565 : i32 to index
        %get3A_567 = arith.constant 112 : index
        %get3A_568 = tpu.vector_load %arg7[%get3A_566, %get3A_567] {strides = array<i32>} : memref<72x256xf32, #tpu.memory_space<vmem>>, vector<1x16xf32>,
        %get3A_569 = vector.shape_cast %get3A_568 : vector<1x16xf32> to vector<16xf32>
        %add3A_570 = arith.constant 5 : i32
        %add3A_571 = arith.addi %mul3A_70, %add3A_570 : i32
        %get3A_572 = arith.index_cast %add3A_571 : i32 to index
        %get3A_573 = arith.constant 112 : index
        %get3A_574 = tpu.vector_load %arg7[%get3A_572, %get3A_573] {strides = array<i32>} : memref<72x256xf32, #tpu.memory_space<vmem>>, vector<1x16xf32>,
        %get3A_575 = vector.shape_cast %get3A_574 : vector<1x16xf32> to vector<16xf32>
        %add3A_576 = arith.addf %get3A_569, %get3A_575 : vector<16xf32>
        %add3A_577 = arith.constant 6 : i32
        %add3A_578 = arith.addi %mul3A_70, %add3A_577 : i32
        %get3A_579 = arith.index_cast %add3A_578 : i32 to index
        %get3A_580 = arith.constant 112 : index
        %get3A_581 = tpu.vector_load %arg7[%get3A_579, %get3A_580] {strides = array<i32>} : memref<72x256xf32, #tpu.memory_space<vmem>>, vector<1x16xf32>,
        %get3A_582 = vector.shape_cast %get3A_581 : vector<1x16xf32> to vector<16xf32>
        %add3A_583 = arith.constant 7 : i32
        %add3A_584 = arith.addi %mul3A_70, %add3A_583 : i32
        %get3A_585 = arith.index_cast %add3A_584 : i32 to index
        %get3A_586 = arith.constant 112 : index
        %get3A_587 = tpu.vector_load %arg7[%get3A_585, %get3A_586] {strides = array<i32>} : memref<72x256xf32, #tpu.memory_space<vmem>>, vector<1x16xf32>,
        %get3A_588 = vector.shape_cast %get3A_587 : vector<1x16xf32> to vector<16xf32>
        %add3A_589 = arith.addf %get3A_582, %get3A_588 : vector<16xf32>
        %add3A_590 = arith.addf %add3A_550, %add3A_563 : vector<16xf32>
        %add3A_591 = arith.addf %add3A_576, %add3A_589 : vector<16xf32>
        %add3A_592 = arith.addf %add3A_590, %add3A_591 : vector<16xf32>
        %add3A_593 = arith.constant 8 : i32
        %add3A_594 = arith.addi %mul3A_70, %add3A_593 : i32
        %get3A_595 = arith.index_cast %add3A_594 : i32 to index
        %get3A_596 = arith.constant 112 : index
        %get3A_597 = tpu.vector_load %arg7[%get3A_595, %get3A_596] {strides = array<i32>} : memref<72x256xf32, #tpu.memory_space<vmem>>, vector<1x16xf32>,
        %get3A_598 = vector.shape_cast %get3A_597 : vector<1x16xf32> to vector<16xf32>
        %add3A_599 = arith.addf %add3A_592, %get3A_598 : vector<16xf32>
        %swap3A_600 = arith.index_cast %scan3A_67 : i32 to index
        %swap3A_601 = arith.constant 112 : index
        %swap3A_602 = tpu.vector_load %arg8[%swap3A_600, %swap3A_601] {strides = array<i32>} : memref<8x256xf32, #tpu.memory_space<vmem>>, vector<1x16xf32>,
        %swap3A_603 = vector.shape_cast %swap3A_602 : vector<1x16xf32> to vector<16xf32>
        %swap3A_604 = vector.shape_cast %add3A_599 : vector<16xf32> to vector<1x16xf32>
        tpu.vector_store %arg8[%swap3A_600, %swap3A_601], %swap3A_604 {strides = array<i32>} : memref<8x256xf32, #tpu.memory_space<vmem>>, vector<1x16xf32>,
        %add3A_605 = arith.constant 0 : i32
        %add3A_606 = arith.addi %mul3A_70, %add3A_605 : i32
        %get3A_607 = arith.index_cast %add3A_606 : i32 to index
        %get3A_608 = arith.constant 128 : index
        %get3A_609 = tpu.vector_load %arg7[%get3A_607, %get3A_608] {strides = array<i32>} : memref<72x256xf32, #tpu.memory_space<vmem>>, vector<1x16xf32>,
        %get3A_610 = vector.shape_cast %get3A_609 : vector<1x16xf32> to vector<16xf32>
        %add3A_611 = arith.constant 1 : i32
        %add3A_612 = arith.addi %mul3A_70, %add3A_611 : i32
        %get3A_613 = arith.index_cast %add3A_612 : i32 to index
        %get3A_614 = arith.constant 128 : index
        %get3A_615 = tpu.vector_load %arg7[%get3A_613, %get3A_614] {strides = array<i32>} : memref<72x256xf32, #tpu.memory_space<vmem>>, vector<1x16xf32>,
        %get3A_616 = vector.shape_cast %get3A_615 : vector<1x16xf32> to vector<16xf32>
        %add3A_617 = arith.addf %get3A_610, %get3A_616 : vector<16xf32>
        %add3A_618 = arith.constant 2 : i32
        %add3A_619 = arith.addi %mul3A_70, %add3A_618 : i32
        %get3A_620 = arith.index_cast %add3A_619 : i32 to index
        %get3A_621 = arith.constant 128 : index
        %get3A_622 = tpu.vector_load %arg7[%get3A_620, %get3A_621] {strides = array<i32>} : memref<72x256xf32, #tpu.memory_space<vmem>>, vector<1x16xf32>,
        %get3A_623 = vector.shape_cast %get3A_622 : vector<1x16xf32> to vector<16xf32>
        %add3A_624 = arith.constant 3 : i32
        %add3A_625 = arith.addi %mul3A_70, %add3A_624 : i32
        %get3A_626 = arith.index_cast %add3A_625 : i32 to index
        %get3A_627 = arith.constant 128 : index
        %get3A_628 = tpu.vector_load %arg7[%get3A_626, %get3A_627] {strides = array<i32>} : memref<72x256xf32, #tpu.memory_space<vmem>>, vector<1x16xf32>,
        %get3A_629 = vector.shape_cast %get3A_628 : vector<1x16xf32> to vector<16xf32>
        %add3A_630 = arith.addf %get3A_623, %get3A_629 : vector<16xf32>
        %add3A_631 = arith.constant 4 : i32
        %add3A_632 = arith.addi %mul3A_70, %add3A_631 : i32
        %get3A_633 = arith.index_cast %add3A_632 : i32 to index
        %get3A_634 = arith.constant 128 : index
        %get3A_635 = tpu.vector_load %arg7[%get3A_633, %get3A_634] {strides = array<i32>} : memref<72x256xf32, #tpu.memory_space<vmem>>, vector<1x16xf32>,
        %get3A_636 = vector.shape_cast %get3A_635 : vector<1x16xf32> to vector<16xf32>
        %add3A_637 = arith.constant 5 : i32
        %add3A_638 = arith.addi %mul3A_70, %add3A_637 : i32
        %get3A_639 = arith.index_cast %add3A_638 : i32 to index
        %get3A_640 = arith.constant 128 : index
        %get3A_641 = tpu.vector_load %arg7[%get3A_639, %get3A_640] {strides = array<i32>} : memref<72x256xf32, #tpu.memory_space<vmem>>, vector<1x16xf32>,
        %get3A_642 = vector.shape_cast %get3A_641 : vector<1x16xf32> to vector<16xf32>
        %add3A_643 = arith.addf %get3A_636, %get3A_642 : vector<16xf32>
        %add3A_644 = arith.constant 6 : i32
        %add3A_645 = arith.addi %mul3A_70, %add3A_644 : i32
        %get3A_646 = arith.index_cast %add3A_645 : i32 to index
        %get3A_647 = arith.constant 128 : index
        %get3A_648 = tpu.vector_load %arg7[%get3A_646, %get3A_647] {strides = array<i32>} : memref<72x256xf32, #tpu.memory_space<vmem>>, vector<1x16xf32>,
        %get3A_649 = vector.shape_cast %get3A_648 : vector<1x16xf32> to vector<16xf32>
        %add3A_650 = arith.constant 7 : i32
        %add3A_651 = arith.addi %mul3A_70, %add3A_650 : i32
        %get3A_652 = arith.index_cast %add3A_651 : i32 to index
        %get3A_653 = arith.constant 128 : index
        %get3A_654 = tpu.vector_load %arg7[%get3A_652, %get3A_653] {strides = array<i32>} : memref<72x256xf32, #tpu.memory_space<vmem>>, vector<1x16xf32>,
        %get3A_655 = vector.shape_cast %get3A_654 : vector<1x16xf32> to vector<16xf32>
        %add3A_656 = arith.addf %get3A_649, %get3A_655 : vector<16xf32>
        %add3A_657 = arith.addf %add3A_617, %add3A_630 : vector<16xf32>
        %add3A_658 = arith.addf %add3A_643, %add3A_656 : vector<16xf32>
        %add3A_659 = arith.addf %add3A_657, %add3A_658 : vector<16xf32>
        %add3A_660 = arith.constant 8 : i32
        %add3A_661 = arith.addi %mul3A_70, %add3A_660 : i32
        %get3A_662 = arith.index_cast %add3A_661 : i32 to index
        %get3A_663 = arith.constant 128 : index
        %get3A_664 = tpu.vector_load %arg7[%get3A_662, %get3A_663] {strides = array<i32>} : memref<72x256xf32, #tpu.memory_space<vmem>>, vector<1x16xf32>,
        %get3A_665 = vector.shape_cast %get3A_664 : vector<1x16xf32> to vector<16xf32>
        %add3A_666 = arith.addf %add3A_659, %get3A_665 : vector<16xf32>
        %swap3A_667 = arith.index_cast %scan3A_67 : i32 to index
        %swap3A_668 = arith.constant 128 : index
        %swap3A_669 = tpu.vector_load %arg8[%swap3A_667, %swap3A_668] {strides = array<i32>} : memref<8x256xf32, #tpu.memory_space<vmem>>, vector<1x16xf32>,
        %swap3A_670 = vector.shape_cast %swap3A_669 : vector<1x16xf32> to vector<16xf32>
        %swap3A_671 = vector.shape_cast %add3A_666 : vector<16xf32> to vector<1x16xf32>
        tpu.vector_store %arg8[%swap3A_667, %swap3A_668], %swap3A_671 {strides = array<i32>} : memref<8x256xf32, #tpu.memory_space<vmem>>, vector<1x16xf32>,
        %add3A_672 = arith.constant 0 : i32
        %add3A_673 = arith.addi %mul3A_70, %add3A_672 : i32
        %get3A_674 = arith.index_cast %add3A_673 : i32 to index
        %get3A_675 = arith.constant 144 : index
        %get3A_676 = tpu.vector_load %arg7[%get3A_674, %get3A_675] {strides = array<i32>} : memref<72x256xf32, #tpu.memory_space<vmem>>, vector<1x16xf32>,
        %get3A_677 = vector.shape_cast %get3A_676 : vector<1x16xf32> to vector<16xf32>
        %add3A_678 = arith.constant 1 : i32
        %add3A_679 = arith.addi %mul3A_70, %add3A_678 : i32
        %get3A_680 = arith.index_cast %add3A_679 : i32 to index
        %get3A_681 = arith.constant 144 : index
        %get3A_682 = tpu.vector_load %arg7[%get3A_680, %get3A_681] {strides = array<i32>} : memref<72x256xf32, #tpu.memory_space<vmem>>, vector<1x16xf32>,
        %get3A_683 = vector.shape_cast %get3A_682 : vector<1x16xf32> to vector<16xf32>
        %add3A_684 = arith.addf %get3A_677, %get3A_683 : vector<16xf32>
        %add3A_685 = arith.constant 2 : i32
        %add3A_686 = arith.addi %mul3A_70, %add3A_685 : i32
        %get3A_687 = arith.index_cast %add3A_686 : i32 to index
        %get3A_688 = arith.constant 144 : index
        %get3A_689 = tpu.vector_load %arg7[%get3A_687, %get3A_688] {strides = array<i32>} : memref<72x256xf32, #tpu.memory_space<vmem>>, vector<1x16xf32>,
        %get3A_690 = vector.shape_cast %get3A_689 : vector<1x16xf32> to vector<16xf32>
        %add3A_691 = arith.constant 3 : i32
        %add3A_692 = arith.addi %mul3A_70, %add3A_691 : i32
        %get3A_693 = arith.index_cast %add3A_692 : i32 to index
        %get3A_694 = arith.constant 144 : index
        %get3A_695 = tpu.vector_load %arg7[%get3A_693, %get3A_694] {strides = array<i32>} : memref<72x256xf32, #tpu.memory_space<vmem>>, vector<1x16xf32>,
        %get3A_696 = vector.shape_cast %get3A_695 : vector<1x16xf32> to vector<16xf32>
        %add3A_697 = arith.addf %get3A_690, %get3A_696 : vector<16xf32>
        %add3A_698 = arith.constant 4 : i32
        %add3A_699 = arith.addi %mul3A_70, %add3A_698 : i32
        %get3A_700 = arith.index_cast %add3A_699 : i32 to index
        %get3A_701 = arith.constant 144 : index
        %get3A_702 = tpu.vector_load %arg7[%get3A_700, %get3A_701] {strides = array<i32>} : memref<72x256xf32, #tpu.memory_space<vmem>>, vector<1x16xf32>,
        %get3A_703 = vector.shape_cast %get3A_702 : vector<1x16xf32> to vector<16xf32>
        %add3A_704 = arith.constant 5 : i32
        %add3A_705 = arith.addi %mul3A_70, %add3A_704 : i32
        %get3A_706 = arith.index_cast %add3A_705 : i32 to index
        %get3A_707 = arith.constant 144 : index
        %get3A_708 = tpu.vector_load %arg7[%get3A_706, %get3A_707] {strides = array<i32>} : memref<72x256xf32, #tpu.memory_space<vmem>>, vector<1x16xf32>,
        %get3A_709 = vector.shape_cast %get3A_708 : vector<1x16xf32> to vector<16xf32>
        %add3A_710 = arith.addf %get3A_703, %get3A_709 : vector<16xf32>
        %add3A_711 = arith.constant 6 : i32
        %add3A_712 = arith.addi %mul3A_70, %add3A_711 : i32
        %get3A_713 = arith.index_cast %add3A_712 : i32 to index
        %get3A_714 = arith.constant 144 : index
        %get3A_715 = tpu.vector_load %arg7[%get3A_713, %get3A_714] {strides = array<i32>} : memref<72x256xf32, #tpu.memory_space<vmem>>, vector<1x16xf32>,
        %get3A_716 = vector.shape_cast %get3A_715 : vector<1x16xf32> to vector<16xf32>
        %add3A_717 = arith.constant 7 : i32
        %add3A_718 = arith.addi %mul3A_70, %add3A_717 : i32
        %get3A_719 = arith.index_cast %add3A_718 : i32 to index
        %get3A_720 = arith.constant 144 : index
        %get3A_721 = tpu.vector_load %arg7[%get3A_719, %get3A_720] {strides = array<i32>} : memref<72x256xf32, #tpu.memory_space<vmem>>, vector<1x16xf32>,
        %get3A_722 = vector.shape_cast %get3A_721 : vector<1x16xf32> to vector<16xf32>
        %add3A_723 = arith.addf %get3A_716, %get3A_722 : vector<16xf32>
        %add3A_724 = arith.addf %add3A_684, %add3A_697 : vector<16xf32>
        %add3A_725 = arith.addf %add3A_710, %add3A_723 : vector<16xf32>
        %add3A_726 = arith.addf %add3A_724, %add3A_725 : vector<16xf32>
        %add3A_727 = arith.constant 8 : i32
        %add3A_728 = arith.addi %mul3A_70, %add3A_727 : i32
        %get3A_729 = arith.index_cast %add3A_728 : i32 to index
        %get3A_730 = arith.constant 144 : index
        %get3A_731 = tpu.vector_load %arg7[%get3A_729, %get3A_730] {strides = array<i32>} : memref<72x256xf32, #tpu.memory_space<vmem>>, vector<1x16xf32>,
        %get3A_732 = vector.shape_cast %get3A_731 : vector<1x16xf32> to vector<16xf32>
        %add3A_733 = arith.addf %add3A_726, %get3A_732 : vector<16xf32>
        %swap3A_734 = arith.index_cast %scan3A_67 : i32 to index
        %swap3A_735 = arith.constant 144 : index
        %swap3A_736 = tpu.vector_load %arg8[%swap3A_734, %swap3A_735] {strides = array<i32>} : memref<8x256xf32, #tpu.memory_space<vmem>>, vector<1x16xf32>,
        %swap3A_737 = vector.shape_cast %swap3A_736 : vector<1x16xf32> to vector<16xf32>
        %swap3A_738 = vector.shape_cast %add3A_733 : vector<16xf32> to vector<1x16xf32>
        tpu.vector_store %arg8[%swap3A_734, %swap3A_735], %swap3A_738 {strides = array<i32>} : memref<8x256xf32, #tpu.memory_space<vmem>>, vector<1x16xf32>,
        %add3A_739 = arith.constant 0 : i32
        %add3A_740 = arith.addi %mul3A_70, %add3A_739 : i32
        %get3A_741 = arith.index_cast %add3A_740 : i32 to index
        %get3A_742 = arith.constant 160 : index
        %get3A_743 = tpu.vector_load %arg7[%get3A_741, %get3A_742] {strides = array<i32>} : memref<72x256xf32, #tpu.memory_space<vmem>>, vector<1x16xf32>,
        %get3A_744 = vector.shape_cast %get3A_743 : vector<1x16xf32> to vector<16xf32>
        %add3A_745 = arith.constant 1 : i32
        %add3A_746 = arith.addi %mul3A_70, %add3A_745 : i32
        %get3A_747 = arith.index_cast %add3A_746 : i32 to index
        %get3A_748 = arith.constant 160 : index
        %get3A_749 = tpu.vector_load %arg7[%get3A_747, %get3A_748] {strides = array<i32>} : memref<72x256xf32, #tpu.memory_space<vmem>>, vector<1x16xf32>,
        %get3A_750 = vector.shape_cast %get3A_749 : vector<1x16xf32> to vector<16xf32>
        %add3A_751 = arith.addf %get3A_744, %get3A_750 : vector<16xf32>
        %add3A_752 = arith.constant 2 : i32
        %add3A_753 = arith.addi %mul3A_70, %add3A_752 : i32
        %get3A_754 = arith.index_cast %add3A_753 : i32 to index
        %get3A_755 = arith.constant 160 : index
        %get3A_756 = tpu.vector_load %arg7[%get3A_754, %get3A_755] {strides = array<i32>} : memref<72x256xf32, #tpu.memory_space<vmem>>, vector<1x16xf32>,
        %get3A_757 = vector.shape_cast %get3A_756 : vector<1x16xf32> to vector<16xf32>
        %add3A_758 = arith.constant 3 : i32
        %add3A_759 = arith.addi %mul3A_70, %add3A_758 : i32
        %get3A_760 = arith.index_cast %add3A_759 : i32 to index
        %get3A_761 = arith.constant 160 : index
        %get3A_762 = tpu.vector_load %arg7[%get3A_760, %get3A_761] {strides = array<i32>} : memref<72x256xf32, #tpu.memory_space<vmem>>, vector<1x16xf32>,
        %get3A_763 = vector.shape_cast %get3A_762 : vector<1x16xf32> to vector<16xf32>
        %add3A_764 = arith.addf %get3A_757, %get3A_763 : vector<16xf32>
        %add3A_765 = arith.constant 4 : i32
        %add3A_766 = arith.addi %mul3A_70, %add3A_765 : i32
        %get3A_767 = arith.index_cast %add3A_766 : i32 to index
        %get3A_768 = arith.constant 160 : index
        %get3A_769 = tpu.vector_load %arg7[%get3A_767, %get3A_768] {strides = array<i32>} : memref<72x256xf32, #tpu.memory_space<vmem>>, vector<1x16xf32>,
        %get3A_770 = vector.shape_cast %get3A_769 : vector<1x16xf32> to vector<16xf32>
        %add3A_771 = arith.constant 5 : i32
        %add3A_772 = arith.addi %mul3A_70, %add3A_771 : i32
        %get3A_773 = arith.index_cast %add3A_772 : i32 to index
        %get3A_774 = arith.constant 160 : index
        %get3A_775 = tpu.vector_load %arg7[%get3A_773, %get3A_774] {strides = array<i32>} : memref<72x256xf32, #tpu.memory_space<vmem>>, vector<1x16xf32>,
        %get3A_776 = vector.shape_cast %get3A_775 : vector<1x16xf32> to vector<16xf32>
        %add3A_777 = arith.addf %get3A_770, %get3A_776 : vector<16xf32>
        %add3A_778 = arith.constant 6 : i32
        %add3A_779 = arith.addi %mul3A_70, %add3A_778 : i32
        %get3A_780 = arith.index_cast %add3A_779 : i32 to index
        %get3A_781 = arith.constant 160 : index
        %get3A_782 = tpu.vector_load %arg7[%get3A_780, %get3A_781] {strides = array<i32>} : memref<72x256xf32, #tpu.memory_space<vmem>>, vector<1x16xf32>,
        %get3A_783 = vector.shape_cast %get3A_782 : vector<1x16xf32> to vector<16xf32>
        %add3A_784 = arith.constant 7 : i32
        %add3A_785 = arith.addi %mul3A_70, %add3A_784 : i32
        %get3A_786 = arith.index_cast %add3A_785 : i32 to index
        %get3A_787 = arith.constant 160 : index
        %get3A_788 = tpu.vector_load %arg7[%get3A_786, %get3A_787] {strides = array<i32>} : memref<72x256xf32, #tpu.memory_space<vmem>>, vector<1x16xf32>,
        %get3A_789 = vector.shape_cast %get3A_788 : vector<1x16xf32> to vector<16xf32>
        %add3A_790 = arith.addf %get3A_783, %get3A_789 : vector<16xf32>
        %add3A_791 = arith.addf %add3A_751, %add3A_764 : vector<16xf32>
        %add3A_792 = arith.addf %add3A_777, %add3A_790 : vector<16xf32>
        %add3A_793 = arith.addf %add3A_791, %add3A_792 : vector<16xf32>
        %add3A_794 = arith.constant 8 : i32
        %add3A_795 = arith.addi %mul3A_70, %add3A_794 : i32
        %get3A_796 = arith.index_cast %add3A_795 : i32 to index
        %get3A_797 = arith.constant 160 : index
        %get3A_798 = tpu.vector_load %arg7[%get3A_796, %get3A_797] {strides = array<i32>} : memref<72x256xf32, #tpu.memory_space<vmem>>, vector<1x16xf32>,
        %get3A_799 = vector.shape_cast %get3A_798 : vector<1x16xf32> to vector<16xf32>
        %add3A_800 = arith.addf %add3A_793, %get3A_799 : vector<16xf32>
        %swap3A_801 = arith.index_cast %scan3A_67 : i32 to index
        %swap3A_802 = arith.constant 160 : index
        %swap3A_803 = tpu.vector_load %arg8[%swap3A_801, %swap3A_802] {strides = array<i32>} : memref<8x256xf32, #tpu.memory_space<vmem>>, vector<1x16xf32>,
        %swap3A_804 = vector.shape_cast %swap3A_803 : vector<1x16xf32> to vector<16xf32>
        %swap3A_805 = vector.shape_cast %add3A_800 : vector<16xf32> to vector<1x16xf32>
        tpu.vector_store %arg8[%swap3A_801, %swap3A_802], %swap3A_805 {strides = array<i32>} : memref<8x256xf32, #tpu.memory_space<vmem>>, vector<1x16xf32>,
        %add3A_806 = arith.constant 0 : i32
        %add3A_807 = arith.addi %mul3A_70, %add3A_806 : i32
        %get3A_808 = arith.index_cast %add3A_807 : i32 to index
        %get3A_809 = arith.constant 176 : index
        %get3A_810 = tpu.vector_load %arg7[%get3A_808, %get3A_809] {strides = array<i32>} : memref<72x256xf32, #tpu.memory_space<vmem>>, vector<1x16xf32>,
        %get3A_811 = vector.shape_cast %get3A_810 : vector<1x16xf32> to vector<16xf32>
        %add3A_812 = arith.constant 1 : i32
        %add3A_813 = arith.addi %mul3A_70, %add3A_812 : i32
        %get3A_814 = arith.index_cast %add3A_813 : i32 to index
        %get3A_815 = arith.constant 176 : index
        %get3A_816 = tpu.vector_load %arg7[%get3A_814, %get3A_815] {strides = array<i32>} : memref<72x256xf32, #tpu.memory_space<vmem>>, vector<1x16xf32>,
        %get3A_817 = vector.shape_cast %get3A_816 : vector<1x16xf32> to vector<16xf32>
        %add3A_818 = arith.addf %get3A_811, %get3A_817 : vector<16xf32>
        %add3A_819 = arith.constant 2 : i32
        %add3A_820 = arith.addi %mul3A_70, %add3A_819 : i32
        %get3A_821 = arith.index_cast %add3A_820 : i32 to index
        %get3A_822 = arith.constant 176 : index
        %get3A_823 = tpu.vector_load %arg7[%get3A_821, %get3A_822] {strides = array<i32>} : memref<72x256xf32, #tpu.memory_space<vmem>>, vector<1x16xf32>,
        %get3A_824 = vector.shape_cast %get3A_823 : vector<1x16xf32> to vector<16xf32>
        %add3A_825 = arith.constant 3 : i32
        %add3A_826 = arith.addi %mul3A_70, %add3A_825 : i32
        %get3A_827 = arith.index_cast %add3A_826 : i32 to index
        %get3A_828 = arith.constant 176 : index
        %get3A_829 = tpu.vector_load %arg7[%get3A_827, %get3A_828] {strides = array<i32>} : memref<72x256xf32, #tpu.memory_space<vmem>>, vector<1x16xf32>,
        %get3A_830 = vector.shape_cast %get3A_829 : vector<1x16xf32> to vector<16xf32>
        %add3A_831 = arith.addf %get3A_824, %get3A_830 : vector<16xf32>
        %add3A_832 = arith.constant 4 : i32
        %add3A_833 = arith.addi %mul3A_70, %add3A_832 : i32
        %get3A_834 = arith.index_cast %add3A_833 : i32 to index
        %get3A_835 = arith.constant 176 : index
        %get3A_836 = tpu.vector_load %arg7[%get3A_834, %get3A_835] {strides = array<i32>} : memref<72x256xf32, #tpu.memory_space<vmem>>, vector<1x16xf32>,
        %get3A_837 = vector.shape_cast %get3A_836 : vector<1x16xf32> to vector<16xf32>
        %add3A_838 = arith.constant 5 : i32
        %add3A_839 = arith.addi %mul3A_70, %add3A_838 : i32
        %get3A_840 = arith.index_cast %add3A_839 : i32 to index
        %get3A_841 = arith.constant 176 : index
        %get3A_842 = tpu.vector_load %arg7[%get3A_840, %get3A_841] {strides = array<i32>} : memref<72x256xf32, #tpu.memory_space<vmem>>, vector<1x16xf32>,
        %get3A_843 = vector.shape_cast %get3A_842 : vector<1x16xf32> to vector<16xf32>
        %add3A_844 = arith.addf %get3A_837, %get3A_843 : vector<16xf32>
        %add3A_845 = arith.constant 6 : i32
        %add3A_846 = arith.addi %mul3A_70, %add3A_845 : i32
        %get3A_847 = arith.index_cast %add3A_846 : i32 to index
        %get3A_848 = arith.constant 176 : index
        %get3A_849 = tpu.vector_load %arg7[%get3A_847, %get3A_848] {strides = array<i32>} : memref<72x256xf32, #tpu.memory_space<vmem>>, vector<1x16xf32>,
        %get3A_850 = vector.shape_cast %get3A_849 : vector<1x16xf32> to vector<16xf32>
        %add3A_851 = arith.constant 7 : i32
        %add3A_852 = arith.addi %mul3A_70, %add3A_851 : i32
        %get3A_853 = arith.index_cast %add3A_852 : i32 to index
        %get3A_854 = arith.constant 176 : index
        %get3A_855 = tpu.vector_load %arg7[%get3A_853, %get3A_854] {strides = array<i32>} : memref<72x256xf32, #tpu.memory_space<vmem>>, vector<1x16xf32>,
        %get3A_856 = vector.shape_cast %get3A_855 : vector<1x16xf32> to vector<16xf32>
        %add3A_857 = arith.addf %get3A_850, %get3A_856 : vector<16xf32>
        %add3A_858 = arith.addf %add3A_818, %add3A_831 : vector<16xf32>
        %add3A_859 = arith.addf %add3A_844, %add3A_857 : vector<16xf32>
        %add3A_860 = arith.addf %add3A_858, %add3A_859 : vector<16xf32>
        %add3A_861 = arith.constant 8 : i32
        %add3A_862 = arith.addi %mul3A_70, %add3A_861 : i32
        %get3A_863 = arith.index_cast %add3A_862 : i32 to index
        %get3A_864 = arith.constant 176 : index
        %get3A_865 = tpu.vector_load %arg7[%get3A_863, %get3A_864] {strides = array<i32>} : memref<72x256xf32, #tpu.memory_space<vmem>>, vector<1x16xf32>,
        %get3A_866 = vector.shape_cast %get3A_865 : vector<1x16xf32> to vector<16xf32>
        %add3A_867 = arith.addf %add3A_860, %get3A_866 : vector<16xf32>
        %swap3A_868 = arith.index_cast %scan3A_67 : i32 to index
        %swap3A_869 = arith.constant 176 : index
        %swap3A_870 = tpu.vector_load %arg8[%swap3A_868, %swap3A_869] {strides = array<i32>} : memref<8x256xf32, #tpu.memory_space<vmem>>, vector<1x16xf32>,
        %swap3A_871 = vector.shape_cast %swap3A_870 : vector<1x16xf32> to vector<16xf32>
        %swap3A_872 = vector.shape_cast %add3A_867 : vector<16xf32> to vector<1x16xf32>
        tpu.vector_store %arg8[%swap3A_868, %swap3A_869], %swap3A_872 {strides = array<i32>} : memref<8x256xf32, #tpu.memory_space<vmem>>, vector<1x16xf32>,
        %add3A_873 = arith.constant 0 : i32
        %add3A_874 = arith.addi %mul3A_70, %add3A_873 : i32
        %get3A_875 = arith.index_cast %add3A_874 : i32 to index
        %get3A_876 = arith.constant 192 : index
        %get3A_877 = tpu.vector_load %arg7[%get3A_875, %get3A_876] {strides = array<i32>} : memref<72x256xf32, #tpu.memory_space<vmem>>, vector<1x16xf32>,
        %get3A_878 = vector.shape_cast %get3A_877 : vector<1x16xf32> to vector<16xf32>
        %add3A_879 = arith.constant 1 : i32
        %add3A_880 = arith.addi %mul3A_70, %add3A_879 : i32
        %get3A_881 = arith.index_cast %add3A_880 : i32 to index
        %get3A_882 = arith.constant 192 : index
        %get3A_883 = tpu.vector_load %arg7[%get3A_881, %get3A_882] {strides = array<i32>} : memref<72x256xf32, #tpu.memory_space<vmem>>, vector<1x16xf32>,
        %get3A_884 = vector.shape_cast %get3A_883 : vector<1x16xf32> to vector<16xf32>
        %add3A_885 = arith.addf %get3A_878, %get3A_884 : vector<16xf32>
        %add3A_886 = arith.constant 2 : i32
        %add3A_887 = arith.addi %mul3A_70, %add3A_886 : i32
        %get3A_888 = arith.index_cast %add3A_887 : i32 to index
        %get3A_889 = arith.constant 192 : index
        %get3A_890 = tpu.vector_load %arg7[%get3A_888, %get3A_889] {strides = array<i32>} : memref<72x256xf32, #tpu.memory_space<vmem>>, vector<1x16xf32>,
        %get3A_891 = vector.shape_cast %get3A_890 : vector<1x16xf32> to vector<16xf32>
        %add3A_892 = arith.constant 3 : i32
        %add3A_893 = arith.addi %mul3A_70, %add3A_892 : i32
        %get3A_894 = arith.index_cast %add3A_893 : i32 to index
        %get3A_895 = arith.constant 192 : index
        %get3A_896 = tpu.vector_load %arg7[%get3A_894, %get3A_895] {strides = array<i32>} : memref<72x256xf32, #tpu.memory_space<vmem>>, vector<1x16xf32>,
        %get3A_897 = vector.shape_cast %get3A_896 : vector<1x16xf32> to vector<16xf32>
        %add3A_898 = arith.addf %get3A_891, %get3A_897 : vector<16xf32>
        %add3A_899 = arith.constant 4 : i32
        %add3A_900 = arith.addi %mul3A_70, %add3A_899 : i32
        %get3A_901 = arith.index_cast %add3A_900 : i32 to index
        %get3A_902 = arith.constant 192 : index
        %get3A_903 = tpu.vector_load %arg7[%get3A_901, %get3A_902] {strides = array<i32>} : memref<72x256xf32, #tpu.memory_space<vmem>>, vector<1x16xf32>,
        %get3A_904 = vector.shape_cast %get3A_903 : vector<1x16xf32> to vector<16xf32>
        %add3A_905 = arith.constant 5 : i32
        %add3A_906 = arith.addi %mul3A_70, %add3A_905 : i32
        %get3A_907 = arith.index_cast %add3A_906 : i32 to index
        %get3A_908 = arith.constant 192 : index
        %get3A_909 = tpu.vector_load %arg7[%get3A_907, %get3A_908] {strides = array<i32>} : memref<72x256xf32, #tpu.memory_space<vmem>>, vector<1x16xf32>,
        %get3A_910 = vector.shape_cast %get3A_909 : vector<1x16xf32> to vector<16xf32>
        %add3A_911 = arith.addf %get3A_904, %get3A_910 : vector<16xf32>
        %add3A_912 = arith.constant 6 : i32
        %add3A_913 = arith.addi %mul3A_70, %add3A_912 : i32
        %get3A_914 = arith.index_cast %add3A_913 : i32 to index
        %get3A_915 = arith.constant 192 : index
        %get3A_916 = tpu.vector_load %arg7[%get3A_914, %get3A_915] {strides = array<i32>} : memref<72x256xf32, #tpu.memory_space<vmem>>, vector<1x16xf32>,
        %get3A_917 = vector.shape_cast %get3A_916 : vector<1x16xf32> to vector<16xf32>
        %add3A_918 = arith.constant 7 : i32
        %add3A_919 = arith.addi %mul3A_70, %add3A_918 : i32
        %get3A_920 = arith.index_cast %add3A_919 : i32 to index
        %get3A_921 = arith.constant 192 : index
        %get3A_922 = tpu.vector_load %arg7[%get3A_920, %get3A_921] {strides = array<i32>} : memref<72x256xf32, #tpu.memory_space<vmem>>, vector<1x16xf32>,
        %get3A_923 = vector.shape_cast %get3A_922 : vector<1x16xf32> to vector<16xf32>
        %add3A_924 = arith.addf %get3A_917, %get3A_923 : vector<16xf32>
        %add3A_925 = arith.addf %add3A_885, %add3A_898 : vector<16xf32>
        %add3A_926 = arith.addf %add3A_911, %add3A_924 : vector<16xf32>
        %add3A_927 = arith.addf %add3A_925, %add3A_926 : vector<16xf32>
        %add3A_928 = arith.constant 8 : i32
        %add3A_929 = arith.addi %mul3A_70, %add3A_928 : i32
        %get3A_930 = arith.index_cast %add3A_929 : i32 to index
        %get3A_931 = arith.constant 192 : index
        %get3A_932 = tpu.vector_load %arg7[%get3A_930, %get3A_931] {strides = array<i32>} : memref<72x256xf32, #tpu.memory_space<vmem>>, vector<1x16xf32>,
        %get3A_933 = vector.shape_cast %get3A_932 : vector<1x16xf32> to vector<16xf32>
        %add3A_934 = arith.addf %add3A_927, %get3A_933 : vector<16xf32>
        %swap3A_935 = arith.index_cast %scan3A_67 : i32 to index
        %swap3A_936 = arith.constant 192 : index
        %swap3A_937 = tpu.vector_load %arg8[%swap3A_935, %swap3A_936] {strides = array<i32>} : memref<8x256xf32, #tpu.memory_space<vmem>>, vector<1x16xf32>,
        %swap3A_938 = vector.shape_cast %swap3A_937 : vector<1x16xf32> to vector<16xf32>
        %swap3A_939 = vector.shape_cast %add3A_934 : vector<16xf32> to vector<1x16xf32>
        tpu.vector_store %arg8[%swap3A_935, %swap3A_936], %swap3A_939 {strides = array<i32>} : memref<8x256xf32, #tpu.memory_space<vmem>>, vector<1x16xf32>,
        %add3A_940 = arith.constant 0 : i32
        %add3A_941 = arith.addi %mul3A_70, %add3A_940 : i32
        %get3A_942 = arith.index_cast %add3A_941 : i32 to index
        %get3A_943 = arith.constant 208 : index
        %get3A_944 = tpu.vector_load %arg7[%get3A_942, %get3A_943] {strides = array<i32>} : memref<72x256xf32, #tpu.memory_space<vmem>>, vector<1x16xf32>,
        %get3A_945 = vector.shape_cast %get3A_944 : vector<1x16xf32> to vector<16xf32>
        %add3A_946 = arith.constant 1 : i32
        %add3A_947 = arith.addi %mul3A_70, %add3A_946 : i32
        %get3A_948 = arith.index_cast %add3A_947 : i32 to index
        %get3A_949 = arith.constant 208 : index
        %get3A_950 = tpu.vector_load %arg7[%get3A_948, %get3A_949] {strides = array<i32>} : memref<72x256xf32, #tpu.memory_space<vmem>>, vector<1x16xf32>,
        %get3A_951 = vector.shape_cast %get3A_950 : vector<1x16xf32> to vector<16xf32>
        %add3A_952 = arith.addf %get3A_945, %get3A_951 : vector<16xf32>
        %add3A_953 = arith.constant 2 : i32
        %add3A_954 = arith.addi %mul3A_70, %add3A_953 : i32
        %get3A_955 = arith.index_cast %add3A_954 : i32 to index
        %get3A_956 = arith.constant 208 : index
        %get3A_957 = tpu.vector_load %arg7[%get3A_955, %get3A_956] {strides = array<i32>} : memref<72x256xf32, #tpu.memory_space<vmem>>, vector<1x16xf32>,
        %get3A_958 = vector.shape_cast %get3A_957 : vector<1x16xf32> to vector<16xf32>
        %add3A_959 = arith.constant 3 : i32
        %add3A_960 = arith.addi %mul3A_70, %add3A_959 : i32
        %get3A_961 = arith.index_cast %add3A_960 : i32 to index
        %get3A_962 = arith.constant 208 : index
        %get3A_963 = tpu.vector_load %arg7[%get3A_961, %get3A_962] {strides = array<i32>} : memref<72x256xf32, #tpu.memory_space<vmem>>, vector<1x16xf32>,
        %get3A_964 = vector.shape_cast %get3A_963 : vector<1x16xf32> to vector<16xf32>
        %add3A_965 = arith.addf %get3A_958, %get3A_964 : vector<16xf32>
        %add3A_966 = arith.constant 4 : i32
        %add3A_967 = arith.addi %mul3A_70, %add3A_966 : i32
        %get3A_968 = arith.index_cast %add3A_967 : i32 to index
        %get3A_969 = arith.constant 208 : index
        %get3A_970 = tpu.vector_load %arg7[%get3A_968, %get3A_969] {strides = array<i32>} : memref<72x256xf32, #tpu.memory_space<vmem>>, vector<1x16xf32>,
        %get3A_971 = vector.shape_cast %get3A_970 : vector<1x16xf32> to vector<16xf32>
        %add3A_972 = arith.constant 5 : i32
        %add3A_973 = arith.addi %mul3A_70, %add3A_972 : i32
        %get3A_974 = arith.index_cast %add3A_973 : i32 to index
        %get3A_975 = arith.constant 208 : index
        %get3A_976 = tpu.vector_load %arg7[%get3A_974, %get3A_975] {strides = array<i32>} : memref<72x256xf32, #tpu.memory_space<vmem>>, vector<1x16xf32>,
        %get3A_977 = vector.shape_cast %get3A_976 : vector<1x16xf32> to vector<16xf32>
        %add3A_978 = arith.addf %get3A_971, %get3A_977 : vector<16xf32>
        %add3A_979 = arith.constant 6 : i32
        %add3A_980 = arith.addi %mul3A_70, %add3A_979 : i32
        %get3A_981 = arith.index_cast %add3A_980 : i32 to index
        %get3A_982 = arith.constant 208 : index
        %get3A_983 = tpu.vector_load %arg7[%get3A_981, %get3A_982] {strides = array<i32>} : memref<72x256xf32, #tpu.memory_space<vmem>>, vector<1x16xf32>,
        %get3A_984 = vector.shape_cast %get3A_983 : vector<1x16xf32> to vector<16xf32>
        %add3A_985 = arith.constant 7 : i32
        %add3A_986 = arith.addi %mul3A_70, %add3A_985 : i32
        %get3A_987 = arith.index_cast %add3A_986 : i32 to index
        %get3A_988 = arith.constant 208 : index
        %get3A_989 = tpu.vector_load %arg7[%get3A_987, %get3A_988] {strides = array<i32>} : memref<72x256xf32, #tpu.memory_space<vmem>>, vector<1x16xf32>,
        %get3A_990 = vector.shape_cast %get3A_989 : vector<1x16xf32> to vector<16xf32>
        %add3A_991 = arith.addf %get3A_984, %get3A_990 : vector<16xf32>
        %add3A_992 = arith.addf %add3A_952, %add3A_965 : vector<16xf32>
        %add3A_993 = arith.addf %add3A_978, %add3A_991 : vector<16xf32>
        %add3A_994 = arith.addf %add3A_992, %add3A_993 : vector<16xf32>
        %add3A_995 = arith.constant 8 : i32
        %add3A_996 = arith.addi %mul3A_70, %add3A_995 : i32
        %get3A_997 = arith.index_cast %add3A_996 : i32 to index
        %get3A_998 = arith.constant 208 : index
        %get3A_999 = tpu.vector_load %arg7[%get3A_997, %get3A_998] {strides = array<i32>} : memref<72x256xf32, #tpu.memory_space<vmem>>, vector<1x16xf32>,
        %get3A_1000 = vector.shape_cast %get3A_999 : vector<1x16xf32> to vector<16xf32>
        %add3A_1001 = arith.addf %add3A_994, %get3A_1000 : vector<16xf32>
        %swap3A_1002 = arith.index_cast %scan3A_67 : i32 to index
        %swap3A_1003 = arith.constant 208 : index
        %swap3A_1004 = tpu.vector_load %arg8[%swap3A_1002, %swap3A_1003] {strides = array<i32>} : memref<8x256xf32, #tpu.memory_space<vmem>>, vector<1x16xf32>,
        %swap3A_1005 = vector.shape_cast %swap3A_1004 : vector<1x16xf32> to vector<16xf32>
        %swap3A_1006 = vector.shape_cast %add3A_1001 : vector<16xf32> to vector<1x16xf32>
        tpu.vector_store %arg8[%swap3A_1002, %swap3A_1003], %swap3A_1006 {strides = array<i32>} : memref<8x256xf32, #tpu.memory_space<vmem>>, vector<1x16xf32>,
        %add3A_1007 = arith.constant 0 : i32
        %add3A_1008 = arith.addi %mul3A_70, %add3A_1007 : i32
        %get3A_1009 = arith.index_cast %add3A_1008 : i32 to index
        %get3A_1010 = arith.constant 224 : index
        %get3A_1011 = tpu.vector_load %arg7[%get3A_1009, %get3A_1010] {strides = array<i32>} : memref<72x256xf32, #tpu.memory_space<vmem>>, vector<1x16xf32>,
        %get3A_1012 = vector.shape_cast %get3A_1011 : vector<1x16xf32> to vector<16xf32>
        %add3A_1013 = arith.constant 1 : i32
        %add3A_1014 = arith.addi %mul3A_70, %add3A_1013 : i32
        %get3A_1015 = arith.index_cast %add3A_1014 : i32 to index
        %get3A_1016 = arith.constant 224 : index
        %get3A_1017 = tpu.vector_load %arg7[%get3A_1015, %get3A_1016] {strides = array<i32>} : memref<72x256xf32, #tpu.memory_space<vmem>>, vector<1x16xf32>,
        %get3A_1018 = vector.shape_cast %get3A_1017 : vector<1x16xf32> to vector<16xf32>
        %add3A_1019 = arith.addf %get3A_1012, %get3A_1018 : vector<16xf32>
        %add3A_1020 = arith.constant 2 : i32
        %add3A_1021 = arith.addi %mul3A_70, %add3A_1020 : i32
        %get3A_1022 = arith.index_cast %add3A_1021 : i32 to index
        %get3A_1023 = arith.constant 224 : index
        %get3A_1024 = tpu.vector_load %arg7[%get3A_1022, %get3A_1023] {strides = array<i32>} : memref<72x256xf32, #tpu.memory_space<vmem>>, vector<1x16xf32>,
        %get3A_1025 = vector.shape_cast %get3A_1024 : vector<1x16xf32> to vector<16xf32>
        %add3A_1026 = arith.constant 3 : i32
        %add3A_1027 = arith.addi %mul3A_70, %add3A_1026 : i32
        %get3A_1028 = arith.index_cast %add3A_1027 : i32 to index
        %get3A_1029 = arith.constant 224 : index
        %get3A_1030 = tpu.vector_load %arg7[%get3A_1028, %get3A_1029] {strides = array<i32>} : memref<72x256xf32, #tpu.memory_space<vmem>>, vector<1x16xf32>,
        %get3A_1031 = vector.shape_cast %get3A_1030 : vector<1x16xf32> to vector<16xf32>
        %add3A_1032 = arith.addf %get3A_1025, %get3A_1031 : vector<16xf32>
        %add3A_1033 = arith.constant 4 : i32
        %add3A_1034 = arith.addi %mul3A_70, %add3A_1033 : i32
        %get3A_1035 = arith.index_cast %add3A_1034 : i32 to index
        %get3A_1036 = arith.constant 224 : index
        %get3A_1037 = tpu.vector_load %arg7[%get3A_1035, %get3A_1036] {strides = array<i32>} : memref<72x256xf32, #tpu.memory_space<vmem>>, vector<1x16xf32>,
        %get3A_1038 = vector.shape_cast %get3A_1037 : vector<1x16xf32> to vector<16xf32>
        %add3A_1039 = arith.constant 5 : i32
        %add3A_1040 = arith.addi %mul3A_70, %add3A_1039 : i32
        %get3A_1041 = arith.index_cast %add3A_1040 : i32 to index
        %get3A_1042 = arith.constant 224 : index
        %get3A_1043 = tpu.vector_load %arg7[%get3A_1041, %get3A_1042] {strides = array<i32>} : memref<72x256xf32, #tpu.memory_space<vmem>>, vector<1x16xf32>,
        %get3A_1044 = vector.shape_cast %get3A_1043 : vector<1x16xf32> to vector<16xf32>
        %add3A_1045 = arith.addf %get3A_1038, %get3A_1044 : vector<16xf32>
        %add3A_1046 = arith.constant 6 : i32
        %add3A_1047 = arith.addi %mul3A_70, %add3A_1046 : i32
        %get3A_1048 = arith.index_cast %add3A_1047 : i32 to index
        %get3A_1049 = arith.constant 224 : index
        %get3A_1050 = tpu.vector_load %arg7[%get3A_1048, %get3A_1049] {strides = array<i32>} : memref<72x256xf32, #tpu.memory_space<vmem>>, vector<1x16xf32>,
        %get3A_1051 = vector.shape_cast %get3A_1050 : vector<1x16xf32> to vector<16xf32>
        %add3A_1052 = arith.constant 7 : i32
        %add3A_1053 = arith.addi %mul3A_70, %add3A_1052 : i32
        %get3A_1054 = arith.index_cast %add3A_1053 : i32 to index
        %get3A_1055 = arith.constant 224 : index
        %get3A_1056 = tpu.vector_load %arg7[%get3A_1054, %get3A_1055] {strides = array<i32>} : memref<72x256xf32, #tpu.memory_space<vmem>>, vector<1x16xf32>,
        %get3A_1057 = vector.shape_cast %get3A_1056 : vector<1x16xf32> to vector<16xf32>
        %add3A_1058 = arith.addf %get3A_1051, %get3A_1057 : vector<16xf32>
        %add3A_1059 = arith.addf %add3A_1019, %add3A_1032 : vector<16xf32>
        %add3A_1060 = arith.addf %add3A_1045, %add3A_1058 : vector<16xf32>
        %add3A_1061 = arith.addf %add3A_1059, %add3A_1060 : vector<16xf32>
        %add3A_1062 = arith.constant 8 : i32
        %add3A_1063 = arith.addi %mul3A_70, %add3A_1062 : i32
        %get3A_1064 = arith.index_cast %add3A_1063 : i32 to index
        %get3A_1065 = arith.constant 224 : index
        %get3A_1066 = tpu.vector_load %arg7[%get3A_1064, %get3A_1065] {strides = array<i32>} : memref<72x256xf32, #tpu.memory_space<vmem>>, vector<1x16xf32>,
        %get3A_1067 = vector.shape_cast %get3A_1066 : vector<1x16xf32> to vector<16xf32>
        %add3A_1068 = arith.addf %add3A_1061, %get3A_1067 : vector<16xf32>
        %swap3A_1069 = arith.index_cast %scan3A_67 : i32 to index
        %swap3A_1070 = arith.constant 224 : index
        %swap3A_1071 = tpu.vector_load %arg8[%swap3A_1069, %swap3A_1070] {strides = array<i32>} : memref<8x256xf32, #tpu.memory_space<vmem>>, vector<1x16xf32>,
        %swap3A_1072 = vector.shape_cast %swap3A_1071 : vector<1x16xf32> to vector<16xf32>
        %swap3A_1073 = vector.shape_cast %add3A_1068 : vector<16xf32> to vector<1x16xf32>
        tpu.vector_store %arg8[%swap3A_1069, %swap3A_1070], %swap3A_1073 {strides = array<i32>} : memref<8x256xf32, #tpu.memory_space<vmem>>, vector<1x16xf32>,
        %add3A_1074 = arith.constant 0 : i32
        %add3A_1075 = arith.addi %mul3A_70, %add3A_1074 : i32
        %get3A_1076 = arith.index_cast %add3A_1075 : i32 to index
        %get3A_1077 = arith.constant 240 : index
        %get3A_1078 = tpu.vector_load %arg7[%get3A_1076, %get3A_1077] {strides = array<i32>} : memref<72x256xf32, #tpu.memory_space<vmem>>, vector<1x16xf32>,
        %get3A_1079 = vector.shape_cast %get3A_1078 : vector<1x16xf32> to vector<16xf32>
        %add3A_1080 = arith.constant 1 : i32
        %add3A_1081 = arith.addi %mul3A_70, %add3A_1080 : i32
        %get3A_1082 = arith.index_cast %add3A_1081 : i32 to index
        %get3A_1083 = arith.constant 240 : index
        %get3A_1084 = tpu.vector_load %arg7[%get3A_1082, %get3A_1083] {strides = array<i32>} : memref<72x256xf32, #tpu.memory_space<vmem>>, vector<1x16xf32>,
        %get3A_1085 = vector.shape_cast %get3A_1084 : vector<1x16xf32> to vector<16xf32>
        %add3A_1086 = arith.addf %get3A_1079, %get3A_1085 : vector<16xf32>
        %add3A_1087 = arith.constant 2 : i32
        %add3A_1088 = arith.addi %mul3A_70, %add3A_1087 : i32
        %get3A_1089 = arith.index_cast %add3A_1088 : i32 to index
        %get3A_1090 = arith.constant 240 : index
        %get3A_1091 = tpu.vector_load %arg7[%get3A_1089, %get3A_1090] {strides = array<i32>} : memref<72x256xf32, #tpu.memory_space<vmem>>, vector<1x16xf32>,
        %get3A_1092 = vector.shape_cast %get3A_1091 : vector<1x16xf32> to vector<16xf32>
        %add3A_1093 = arith.constant 3 : i32
        %add3A_1094 = arith.addi %mul3A_70, %add3A_1093 : i32
        %get3A_1095 = arith.index_cast %add3A_1094 : i32 to index
        %get3A_1096 = arith.constant 240 : index
        %get3A_1097 = tpu.vector_load %arg7[%get3A_1095, %get3A_1096] {strides = array<i32>} : memref<72x256xf32, #tpu.memory_space<vmem>>, vector<1x16xf32>,
        %get3A_1098 = vector.shape_cast %get3A_1097 : vector<1x16xf32> to vector<16xf32>
        %add3A_1099 = arith.addf %get3A_1092, %get3A_1098 : vector<16xf32>
        %add3A_1100 = arith.constant 4 : i32
        %add3A_1101 = arith.addi %mul3A_70, %add3A_1100 : i32
        %get3A_1102 = arith.index_cast %add3A_1101 : i32 to index
        %get3A_1103 = arith.constant 240 : index
        %get3A_1104 = tpu.vector_load %arg7[%get3A_1102, %get3A_1103] {strides = array<i32>} : memref<72x256xf32, #tpu.memory_space<vmem>>, vector<1x16xf32>,
        %get3A_1105 = vector.shape_cast %get3A_1104 : vector<1x16xf32> to vector<16xf32>
        %add3A_1106 = arith.constant 5 : i32
        %add3A_1107 = arith.addi %mul3A_70, %add3A_1106 : i32
        %get3A_1108 = arith.index_cast %add3A_1107 : i32 to index
        %get3A_1109 = arith.constant 240 : index
        %get3A_1110 = tpu.vector_load %arg7[%get3A_1108, %get3A_1109] {strides = array<i32>} : memref<72x256xf32, #tpu.memory_space<vmem>>, vector<1x16xf32>,
        %get3A_1111 = vector.shape_cast %get3A_1110 : vector<1x16xf32> to vector<16xf32>
        %add3A_1112 = arith.addf %get3A_1105, %get3A_1111 : vector<16xf32>
        %add3A_1113 = arith.constant 6 : i32
        %add3A_1114 = arith.addi %mul3A_70, %add3A_1113 : i32
        %get3A_1115 = arith.index_cast %add3A_1114 : i32 to index
        %get3A_1116 = arith.constant 240 : index
        %get3A_1117 = tpu.vector_load %arg7[%get3A_1115, %get3A_1116] {strides = array<i32>} : memref<72x256xf32, #tpu.memory_space<vmem>>, vector<1x16xf32>,
        %get3A_1118 = vector.shape_cast %get3A_1117 : vector<1x16xf32> to vector<16xf32>
        %add3A_1119 = arith.constant 7 : i32
        %add3A_1120 = arith.addi %mul3A_70, %add3A_1119 : i32
        %get3A_1121 = arith.index_cast %add3A_1120 : i32 to index
        %get3A_1122 = arith.constant 240 : index
        %get3A_1123 = tpu.vector_load %arg7[%get3A_1121, %get3A_1122] {strides = array<i32>} : memref<72x256xf32, #tpu.memory_space<vmem>>, vector<1x16xf32>,
        %get3A_1124 = vector.shape_cast %get3A_1123 : vector<1x16xf32> to vector<16xf32>
        %add3A_1125 = arith.addf %get3A_1118, %get3A_1124 : vector<16xf32>
        %add3A_1126 = arith.addf %add3A_1086, %add3A_1099 : vector<16xf32>
        %add3A_1127 = arith.addf %add3A_1112, %add3A_1125 : vector<16xf32>
        %add3A_1128 = arith.addf %add3A_1126, %add3A_1127 : vector<16xf32>
        %add3A_1129 = arith.constant 8 : i32
        %add3A_1130 = arith.addi %mul3A_70, %add3A_1129 : i32
        %get3A_1131 = arith.index_cast %add3A_1130 : i32 to index
        %get3A_1132 = arith.constant 240 : index
        %get3A_1133 = tpu.vector_load %arg7[%get3A_1131, %get3A_1132] {strides = array<i32>} : memref<72x256xf32, #tpu.memory_space<vmem>>, vector<1x16xf32>,
        %get3A_1134 = vector.shape_cast %get3A_1133 : vector<1x16xf32> to vector<16xf32>
        %add3A_1135 = arith.addf %add3A_1128, %get3A_1134 : vector<16xf32>
        %swap3A_1136 = arith.index_cast %scan3A_67 : i32 to index
        %swap3A_1137 = arith.constant 240 : index
        %swap3A_1138 = tpu.vector_load %arg8[%swap3A_1136, %swap3A_1137] {strides = array<i32>} : memref<8x256xf32, #tpu.memory_space<vmem>>, vector<1x16xf32>,
        %swap3A_1139 = vector.shape_cast %swap3A_1138 : vector<1x16xf32> to vector<16xf32>
        %swap3A_1140 = vector.shape_cast %add3A_1135 : vector<16xf32> to vector<1x16xf32>
        tpu.vector_store %arg8[%swap3A_1136, %swap3A_1137], %swap3A_1140 {strides = array<i32>} : memref<8x256xf32, #tpu.memory_space<vmem>>, vector<1x16xf32>,
        %scan3A_1141 = arith.constant 0 : i32
        scf.yield %scan3A_1141 : i32
      }
      %scan3A_62 = arith.constant 8 : i32
      %mul3A_63 = arith.constant 8 : i32
      %mul3A_64 = arith.muli %add3A_55, %mul3A_63 : i32
      %add3A_65 = arith.addi %mul3A_2, %mul3A_64 : i32
      "tpu.region"() ({
        %run_scoped3A = tpu.sem_alloc : memref<!tpu.dma_semaphore, #tpu.memory_space<semaphore_mem>>
        %dma_start3A_67 = arith.constant 0 : i32
        %dma_start3A_68 = tpu.memref_slice %arg4[%add3A_65, %dma_start3A_67] : memref<25088x256xf32, #tpu.memory_space<hbm>> -> memref<8x256xf32, #tpu.memory_space<hbm>>
        %dma_start3A_69 = arith.constant 0 : i32
        %dma_start3A_70 = tpu.memref_slice %arg4[%add3A_65, %dma_start3A_69] : memref<25088x256xf32, #tpu.memory_space<hbm>> -> memref<8x256xf32, #tpu.memory_space<hbm>>
        tpu.enqueue_dma source(%arg8 : memref<8x256xf32, #tpu.memory_space<vmem>>) target(%dma_start3A_70 : memref<8x256xf32, #tpu.memory_space<hbm>>) target_semaphore(%run_scoped3A : memref<!tpu.dma_semaphore, #tpu.memory_space<semaphore_mem>>)
        %dma_wait3A_71 = arith.constant 0 : i32
        %dma_wait3A_72 = tpu.memref_slice %arg4[%add3A_65, %dma_wait3A_71] : memref<25088x256xf32, #tpu.memory_space<hbm>> -> memref<8x256xf32, #tpu.memory_space<hbm>>
        %dma_wait3A_73 = arith.constant 0 : i32
        %dma_wait3A_74 = tpu.memref_slice %arg4[%add3A_65, %dma_wait3A_73] : memref<25088x256xf32, #tpu.memory_space<hbm>> -> memref<8x256xf32, #tpu.memory_space<hbm>>
        tpu.wait_dma2 semaphore(%run_scoped3A : memref<!tpu.dma_semaphore, #tpu.memory_space<semaphore_mem>>) src(%arg8 : memref<8x256xf32, #tpu.memory_space<vmem>>) dst(%dma_wait3A_74 : memref<8x256xf32, #tpu.memory_space<hbm>>)
        tpu.yield
      }) : () -> ()
      %scan3A_66 = arith.constant 0 : i32
      scf.yield %scan3A_66 : i32
    }
    %scan3A_14 = arith.constant 49 : i32
    return
  }
}

module attributes {stable_mosaic.version = 14 : i64} {
  func.func @_tc_body(%arg0: i32, %arg1: i32, %arg2: memref<12800x256xf32, #tpu.memory_space<vmem>>, %arg3: memref<1x256xf32, #tpu.memory_space<vmem>>, %arg4: memref<1x256xf32, #tpu.memory_space<vmem>>, %arg5: memref<1x256x256xf32, #tpu.memory_space<vmem>>, %arg6: memref<1x6400x256xf32, #tpu.memory_space<vmem>>, %arg7: memref<12800x256xbf16, #tpu.memory_space<vmem>>) attributes {dimension_semantics = [#tpu.dimension_semantics<arbitrary>, #tpu.dimension_semantics<arbitrary>], iteration_bounds = array<i64: 9, 2>, scalar_prefetch = 0 : i64, scratch_operands = 1 : i64, tpu.core_type = #tpu.core_type<tc>, window_params = [{pipeline_mode = #tpu.pipeline_mode<synchronous>, transform_indices = @transform_0, window_bounds = array<i64: 12800, 256>}, {pipeline_mode = #tpu.pipeline_mode<synchronous>, transform_indices = @transform_1, window_bounds = array<i64: 1, 256>}, {pipeline_mode = #tpu.pipeline_mode<synchronous>, transform_indices = @transform_2, window_bounds = array<i64: 1, 256>}, {transform_indices = @transform_3, window_bounds = array<i64: 1, 256, 256>}, {transform_indices = @transform_4, window_bounds = array<i64: 1, 6400, 256>}]} {
    %eq3A = arith.constant 0 : i32
    %eq3A_0 = arith.cmpi eq, %arg0, %eq3A : i32
    %eq3A_1 = arith.constant 0 : i32
    %eq3A_2 = arith.cmpi eq, %arg1, %eq3A_1 : i32
    %and3A = arith.andi %eq3A_0, %eq3A_2 : i1
    %convert_element_type3A = arith.extui %and3A : i1 to i32
    %cond3A = arith.constant 0 : i32
    %cond3A_3 = arith.cmpi ne, %convert_element_type3A, %cond3A : i32
    scf.if %cond3A_3 {
      %get3A_19 = arith.constant 0 : index
      %get3A_20 = arith.constant 0 : index
      %get3A_21 = vector.load %arg2[%get3A_19, %get3A_20] : memref<12800x256xf32, #tpu.memory_space<vmem>>, vector<12800x256xf32>
      %reduce_sum3A = arith.constant dense<0.000000e+00> : vector<256xf32>
      %reduce_sum3A_22 = vector.multi_reduction <add>, %get3A_21, %reduce_sum3A [0] : vector<12800x256xf32> to vector<256xf32>
      %broadcast_in_dim3A = vector.shape_cast %reduce_sum3A_22 : vector<256xf32> to vector<1x256xf32>
      %mul3A_23 = arith.mulf %get3A_21, %get3A_21 : vector<12800x256xf32>
      %reduce_sum3A_24 = arith.constant dense<0.000000e+00> : vector<256xf32>
      %reduce_sum3A_25 = vector.multi_reduction <add>, %mul3A_23, %reduce_sum3A_24 [0] : vector<12800x256xf32> to vector<256xf32>
      %broadcast_in_dim3A_26 = vector.shape_cast %reduce_sum3A_25 : vector<256xf32> to vector<1x256xf32>
      %iota3A = tpu.iota {dimensions = array<i32: 0>} : vector<256x256xi32>
      %jit3A = arith.constant 8 : i32
      %div3A = vector.broadcast %jit3A : i32 to vector<256x256xi32>
      %div3A_27 = arith.divsi %iota3A, %div3A : vector<256x256xi32>
      %sign3A = arith.constant 0 : i32
      %sign3A_28 = vector.broadcast %sign3A : i32 to vector<256x256xi32>
      %sign3A_29 = arith.cmpi sgt, %iota3A, %sign3A_28 : vector<256x256xi32>
      %sign3A_30 = arith.extui %sign3A_29 : vector<256x256xi1> to vector<256x256xi32>
      %sign3A_31 = arith.constant 0 : i32
      %sign3A_32 = vector.broadcast %sign3A_31 : i32 to vector<256x256xi32>
      %sign3A_33 = arith.cmpi slt, %iota3A, %sign3A_32 : vector<256x256xi32>
      %sign3A_34 = arith.extui %sign3A_33 : vector<256x256xi1> to vector<256x256xi32>
      %sign3A_35 = arith.subi %sign3A_30, %sign3A_34 : vector<256x256xi32>
      %sign3A_36 = arith.constant 0 : i32
      %sign3A_37 = arith.cmpi sgt, %jit3A, %sign3A_36 : i32
      %sign3A_38 = arith.extui %sign3A_37 : i1 to i32
      %sign3A_39 = arith.constant 0 : i32
      %sign3A_40 = arith.cmpi slt, %jit3A, %sign3A_39 : i32
      %sign3A_41 = arith.extui %sign3A_40 : i1 to i32
      %sign3A_42 = arith.subi %sign3A_38, %sign3A_41 : i32
      %ne3A = vector.broadcast %sign3A_42 : i32 to vector<256x256xi32>
      %ne3A_43 = arith.cmpi ne, %sign3A_35, %ne3A : vector<256x256xi32>
      %rem3A = vector.broadcast %jit3A : i32 to vector<256x256xi32>
      %rem3A_44 = arith.remsi %iota3A, %rem3A : vector<256x256xi32>
      %ne3A_45 = arith.constant 0 : i32
      %ne3A_46 = vector.broadcast %ne3A_45 : i32 to vector<256x256xi32>
      %ne3A_47 = arith.cmpi ne, %rem3A_44, %ne3A_46 : vector<256x256xi32>
      %and3A_48 = arith.andi %ne3A_43, %ne3A_47 : vector<256x256xi1>
      %sub3A = arith.constant 1 : i32
      %sub3A_49 = vector.broadcast %sub3A : i32 to vector<256x256xi32>
      %sub3A_50 = arith.subi %div3A_27, %sub3A_49 : vector<256x256xi32>
      %select_n3A = arith.select %and3A_48, %sub3A_50, %div3A_27 : vector<256x256xi1>, vector<256x256xi32>
      %iota3A_51 = tpu.iota {dimensions = array<i32: 1>} : vector<256x256xi32>
      %jit3A_52 = arith.constant 8 : i32
      %div3A_53 = vector.broadcast %jit3A_52 : i32 to vector<256x256xi32>
      %div3A_54 = arith.divsi %iota3A_51, %div3A_53 : vector<256x256xi32>
      %sign3A_55 = arith.constant 0 : i32
      %sign3A_56 = vector.broadcast %sign3A_55 : i32 to vector<256x256xi32>
      %sign3A_57 = arith.cmpi sgt, %iota3A_51, %sign3A_56 : vector<256x256xi32>
      %sign3A_58 = arith.extui %sign3A_57 : vector<256x256xi1> to vector<256x256xi32>
      %sign3A_59 = arith.constant 0 : i32
      %sign3A_60 = vector.broadcast %sign3A_59 : i32 to vector<256x256xi32>
      %sign3A_61 = arith.cmpi slt, %iota3A_51, %sign3A_60 : vector<256x256xi32>
      %sign3A_62 = arith.extui %sign3A_61 : vector<256x256xi1> to vector<256x256xi32>
      %sign3A_63 = arith.subi %sign3A_58, %sign3A_62 : vector<256x256xi32>
      %sign3A_64 = arith.constant 0 : i32
      %sign3A_65 = arith.cmpi sgt, %jit3A_52, %sign3A_64 : i32
      %sign3A_66 = arith.extui %sign3A_65 : i1 to i32
      %sign3A_67 = arith.constant 0 : i32
      %sign3A_68 = arith.cmpi slt, %jit3A_52, %sign3A_67 : i32
      %sign3A_69 = arith.extui %sign3A_68 : i1 to i32
      %sign3A_70 = arith.subi %sign3A_66, %sign3A_69 : i32
      %ne3A_71 = vector.broadcast %sign3A_70 : i32 to vector<256x256xi32>
      %ne3A_72 = arith.cmpi ne, %sign3A_63, %ne3A_71 : vector<256x256xi32>
      %rem3A_73 = vector.broadcast %jit3A_52 : i32 to vector<256x256xi32>
      %rem3A_74 = arith.remsi %iota3A_51, %rem3A_73 : vector<256x256xi32>
      %ne3A_75 = arith.constant 0 : i32
      %ne3A_76 = vector.broadcast %ne3A_75 : i32 to vector<256x256xi32>
      %ne3A_77 = arith.cmpi ne, %rem3A_74, %ne3A_76 : vector<256x256xi32>
      %and3A_78 = arith.andi %ne3A_72, %ne3A_77 : vector<256x256xi1>
      %sub3A_79 = arith.constant 1 : i32
      %sub3A_80 = vector.broadcast %sub3A_79 : i32 to vector<256x256xi32>
      %sub3A_81 = arith.subi %div3A_54, %sub3A_80 : vector<256x256xi32>
      %select_n3A_82 = arith.select %and3A_78, %sub3A_81, %div3A_54 : vector<256x256xi1>, vector<256x256xi32>
      %eq3A_83 = arith.cmpi eq, %select_n3A, %select_n3A_82 : vector<256x256xi32>
      %convert_element_type3A_84 = arith.extui %eq3A_83 : vector<256x256xi1> to vector<256x256xi32>
      %convert_element_type3A_85 = arith.sitofp %convert_element_type3A_84 : vector<256x256xi32> to vector<256x256xf32>
      %dot_general3A_86 = arith.constant dense<0.000000e+00> : vector<1x256xf32>
      %dot_general3A_87 = tpu.matmul %broadcast_in_dim3A, %convert_element_type3A_85, %dot_general3A_86 {dimension_numbers = #tpu.dot_dimension_numbers<[1], [0], [0], [1], [0, 0, 1, 1], [], []>, transpose_lhs_hint = false} : vector<1x256xf32>, vector<256x256xf32>, vector<1x256xf32> -> vector<1x256xf32>
      %div3A_88 = arith.constant 1.000000e+05 : f32
      %div3A_89 = vector.broadcast %div3A_88 : f32 to vector<1x256xf32>
      %div3A_90 = arith.divf %dot_general3A_87, %div3A_89 : vector<1x256xf32>
      %dot_general3A_91 = arith.constant dense<0.000000e+00> : vector<1x256xf32>
      %dot_general3A_92 = tpu.matmul %broadcast_in_dim3A_26, %convert_element_type3A_85, %dot_general3A_91 {dimension_numbers = #tpu.dot_dimension_numbers<[1], [0], [0], [1], [0, 0, 1, 1], [], []>, transpose_lhs_hint = false} : vector<1x256xf32>, vector<256x256xf32>, vector<1x256xf32> -> vector<1x256xf32>
      %div3A_93 = arith.constant 1.000000e+05 : f32
      %div3A_94 = vector.broadcast %div3A_93 : f32 to vector<1x256xf32>
      %div3A_95 = arith.divf %dot_general3A_92, %div3A_94 : vector<1x256xf32>
      %mul3A_96 = arith.mulf %div3A_90, %div3A_90 : vector<1x256xf32>
      %sub3A_97 = arith.subf %div3A_95, %mul3A_96 : vector<1x256xf32>
      %add3A = arith.constant 9.99999974E-6 : f32
      %add3A_98 = vector.broadcast %add3A : f32 to vector<1x256xf32>
      %add3A_99 = arith.addf %sub3A_97, %add3A_98 : vector<1x256xf32>
      %rsqrt3A = math.rsqrt %add3A_99 : vector<1x256xf32>
      %sub3A_100 = vector.broadcast %div3A_90 : vector<1x256xf32> to vector<12800x256xf32>
      %sub3A_101 = arith.subf %get3A_21, %sub3A_100 : vector<12800x256xf32>
      %mul3A_102 = vector.broadcast %rsqrt3A : vector<1x256xf32> to vector<12800x256xf32>
      %mul3A_103 = arith.mulf %sub3A_101, %mul3A_102 : vector<12800x256xf32>
      %get3A_104 = arith.constant 0 : index
      %get3A_105 = arith.constant 0 : index
      %get3A_106 = vector.load %arg3[%get3A_104, %get3A_105] : memref<1x256xf32, #tpu.memory_space<vmem>>, vector<1x256xf32>
      %mul3A_107 = vector.broadcast %get3A_106 : vector<1x256xf32> to vector<12800x256xf32>
      %mul3A_108 = arith.mulf %mul3A_103, %mul3A_107 : vector<12800x256xf32>
      %get3A_109 = arith.constant 0 : index
      %get3A_110 = arith.constant 0 : index
      %get3A_111 = vector.load %arg4[%get3A_109, %get3A_110] : memref<1x256xf32, #tpu.memory_space<vmem>>, vector<1x256xf32>
      %add3A_112 = vector.broadcast %get3A_111 : vector<1x256xf32> to vector<12800x256xf32>
      %add3A_113 = arith.addf %mul3A_108, %add3A_112 : vector<12800x256xf32>
      %max3A = arith.constant 0.000000e+00 : f32
      %max3A_114 = vector.broadcast %max3A : f32 to vector<12800x256xf32>
      %max3A_115 = arith.maximumf %add3A_113, %max3A_114 : vector<12800x256xf32>
      %convert_element_type3A_116 = arith.truncf %max3A_115 : vector<12800x256xf32> to vector<12800x256xbf16>
      %swap3A_117 = arith.constant 0 : index
      %swap3A_118 = arith.constant 0 : index
      %swap3A_119 = vector.load %arg7[%swap3A_117, %swap3A_118] : memref<12800x256xbf16, #tpu.memory_space<vmem>>, vector<12800x256xbf16>
      tpu.vector_store %arg7[%swap3A_117, %swap3A_118], %convert_element_type3A_116 {strides = array<i32>} : memref<12800x256xbf16, #tpu.memory_space<vmem>>, vector<12800x256xbf16>,
    } else {
    }
    %mul3A = arith.constant 6400 : i32
    %mul3A_4 = arith.muli %arg1, %mul3A : i32
    %get3A = arith.index_cast %mul3A_4 : i32 to index
    %get3A_5 = arith.constant 0 : index
    %get3A_6 = vector.load %arg7[%get3A, %get3A_5] : memref<12800x256xbf16, #tpu.memory_space<vmem>>, vector<6400x256xbf16>
    %get3A_7 = arith.constant 0 : index
    %get3A_8 = arith.constant 0 : index
    %get3A_9 = arith.constant 0 : index
    %get3A_10 = vector.load %arg5[%get3A_7, %get3A_8, %get3A_9] : memref<1x256x256xf32, #tpu.memory_space<vmem>>, vector<1x256x256xf32>
    %get3A_11 = vector.shape_cast %get3A_10 : vector<1x256x256xf32> to vector<256x256xf32>
    %convert_element_type3A_12 = arith.truncf %get3A_11 : vector<256x256xf32> to vector<256x256xbf16>
    %dot_general3A = arith.constant dense<0.000000e+00> : vector<6400x256xf32>
    %dot_general3A_13 = tpu.matmul %get3A_6, %convert_element_type3A_12, %dot_general3A {dimension_numbers = #tpu.dot_dimension_numbers<[1], [0], [0], [1], [0, 0, 1, 1], [], []>, transpose_lhs_hint = false} : vector<6400x256xbf16>, vector<256x256xbf16>, vector<6400x256xf32> -> vector<6400x256xf32>
    %swap3A = arith.constant 0 : index
    %swap3A_14 = arith.constant 0 : index
    %swap3A_15 = arith.constant 0 : index
    %swap3A_16 = vector.load %arg6[%swap3A, %swap3A_14, %swap3A_15] : memref<1x6400x256xf32, #tpu.memory_space<vmem>>, vector<1x6400x256xf32>
    %swap3A_17 = vector.shape_cast %swap3A_16 : vector<1x6400x256xf32> to vector<6400x256xf32>
    %swap3A_18 = vector.shape_cast %dot_general3A_13 : vector<6400x256xf32> to vector<1x6400x256xf32>
    tpu.vector_store %arg6[%swap3A, %swap3A_14, %swap3A_15], %swap3A_18 {strides = array<i32>} : memref<1x6400x256xf32, #tpu.memory_space<vmem>>, vector<1x6400x256xf32>,
    return
  }
  func.func @transform_0(%arg0: i32, %arg1: i32) -> (i32, i32) {
    %c0_i32 = arith.constant 0 : i32
    %c0_i32_0 = arith.constant 0 : i32
    %c0_i32_1 = arith.constant 0 : i32
    return %c0_i32, %c0_i32_0 : i32, i32
  }
  func.func @transform_1(%arg0: i32, %arg1: i32) -> (i32, i32) {
    %c0_i32 = arith.constant 0 : i32
    %c0_i32_0 = arith.constant 0 : i32
    %c0_i32_1 = arith.constant 0 : i32
    return %c0_i32, %c0_i32_0 : i32, i32
  }
  func.func @transform_2(%arg0: i32, %arg1: i32) -> (i32, i32) {
    %c0_i32 = arith.constant 0 : i32
    %c0_i32_0 = arith.constant 0 : i32
    %c0_i32_1 = arith.constant 0 : i32
    return %c0_i32, %c0_i32_0 : i32, i32
  }
  func.func @transform_3(%arg0: i32, %arg1: i32) -> (i32, i32, i32) {
    %c0_i32 = arith.constant 0 : i32
    %c0_i32_0 = arith.constant 0 : i32
    %c0_i32_1 = arith.constant 0 : i32
    return %arg0, %c0_i32, %c0_i32_0 : i32, i32, i32
  }
  func.func @transform_4(%arg0: i32, %arg1: i32) -> (i32, i32, i32) {
    %c0_i32 = arith.constant 0 : i32
    %c0_i32_0 = arith.constant 0 : i32
    return %arg0, %arg1, %c0_i32 : i32, i32, i32
  }
}

</mosaic_0001>

<sc_bundles>
// kernel: kernel.4.cloned.1.call-start
scs
__scs_entry_jumppad:
0x0: {  	(pc) =	sbr.rel $0x88, $3  }
0x1: {  	(tag) =	ssettag $0x0;
	lr =	simm.s32 $0x1  }
0x2: {  	[smem:$0x3F9C] =	sst lr;
	_ =	strace $0xD0000000  }
0x3: {  	_ = 	snop  }
0x4: {  	_ = 	snop  }
0x5: {  	_ = 	snop  }
0x6: {  	_ = 	snop  }
0x7: {  	_ = 	snop  }
__scs_overlays_trampoline_lowered:
0x8: {  	[smem:$0x3FAB] =	sst s0  }
0x9: {  	[smem:$0x3FAC] =	sst s1  }
0xa: {  	[smem:$0x3FAD] =	sst s2  }
0xb: {  	[smem:$0x3FAE] =	sst s3  }
0xc: {  	[smem:$0x3FAF] =	sst s4  }
0xd: {  	[smem:$0x3FB0] =	sst s5  }
0xe: {  	[smem:$0x3FB1] =	sst s6  }
0xf: {  	[smem:$0x3FB2] =	sst s7  }
0x10: {  	[smem:$0x3FB3] =	sst s8  }
0x11: {  	[smem:$0x3FB4] =	sst s9;
	s0 =	simm.s32 @!p0 $0x0  }
0x12: {  	s1 =	sld [smem:$0x3F9A];
	s0 =	simm.s32 @p0 $0x1  }
0x13: {  	[smem:$0x3FB5] =	sst s0;
	s0 =	simm.s32 @!p1 $0x0  }
0x14: {  	s2 =	sld [smem:$0x3F99];
	s0 =	simm.s32 @p1 $0x1  }
0x15: {  	[smem:$0x3FB6] =	sst s0;
	s0 =	simm.s32 @!p2 $0x0  }
0x16: {  	s3 =	sld [smem:$0x3FDB];
	s0 =	simm.s32 @p2 $0x1  }
0x17: {  	s4 =	simm.s32 $0x1BF5;
	[smem:$0x3FB8] =	sst s0  }
0x18: {  	s0 =	sld [smem:$0x3F9B];
	_ =	swait.ge [sflag:s4], $0x0  }
0x19: {  	s7 =	sld [smem:$0x3F9C]  }
0x1a: {  	s8 =	sadd.s32 $0xFFFFE003, lr  }
0x1b: {  	s9 =	sadd.s32 $0xFFFFFEF7, lr;
	s5 =	simm.s32 $0xFFFFFFFF;
	p2 =	slt.u32 s8, $0xFFFFF086  }
0x1c: {  	p1 =	slt.u32 s9, $0xF7A;
	s5 =	simm.s32 @!p2 $0x0  }
0x1d: {  	s5 =	simm.s32 @p1 $0x1;
	p0 =	seq.s32 s7, s2  }
0x1e: {  	s7 =	smul.u32 @!p0 $0xF7A, s2;
	p2 =	seq.s32 @!p0 s5, $0x0  }
0x1f: {  	s9 =	smul.u32 $0xF7A, s1;
	s8 =	simm.s32 @!p0 $0x1BF5;
	p2 =	por !p2, p0  }
0x20: {  	[sflag:s8] =	ssyncset.s32 @!p0 $0xFFFFF086;
	s6 =	sadd.s32 @!p0 s3, s7;
	s7 =	simm.s32 @!p0 $0x108  }
0x21: {  	s3 =	sadd.s32 s3, s9;
	s6 =	sadd.s32 @!p0 $0x88, s6;
	s7 =	simm.s32 @p2 $0x1082  }
0x22: {  	[simem:s7], [sflag:s8] =	dma.local @!p0 [hbm:s6], $0xF7A  }
0x23: {  	s9 =	sor.u32 $0xD0000000, s2;
	s6 =	simm.s32 $0x108;
	_ =	swait.ge @!p0 [sflag:s8], $0x0  }
0x24: {  	s3 =	sadd.s32 $0x88, s3;
	s6 =	simm.s32 @!p1 $0x1082;
	[sflag:s4] =	ssyncset.s32 $0xFFFFF086  }
0x25: {  	[simem:s6], [sflag:s4] =	dma.local [hbm:s3], $0xF7A  }
0x26: {  	[smem:$0x3F9C] =	sst s1;
	(tag) =	ssettag s2;
	_ =	strace s9  }
0x27: {  	s1 =	sld [smem:$0x3FAC]  }
0x28: {  	s2 =	sld [smem:$0x3FAD]  }
0x29: {  	s4 =	sld [smem:$0x3FAF]  }
0x2a: {  	p0 =	seq.s32 s5, $0x0;
	s5 =	sld [smem:$0x3FB0]  }
0x2b: {  	s6 =	sld [smem:$0x3FB1]  }
0x2c: {  	s7 =	sld [smem:$0x3FB2]  }
0x2d: {  	s3 =	simm.s32 $0x108;
	s8 =	sld [smem:$0x3FB3]  }
0x2e: {  	s3 =	simm.s32 @!p0 $0x1082;
	s9 =	sld [smem:$0x3FB4]  }
0x2f: {  	lr =	sadd.s32 s0, s3;
	s0 =	sld [smem:$0x3FAB]  }
0x30: {  	s3 =	sld [smem:$0x3FAE]  }
0x31: {  	[smem:$0x3FB7] =	sst s10  }
0x32: {  	s10 =	sld [smem:$0x3FB5];
	_ =	sdelay $0x3  }
0x33: {  	p0 =	seq.s32 s10, $0x1;
	s10 =	sld [smem:$0x3FB7];
	_ =	sdelay $0x3  }
0x34: {  	[smem:$0x3FB7] =	sst s10  }
0x35: {  	s10 =	sld [smem:$0x3FB6];
	_ =	sdelay $0x3  }
0x36: {  	p1 =	seq.s32 s10, $0x1;
	s10 =	sld [smem:$0x3FB7];
	_ =	sdelay $0x3  }
0x37: {  	[smem:$0x3FB7] =	sst s10  }
0x38: {  	s10 =	sld [smem:$0x3FB8]  }
0x39: {  	_ = 	snop;
	(pc) =	sbr.ind lr, $3  }
0x3a: {  	_ = 	snop  }
0x3b: {  	_ = 	snop  }
0x3c: {  	p2 =	seq.s32 s10, $0x1;
	s10 =	sld [smem:$0x3FB7]  }
0x3d: {  	_ =	shalt  }
0x3e: {  	_ =	shalt  }
0x3f: {  	_ =	shalt  }
0x40: {  	_ =	shalt  }
0x41: {  	_ =	shalt  }
0x42: {  	_ =	shalt  }
0x43: {  	_ =	shalt  }
0x44: {  	_ =	shalt  }
0x45: {  	_ =	shalt  }
0x46: {  	_ =	shalt  }
0x47: {  	_ =	shalt  }
0x48: {  	_ =	shalt  }
0x49: {  	_ =	shalt  }
0x4a: {  	_ =	shalt  }
0x4b: {  	_ =	shalt  }
0x4c: {  	_ =	shalt  }
0x4d: {  	_ =	shalt  }
0x4e: {  	_ =	shalt  }
0x4f: {  	_ =	shalt  }
0x50: {  	_ =	shalt  }
0x51: {  	_ =	shalt  }
0x52: {  	_ =	shalt  }
0x53: {  	_ =	shalt  }
0x54: {  	_ =	shalt  }
0x55: {  	_ =	shalt  }
0x56: {  	_ =	shalt  }
0x57: {  	_ =	shalt  }
0x58: {  	_ =	shalt  }
0x59: {  	_ =	shalt  }
0x5a: {  	_ =	shalt  }
0x5b: {  	_ =	shalt  }
0x5c: {  	_ =	shalt  }
0x5d: {  	_ =	shalt  }
0x5e: {  	_ =	shalt  }
0x5f: {  	_ =	shalt  }
0x60: {  	_ =	shalt  }
0x61: {  	_ =	shalt  }
0x62: {  	_ =	shalt  }
0x63: {  	_ =	shalt  }
0x64: {  	_ =	shalt  }
0x65: {  	_ =	shalt  }
0x66: {  	_ =	shalt  }
0x67: {  	_ =	shalt  }
0x68: {  	_ =	shalt  }
0x69: {  	_ =	shalt  }
0x6a: {  	_ =	shalt  }
0x6b: {  	_ =	shalt  }
0x6c: {  	_ =	shalt  }
0x6d: {  	_ =	shalt  }
0x6e: {  	_ =	shalt  }
0x6f: {  	_ =	shalt  }
0x70: {  	_ =	shalt  }
0x71: {  	_ =	shalt  }
0x72: {  	_ =	shalt  }
0x73: {  	_ =	shalt  }
0x74: {  	_ =	shalt  }
0x75: {  	_ =	shalt  }
0x76: {  	_ =	shalt  }
0x77: {  	_ =	shalt  }
0x78: {  	_ =	shalt  }
0x79: {  	_ =	shalt  }
0x7a: {  	_ =	shalt  }
0x7b: {  	_ =	shalt  }
0x7c: {  	_ =	shalt  }
0x7d: {  	_ =	shalt  }
0x7e: {  	_ =	shalt  }
0x7f: {  	_ =	shalt  }
0x80: {  	_ =	shalt  }
0x81: {  	_ =	shalt  }
0x82: {  	_ =	shalt  }
0x83: {  	_ =	shalt  }
0x84: {  	_ =	shalt  }
0x85: {  	_ =	shalt  }
0x86: {  	_ =	shalt  }
0x87: {  	_ =	shalt  }
.Lfunc_end0:
.L_simem_size_0:
called_computation_lowered:
.L_overlay_start_0:
0x88: {  	s2 =	sld [smem:$0x3FD9]  }
0x89: {  	s3 =	sld [smem:$0x3FFE];
	_ =	sdelay $0x1  }
0x8a: {  	s1 =	srdreg.scid  }
0x8b: {  	s0 =	sand.u32 $0x1, s1  }
0x8c: {  	s17 =	sshll.u32 s0, $0xA;
	s2 =	sadd.s32 s3, s2  }
0x8d: {  	s2 =	sadd.s32 s2, s17  }
0x8e: {  	[smem:$0x3FC3] =	sst s2  }
0x8f: {  	_ = 	snop  }
0x90: {  	s2 =	sld [smem:$0x3FD0];
	(tm) =	ssettm $0x1  }
0x91: {  	s18 =	sld [smem:$0x3FFB];
	_ =	sdelay $0x3  }
0x92: {  	_ =	strace s18  }
0x93: {  	s3 =	sld [smem:$0x3FFC];
	_ =	sdelay $0x3  }
0x94: {  	_ =	strace s3  }
0x95: {  	s3 =	sld [smem:$0x3FFD];
	_ =	sdelay $0x3  }
0x96: {  	_ =	strace s3  }
0x97: {  	_ =	strace $0x8FFFFFFF  }
0x98: {  	s19 =	sld [smem:$0x3FDB];
	_ =	sdelay $0x1  }
0x99: {  	s4 =	simm.s32 $_scs_section_size  }
0x9a: {  	s5 =	simm.s32 $_size__tile_overlayer_lowered;
	s6 =	simm.s32 $_tile_overlayer_lowered  }
0x9b: {  	s22 =	simm.s32 $0x1BFF;
	s21 =	sshll.u32 s6, $0x1;
	s3 =	sadd.s32 s4, s19  }
0x9c: {  	s7 =	simm.s32 $0x0;
	s20 =	sshll.u32 s5, $0x1;
	s5 =	sadd.s32 s21, s3  }
0x9d: {  	[timem:s7], [sflag:s22] =	dma.local [hbm:s5], s20  }
0x9e: {  	_ =	swait.ge [sflag:s22], s20  }
0x9f: {  	s4 =	ssub.s32 $0x0, s20;
	[sflag:s22] =	ssyncset.done $0x0  }
0xa0: {  	[sflag:s22] =	ssyncadd.s32 s4;
	_ =	sdelay $0x1  }
0xa1: {  	s23 =	simm.s32 $0x1B8B  }
0xa2: {  	_ =	swait.ge [sflag:s23], $0x1  }
0xa3: {  	[sflag:s23] =	ssyncset.done $0x0  }
0xa4: {  	s25 =	simm.s32 $0x1B8E;
	s24 =	sld [smem:$0x3FFE];
	[sflag:s23] =	ssyncadd.s32 $0xFFFFFFFF  }
0xa5: {  	s26 =	simm.s32 $execute0_lowered;
	[smem:$0x3FD2] =	sst s25  }
0xa6: {  	s5 =	sshll.u32 s26, $0x1;
	_ =	strace $0x80000046;
	[dreg:$0x1] =	wrdreg $0xFFFFFFFF  }
0xa7: {  	s28 =	simm.s32 $_size_execute0_lowered;
	s3 =	sadd.s32 s3, s5;
	[dreg:$0x0] =	wrdreg $0x0  }
0xa8: {  	s5 =	sshll.u32 s28, $0x1;
	[dreg:$0x2] =	wrdreg s3  }
0xa9: {  	[dreg:$0x3] =	wrdreg s5  }
0xaa: {  	[dreg:$0x4] =	wrdreg $0xC0  }
0xab: {  	_ =	task [dreg:s7], $0x5FFFF  }
0xac: {  	[dreg:$0x1] =	wrdreg $0xFFFFFFFF  }
0xad: {  	[dreg:$0x0] =	wrdreg $0x60  }
0xae: {  	[dreg:$0x2] =	wrdreg s24  }
0xaf: {  	[dreg:$0x3] =	wrdreg s2  }
0xb0: {  	[dreg:$0x4] =	wrdreg $0x9  }
0xb1: {  	_ =	task.clear_ibuf [dreg:s7], $0x5FFFF;
	_ =	strace $0x90000046  }
0xb2: {  	s29 =	simm.s32 $0x9;
	_ =	strace $0x80000048  }
0xb3: {  	_ =	swait.ge [sflag:s29], $0x1  }
0xb4: {  	[sflag:s29] =	ssyncadd.s32 $0xFFFFFFFF  }
0xb5: {  	_ =	strace $0x90000048  }
0xb6: {  	_ =	sfence  }
0xb7: {  	s30 =	sld [smem:$0x0];
	_ =	sdelay $0x2  }
0xb8: {  	s31 =	sshll.u32 s1, $0xD;
	s1 =	sshrl.u32 s1, $0x2  }
0xb9: {  	s3 =	sand.u32 $0x4000, s31;
	s1 =	sadd.s32 s1, s30  }
0xba: {  	s0 =	sor.u32 s3, s0;
	s1 =	sshll.u32 s1, $0x11  }
0xbb: {  	s0 =	sor.u32 s1, s0  }
0xbc: {  	s0 =	sadd.s32 $0x8F2B, s0  }
0xbd: {  	[sflag:s0] =	ssyncadd.remote.s32 $0x1  }
0xbe: {  	_ =	sfence.sel $0xFFFF  }
0xbf: {  	[dreg:$0x0] =	wrdreg $0xFFFFFFFF;
	(pc) =	sbr.abs _section_cstart, $3  }
0xc0: {  	[dreg:$0x1] =	wrdreg $0xFFFFFFFF  }
0xc1: {  	_ =	task.clear_ibuf [dreg:s7], $0x2FFFF;
	_ =	strace $0x9FFFFFFF  }
0xc2: {  	(tm) =	ssettm $0x7FFFFFFF  }
0xc3: {  	_ =	shalt  }
tec
execute0_lowered:
.L_overlay_start_1:
0x0: {  	(tag) =	ssettag $0x1  }
0x1: {  	s0 =	rddreg [dreg:$0x0]  }
0x2: {  	s1 =	rddreg [dreg:$0x1];
	s2 =	simm.s32 $0x0;
	s3 =	srdreg.scid  }
0x3: {  	s5 =	stileid.u32;
	s9 =	simm.s32 $0x3;
	s21 =	simm.s32 $0x8C00  }
0x4: {  	s22 =	simm.s32 $0x9400;
	s23 =	simm.s32 $0x9C00;
	s24 =	simm.s32 $0xA400  }
0x5: {  	s28 =	simm.s32 $0xBC00;
	s29 =	simm.s32 $0x1;
	s30 =	simm.s32 $0xC400  }
0x6: {  	s31 =	simm.s32 $0x2;
	s4 =	sand.u32 $0x1, s3;
	s25 =	sshll.u32 s5, $0x1  }
0x7: {  	[smem:$0x7FF] =	sst s2;
	s3 =	sadd.s32 $0xA00, s0;
	s6 =	sor.u32 s4, s25  }
0x8: {  	_ =	strace $0x80000047;
	s7 =	ssub.s32 $0x2, s4;
	s8 =	smul.u32 $0x680, s6  }
0x9: {  	s4 =	sadd.s32 $0x384A00, s0;
	s25 =	simm.s32 $0xAC00;
	s26 =	sshrl.u32 s7, $0x1  }
0xa: {  	v2 =	vlaneseq.u32;
	s5 =	smul.u32 $0x31000, s6;
	s0 =	ssub.s32 s7, s26;
	s1 =	sadd.s32 s1, s8  }
0xb: {  	vm0 =	vmmov $0xffff;
	v1 =	vshrl.u32 v2, $0x3;
	s7 =	smul.u32 $0x62, s6;
	s0 =	smax.u32 s0, $0x1;
	[dreg:$0x3] =	wrdreg s1  }
0xc: {  	v0 =	vand.u32 $0x7, v2;
	v2 =	vor.u32 $0x8, v2;
	v1 =	vmul.u32 $0x8, v1;
	s26 =	simm.s32 $0xB400;
	[dreg:$0x4] =	wrdreg s0;
	s1 =	simm.s32 $0x0  }
.LBB2_1:
0xd: {  	[dreg:$0x5] =	wrdreg s1  }
0xe: {  	s0 =	rddreg [dreg:$0x3]  }
0xf: {  	[tilespmem:s2], [sflag:$0x3] =	stream.linear.gather [hbm4b:s0+s2], $0x3100, $0x38;
	[tilespmem:$0xCC00] =	vst v63  }
0x10: {  	_ =	swait.ge [sflag:s9], $0x3100  }
0x11: {  	[sflag:s9] =	ssyncset.done $0x0  }
0x12: {  	[sflag:s9] =	ssyncadd.s32 $0xFFFFCF00  }
0x13: {  	v3 =	vld [tilespmem:$0x0];
	_ =	sdelay $0x4  }
0x14: {  	v4 =	vshll.u32 v3, $0x1  }
0x15: {  	v3 =	vand.u32 $0x7, v3;
	v4 =	vand.u32 $0xFFFFFFF0, v4  }
0x16: {  	v3 =	vor.u32 v3, v4  }
0x17: {  	v4 =	vperm.xlane v3, v0;
	_ =	sdelay $0x1  }
0x18: {  	v3 =	vperm.xlane v3, v2;
	v4 =	vadd.s32 v1, v4;
	_ =	sdelay $0x1  }
0x19: {  	v3 =	vadd.s32 v1, v3;
	_ =	sdelay $0x1  }
0x1a: {  	s12 =	simm.s32 $0x3400  }
0x1b: {  	[tilespmem:s12], [sflag:$0x1] =	stream.indirect_vreg.gather [hbm4b:s3+s2], $0x80, v4, vm0, $0xb8;
	[tilespmem:$0xCC00] =	vst v63  }
0x1c: {  	s13 =	simm.s32 $0x3C00  }
0x1d: {  	[tilespmem:s13], [sflag:$0x1] =	stream.indirect_vreg.gather [hbm4b:s3+s2], $0x80, v3, vm0, $0xb8;
	[tilespmem:$0xCC00] =	vst v63  }
0x1e: {  	v3 =	vld [tilespmem:$0x10];
	_ =	sdelay $0x4  }
0x1f: {  	v60 =	vshll.u32 v3, $0x1  }
0x20: {  	v3 =	vand.u32 $0x7, v3;
	v4 =	vand.u32 $0xFFFFFFF0, v60  }
0x21: {  	v3 =	vor.u32 v3, v4  }
0x22: {  	v4 =	vperm.xlane v3, v0;
	_ =	sdelay $0x1  }
0x23: {  	v3 =	vperm.xlane v3, v2;
	v4 =	vadd.s32 v1, v4;
	_ =	sdelay $0x1  }
0x24: {  	v3 =	vadd.s32 v1, v3;
	_ =	sdelay $0x1  }
0x25: {  	s14 =	simm.s32 $0x4400  }
0x26: {  	[tilespmem:s14], [sflag:$0x1] =	stream.indirect_vreg.gather [hbm4b:s3+s2], $0x80, v4, vm0, $0xb8;
	[tilespmem:$0xCC00] =	vst v63  }
0x27: {  	s15 =	simm.s32 $0x4C00  }
0x28: {  	[tilespmem:s15], [sflag:$0x1] =	stream.indirect_vreg.gather [hbm4b:s3+s2], $0x80, v3, vm0, $0xb8;
	[tilespmem:$0xCC00] =	vst v63  }
0x29: {  	v3 =	vld [tilespmem:$0x20];
	_ =	sdelay $0x4  }
0x2a: {  	v61 =	vshll.u32 v3, $0x1  }
0x2b: {  	v3 =	vand.u32 $0x7, v3;
	v4 =	vand.u32 $0xFFFFFFF0, v61  }
0x2c: {  	v3 =	vor.u32 v3, v4  }
0x2d: {  	v4 =	vperm.xlane v3, v0;
	_ =	sdelay $0x1  }
0x2e: {  	v3 =	vperm.xlane v3, v2;
	v4 =	vadd.s32 v1, v4;
	_ =	sdelay $0x1  }
0x2f: {  	v3 =	vadd.s32 v1, v3;
	_ =	sdelay $0x1  }
0x30: {  	s16 =	simm.s32 $0x5400  }
0x31: {  	[tilespmem:s16], [sflag:$0x1] =	stream.indirect_vreg.gather [hbm4b:s3+s2], $0x80, v4, vm0, $0xb8;
	[tilespmem:$0xCC00] =	vst v63  }
0x32: {  	s17 =	simm.s32 $0x5C00  }
0x33: {  	[tilespmem:s17], [sflag:$0x1] =	stream.indirect_vreg.gather [hbm4b:s3+s2], $0x80, v3, vm0, $0xb8;
	[tilespmem:$0xCC00] =	vst v63  }
0x34: {  	v3 =	vld [tilespmem:$0x30];
	_ =	sdelay $0x4  }
0x35: {  	v62 =	vshll.u32 v3, $0x1  }
0x36: {  	v3 =	vand.u32 $0x7, v3;
	v4 =	vand.u32 $0xFFFFFFF0, v62  }
0x37: {  	v3 =	vor.u32 v3, v4  }
0x38: {  	v4 =	vperm.xlane v3, v0;
	_ =	sdelay $0x1  }
0x39: {  	v3 =	vperm.xlane v3, v2;
	v4 =	vadd.s32 v1, v4;
	_ =	sdelay $0x1  }
0x3a: {  	v3 =	vadd.s32 v1, v3;
	_ =	sdelay $0x1  }
0x3b: {  	s18 =	simm.s32 $0x6400  }
0x3c: {  	[tilespmem:s18], [sflag:$0x1] =	stream.indirect_vreg.gather [hbm4b:s3+s2], $0x80, v4, vm0, $0xb8;
	[tilespmem:$0xCC00] =	vst v63  }
0x3d: {  	s19 =	simm.s32 $0x6C00  }
0x3e: {  	[tilespmem:s19], [sflag:$0x1] =	stream.indirect_vreg.gather [hbm4b:s3+s2], $0x80, v3, vm0, $0xb8;
	[tilespmem:$0xCC00] =	vst v63  }
0x3f: {  	v3 =	vld.msk [tilespmem:$0x40], $0xff;
	_ =	sdelay $0x4  }
0x40: {  	v63 =	vshll.u32 v3, $0x1  }
0x41: {  	v3 =	vand.u32 $0x7, v3;
	v4 =	vand.u32 $0xFFFFFFF0, v63  }
0x42: {  	v3 =	vor.u32 v3, v4  }
0x43: {  	v3 =	vperm.xlane v3, v0;
	_ =	sdelay $0x1  }
0x44: {  	v3 =	vadd.s32 v1, v3;
	_ =	sdelay $0x3  }
0x45: {  	s20 =	simm.s32 $0x7400;
	s1 =	simm.s32 $0x0  }
0x46: {  	[tilespmem:s20], [sflag:$0x1] =	stream.indirect_vreg.gather [hbm4b:s3+s2], $0x80, v3, vm0, $0xb8;
	[tilespmem:$0xCC00] =	vst v63  }
.LBB2_2:
0x47: {  	s6 =	sshllo.u32 s1, $0x1  }
0x48: {  	s0 =	sshll.u32 s6, $0x7  }
0x49: {  	s0 =	sand.u32 $0x3FFFFF80, s0  }
0x4a: {  	v3 =	vld [tilespmem:s0+$0x0];
	_ =	sdelay $0x4  }
0x4b: {  	v4 =	vshll.u32 v3, $0x1  }
0x4c: {  	v3 =	vand.u32 $0x7, v3;
	v4 =	vand.u32 $0xFFFFFFF0, v4  }
0x4d: {  	v3 =	vor.u32 v3, v4  }
0x4e: {  	v4 =	vperm.xlane v3, v0;
	_ =	sdelay $0x1  }
0x4f: {  	v3 =	vperm.xlane v3, v2;
	v4 =	vadd.s32 v1, v4;
	_ =	sdelay $0x1  }
0x50: {  	v3 =	vadd.s32 v1, v3;
	_ =	sdelay $0x1  }
0x51: {  	s8 =	simm.s32 $0x0;
	s10 =	simm.s32 $0x7C00  }
0x52: {  	[tilespmem:s10], [sflag:$0x2] =	stream.indirect_vreg.gather [hbm4b:s3+s8], $0x80, v4, vm0, $0xb8;
	[tilespmem:$0xCC00] =	vst v63  }
0x53: {  	s20 =	simm.s32 $0x8400  }
0x54: {  	[tilespmem:s20], [sflag:$0x2] =	stream.indirect_vreg.gather [hbm4b:s3+s8], $0x80, v3, vm0, $0xb8;
	[tilespmem:$0xCC00] =	vst v63  }
0x55: {  	v3 =	vld [tilespmem:s0+$0x10];
	_ =	sdelay $0x4  }
0x56: {  	v60 =	vshll.u32 v3, $0x1  }
0x57: {  	v3 =	vand.u32 $0x7, v3;
	v4 =	vand.u32 $0xFFFFFFF0, v60  }
0x58: {  	v3 =	vor.u32 v3, v4  }
0x59: {  	v4 =	vperm.xlane v3, v0;
	_ =	sdelay $0x1  }
0x5a: {  	v3 =	vperm.xlane v3, v2;
	v4 =	vadd.s32 v1, v4;
	_ =	sdelay $0x1  }
0x5b: {  	v3 =	vadd.s32 v1, v3;
	_ =	sdelay $0x2  }
0x5c: {  	[tilespmem:s21], [sflag:$0x2] =	stream.indirect_vreg.gather [hbm4b:s3+s8], $0x80, v4, vm0, $0xb8;
	[tilespmem:$0xCC00] =	vst v63  }
0x5d: {  	_ = 	snop  }
0x5e: {  	[tilespmem:s22], [sflag:$0x2] =	stream.indirect_vreg.gather [hbm4b:s3+s8], $0x80, v3, vm0, $0xb8;
	[tilespmem:$0xCC00] =	vst v63  }
0x5f: {  	v3 =	vld [tilespmem:s0+$0x20];
	_ =	sdelay $0x4  }
0x60: {  	v61 =	vshll.u32 v3, $0x1  }
0x61: {  	v3 =	vand.u32 $0x7, v3;
	v4 =	vand.u32 $0xFFFFFFF0, v61  }
0x62: {  	v3 =	vor.u32 v3, v4  }
0x63: {  	v4 =	vperm.xlane v3, v0;
	_ =	sdelay $0x1  }
0x64: {  	v3 =	vperm.xlane v3, v2;
	v4 =	vadd.s32 v1, v4;
	_ =	sdelay $0x1  }
0x65: {  	v3 =	vadd.s32 v1, v3;
	_ =	sdelay $0x2  }
0x66: {  	[tilespmem:s23], [sflag:$0x2] =	stream.indirect_vreg.gather [hbm4b:s3+s8], $0x80, v4, vm0, $0xb8;
	[tilespmem:$0xCC00] =	vst v63  }
0x67: {  	_ = 	snop  }
0x68: {  	[tilespmem:s24], [sflag:$0x2] =	stream.indirect_vreg.gather [hbm4b:s3+s8], $0x80, v3, vm0, $0xb8;
	[tilespmem:$0xCC00] =	vst v63  }
0x69: {  	v3 =	vld [tilespmem:s0+$0x30];
	_ =	sdelay $0x4  }
0x6a: {  	v62 =	vshll.u32 v3, $0x1  }
0x6b: {  	v3 =	vand.u32 $0x7, v3;
	v4 =	vand.u32 $0xFFFFFFF0, v62  }
0x6c: {  	v3 =	vor.u32 v3, v4  }
0x6d: {  	v4 =	vperm.xlane v3, v0;
	_ =	sdelay $0x1  }
0x6e: {  	v3 =	vperm.xlane v3, v2;
	v4 =	vadd.s32 v1, v4;
	_ =	sdelay $0x1  }
0x6f: {  	v3 =	vadd.s32 v1, v3;
	_ =	sdelay $0x2  }
0x70: {  	[tilespmem:s25], [sflag:$0x2] =	stream.indirect_vreg.gather [hbm4b:s3+s8], $0x80, v4, vm0, $0xb8;
	[tilespmem:$0xCC00] =	vst v63  }
0x71: {  	s0 =	sor.u32 $0x40, s0  }
0x72: {  	[tilespmem:s26], [sflag:$0x2] =	stream.indirect_vreg.gather [hbm4b:s3+s8], $0x80, v3, vm0, $0xb8;
	[tilespmem:$0xCC00] =	vst v63  }
0x73: {  	v3 =	vld.msk [tilespmem:s0+$0x0], $0xff;
	_ =	sdelay $0x4  }
0x74: {  	v63 =	vshll.u32 v3, $0x1  }
0x75: {  	v3 =	vand.u32 $0x7, v3;
	v4 =	vand.u32 $0xFFFFFFF0, v63  }
0x76: {  	v3 =	vor.u32 v3, v4  }
0x77: {  	v3 =	vperm.xlane v3, v0;
	_ =	sdelay $0x1  }
0x78: {  	v3 =	vadd.s32 v1, v3;
	_ =	sdelay $0x4  }
0x79: {  	[tilespmem:s28], [sflag:$0x2] =	stream.indirect_vreg.gather [hbm4b:s3+s8], $0x80, v3, vm0, $0xb8;
	[tilespmem:$0xCC00] =	vst v63  }
0x7a: {  	_ =	swait.ge [sflag:s29], $0x4800  }
0x7b: {  	[sflag:s29] =	ssyncset.done $0x0  }
0x7c: {  	s10 =	simm.s32 $0x0;
	s0 =	simm.s32 $0x380;
	[sflag:s29] =	ssyncadd.s32 $0xFFFFB800  }
.LBB2_3:
0x7d: {  	s12 =	sand.u32 $0x3FFFF800, s8;
	s11 =	sshra.s32 s10, $0x2;
	s13 =	sadd.s32 $0x100, s8  }
0x7e: {  	s14 =	sadd.s32 $0xFFFFFD00, s0;
	s15 =	sadd.s32 $0x200, s8;
	s16 =	sadd.s32 $0xFFFFFD80, s0  }
0x7f: {  	s18 =	sadd.s32 $0x300, s8;
	s19 =	sadd.s32 $0xFFFFFE00, s0;
	s20 =	sadd.s32 $0xFFFFFE80, s0  }
0x80: {  	s12 =	sadd.s32 s11, s12;
	s13 =	sand.u32 $0x7800, s13;
	s14 =	sand.u32 $0x380, s14  }
0x81: {  	s15 =	sand.u32 $0x7800, s15;
	s17 =	sand.u32 $0x380, s16;
	s16 =	sand.u32 $0x380, s19  }
0x82: {  	s19 =	sadd.s32 $0xFFFFFF00, s0;
	s13 =	sor.u32 s14, s13;
	s14 =	sor.u32 s17, s15  }
0x83: {  	s15 =	sand.u32 $0x7800, s18;
	s17 =	sadd.s32 $0x400, s8;
	v3 =	vld [tilespmem:s12+$0x3400];
	s18 =	sadd.s32 $0x500, s8  }
0x84: {  	s15 =	sor.u32 s16, s15;
	s16 =	sand.u32 $0x7800, s17;
	v4 =	vld [tilespmem:s13+$0x3400];
	s17 =	sand.u32 $0x380, s20  }
0x85: {  	v5 =	vld [tilespmem:s14+$0x3400];
	s18 =	sand.u32 $0x7800, s18;
	s20 =	sand.u32 $0x380, s19;
	s19 =	sadd.s32 $0x600, s8  }
0x86: {  	s16 =	sor.u32 s17, s16;
	v6 =	vld [tilespmem:s15+$0x3400];
	s17 =	sor.u32 s20, s18;
	s20 =	sadd.s32 $0xFFFFFF80, s0  }
0x87: {  	s18 =	sand.u32 $0x7800, s19;
	v7 =	vld [tilespmem:s16+$0x3400];
	s19 =	sand.u32 $0x380, s20;
	s20 =	sadd.s32 $0x700, s8  }
0x88: {  	v8 =	vld [tilespmem:s17+$0x3400];
	s18 =	sor.u32 s19, s18;
	s19 =	sand.u32 $0x7800, s20;
	s20 =	sand.u32 $0x380, s0  }
0x89: {  	v9 =	vld [tilespmem:s18+$0x3400];
	s19 =	sor.u32 s20, s19  }
0x8a: {  	v10 =	vld [tilespmem:s19+$0x3400];
	_ =	sdelay $0x3  }
0x8b: {  	v3 =	vadd.f32 v4, v3;
	v38 =	vadd.f32 v6, v5  }
0x8c: {  	v39 =	vadd.f32 v8, v7;
	v40 =	vadd.f32 v10, v9  }
0x8d: {  	v41 =	vld [tilespmem:s12+$0x3C00]  }
0x8e: {  	v3 =	vadd.f32 v38, v3;
	v42 =	vadd.f32 v40, v39;
	_ =	sdelay $0x1  }
0x8f: {  	v3 =	vadd.f32 v42, v3;
	_ =	sdelay $0x1  }
0x90: {  	v3 =	vadd.f32 v3, v41;
	_ =	sdelay $0x1  }
0x91: {  	[tilespmem:s11+$0xC400] =	vst v3  }
0x92: {  	v3 =	vld [tilespmem:s12+$0x3410]  }
0x93: {  	v43 =	vld [tilespmem:s13+$0x3410]  }
0x94: {  	v44 =	vld [tilespmem:s14+$0x3410]  }
0x95: {  	v45 =	vld [tilespmem:s15+$0x3410]  }
0x96: {  	v46 =	vld [tilespmem:s16+$0x3410]  }
0x97: {  	v47 =	vld [tilespmem:s17+$0x3410]  }
0x98: {  	v48 =	vld [tilespmem:s18+$0x3410]  }
0x99: {  	v49 =	vld [tilespmem:s19+$0x3410];
	_ =	sdelay $0x3  }
0x9a: {  	v3 =	vadd.f32 v43, v3;
	v50 =	vadd.f32 v45, v44  }
0x9b: {  	v51 =	vadd.f32 v47, v46;
	v52 =	vadd.f32 v49, v48  }
0x9c: {  	v53 =	vld [tilespmem:s12+$0x3C10]  }
0x9d: {  	v3 =	vadd.f32 v50, v3;
	v54 =	vadd.f32 v52, v51;
	_ =	sdelay $0x1  }
0x9e: {  	v3 =	vadd.f32 v54, v3;
	_ =	sdelay $0x1  }
0x9f: {  	v3 =	vadd.f32 v3, v53;
	_ =	sdelay $0x1  }
0xa0: {  	[tilespmem:s11+$0xC410] =	vst v3  }
0xa1: {  	v3 =	vld [tilespmem:s12+$0x3420]  }
0xa2: {  	v55 =	vld [tilespmem:s13+$0x3420]  }
0xa3: {  	v56 =	vld [tilespmem:s14+$0x3420]  }
0xa4: {  	v57 =	vld [tilespmem:s15+$0x3420]  }
0xa5: {  	v58 =	vld [tilespmem:s16+$0x3420]  }
0xa6: {  	v59 =	vld [tilespmem:s17+$0x3420]  }
0xa7: {  	v60 =	vld [tilespmem:s18+$0x3420]  }
0xa8: {  	v61 =	vld [tilespmem:s19+$0x3420];
	_ =	sdelay $0x3  }
0xa9: {  	v3 =	vadd.f32 v55, v3;
	v62 =	vadd.f32 v57, v56  }
0xaa: {  	v63 =	vadd.f32 v59, v58;
	v10 =	vadd.f32 v61, v60  }
0xab: {  	v11 =	vld [tilespmem:s12+$0x3C20]  }
0xac: {  	v3 =	vadd.f32 v62, v3;
	v12 =	vadd.f32 v10, v63;
	_ =	sdelay $0x1  }
0xad: {  	v3 =	vadd.f32 v12, v3;
	_ =	sdelay $0x1  }
0xae: {  	v3 =	vadd.f32 v3, v11;
	_ =	sdelay $0x1  }
0xaf: {  	[tilespmem:s11+$0xC420] =	vst v3  }
0xb0: {  	v3 =	vld [tilespmem:s12+$0x3430]  }
0xb1: {  	v13 =	vld [tilespmem:s13+$0x3430]  }
0xb2: {  	v14 =	vld [tilespmem:s14+$0x3430]  }
0xb3: {  	v15 =	vld [tilespmem:s15+$0x3430]  }
0xb4: {  	v16 =	vld [tilespmem:s16+$0x3430]  }
0xb5: {  	v17 =	vld [tilespmem:s17+$0x3430]  }
0xb6: {  	v18 =	vld [tilespmem:s18+$0x3430]  }
0xb7: {  	v19 =	vld [tilespmem:s19+$0x3430];
	_ =	sdelay $0x3  }
0xb8: {  	v3 =	vadd.f32 v13, v3;
	v20 =	vadd.f32 v15, v14  }
0xb9: {  	v21 =	vadd.f32 v17, v16;
	v22 =	vadd.f32 v19, v18  }
0xba: {  	v23 =	vld [tilespmem:s12+$0x3C30]  }
0xbb: {  	v3 =	vadd.f32 v20, v3;
	v24 =	vadd.f32 v22, v21;
	_ =	sdelay $0x1  }
0xbc: {  	v3 =	vadd.f32 v24, v3;
	_ =	sdelay $0x1  }
0xbd: {  	v3 =	vadd.f32 v3, v23;
	_ =	sdelay $0x1  }
0xbe: {  	[tilespmem:s11+$0xC430] =	vst v3  }
0xbf: {  	v3 =	vld [tilespmem:s12+$0x3440]  }
0xc0: {  	v25 =	vld [tilespmem:s13+$0x3440]  }
0xc1: {  	v26 =	vld [tilespmem:s14+$0x3440]  }
0xc2: {  	v27 =	vld [tilespmem:s15+$0x3440]  }
0xc3: {  	v28 =	vld [tilespmem:s16+$0x3440]  }
0xc4: {  	v29 =	vld [tilespmem:s17+$0x3440]  }
0xc5: {  	v30 =	vld [tilespmem:s18+$0x3440]  }
0xc6: {  	v31 =	vld [tilespmem:s19+$0x3440];
	_ =	sdelay $0x3  }
0xc7: {  	v3 =	vadd.f32 v25, v3;
	v32 =	vadd.f32 v27, v26  }
0xc8: {  	v33 =	vadd.f32 v29, v28;
	v34 =	vadd.f32 v31, v30  }
0xc9: {  	v35 =	vld [tilespmem:s12+$0x3C40]  }
0xca: {  	v3 =	vadd.f32 v32, v3;
	v36 =	vadd.f32 v34, v33;
	_ =	sdelay $0x1  }
0xcb: {  	v3 =	vadd.f32 v36, v3;
	_ =	sdelay $0x1  }
0xcc: {  	v3 =	vadd.f32 v3, v35;
	_ =	sdelay $0x1  }
0xcd: {  	[tilespmem:s11+$0xC440] =	vst v3  }
0xce: {  	v3 =	vld [tilespmem:s12+$0x3450]  }
0xcf: {  	v37 =	vld [tilespmem:s13+$0x3450]  }
0xd0: {  	v38 =	vld [tilespmem:s14+$0x3450]  }
0xd1: {  	v39 =	vld [tilespmem:s15+$0x3450]  }
0xd2: {  	v40 =	vld [tilespmem:s16+$0x3450]  }
0xd3: {  	v41 =	vld [tilespmem:s17+$0x3450]  }
0xd4: {  	v42 =	vld [tilespmem:s18+$0x3450]  }
0xd5: {  	v43 =	vld [tilespmem:s19+$0x3450];
	_ =	sdelay $0x3  }
0xd6: {  	v3 =	vadd.f32 v37, v3;
	v44 =	vadd.f32 v39, v38  }
0xd7: {  	v45 =	vadd.f32 v41, v40;
	v46 =	vadd.f32 v43, v42  }
0xd8: {  	v47 =	vld [tilespmem:s12+$0x3C50]  }
0xd9: {  	v3 =	vadd.f32 v44, v3;
	v48 =	vadd.f32 v46, v45;
	_ =	sdelay $0x1  }
0xda: {  	v3 =	vadd.f32 v48, v3;
	_ =	sdelay $0x1  }
0xdb: {  	v3 =	vadd.f32 v3, v47;
	_ =	sdelay $0x1  }
0xdc: {  	[tilespmem:s11+$0xC450] =	vst v3  }
0xdd: {  	v3 =	vld [tilespmem:s12+$0x3460]  }
0xde: {  	v49 =	vld [tilespmem:s13+$0x3460]  }
0xdf: {  	v50 =	vld [tilespmem:s14+$0x3460]  }
0xe0: {  	v51 =	vld [tilespmem:s15+$0x3460]  }
0xe1: {  	v52 =	vld [tilespmem:s16+$0x3460]  }
0xe2: {  	v53 =	vld [tilespmem:s17+$0x3460]  }
0xe3: {  	v54 =	vld [tilespmem:s18+$0x3460]  }
0xe4: {  	v55 =	vld [tilespmem:s19+$0x3460];
	_ =	sdelay $0x3  }
0xe5: {  	v3 =	vadd.f32 v49, v3;
	v56 =	vadd.f32 v51, v50  }
0xe6: {  	v57 =	vadd.f32 v53, v52;
	v58 =	vadd.f32 v55, v54  }
0xe7: {  	v59 =	vld [tilespmem:s12+$0x3C60]  }
0xe8: {  	v3 =	vadd.f32 v56, v3;
	v60 =	vadd.f32 v58, v57;
	_ =	sdelay $0x1  }
0xe9: {  	v3 =	vadd.f32 v60, v3;
	_ =	sdelay $0x1  }
0xea: {  	v3 =	vadd.f32 v3, v59;
	_ =	sdelay $0x1  }
0xeb: {  	[tilespmem:s11+$0xC460] =	vst v3  }
0xec: {  	v3 =	vld [tilespmem:s12+$0x3470]  }
0xed: {  	v61 =	vld [tilespmem:s13+$0x3470]  }
0xee: {  	v62 =	vld [tilespmem:s14+$0x3470]  }
0xef: {  	v63 =	vld [tilespmem:s15+$0x3470]  }
0xf0: {  	v12 =	vld [tilespmem:s16+$0x3470]  }
0xf1: {  	v13 =	vld [tilespmem:s17+$0x3470]  }
0xf2: {  	v14 =	vld [tilespmem:s18+$0x3470]  }
0xf3: {  	v15 =	vld [tilespmem:s19+$0x3470];
	_ =	sdelay $0x3  }
0xf4: {  	v3 =	vadd.f32 v61, v3;
	v16 =	vadd.f32 v63, v62  }
0xf5: {  	v17 =	vadd.f32 v13, v12;
	v18 =	vadd.f32 v15, v14  }
0xf6: {  	v19 =	vld [tilespmem:s12+$0x3C70]  }
0xf7: {  	v3 =	vadd.f32 v16, v3;
	v20 =	vadd.f32 v18, v17;
	_ =	sdelay $0x1  }
0xf8: {  	v3 =	vadd.f32 v20, v3;
	_ =	sdelay $0x1  }
0xf9: {  	v3 =	vadd.f32 v3, v19;
	_ =	sdelay $0x1  }
0xfa: {  	[tilespmem:s11+$0xC470] =	vst v3  }
0xfb: {  	v3 =	vld [tilespmem:s12+$0x3800]  }
0xfc: {  	v21 =	vld [tilespmem:s13+$0x3800]  }
0xfd: {  	v22 =	vld [tilespmem:s14+$0x3800]  }
0xfe: {  	v23 =	vld [tilespmem:s15+$0x3800]  }
0xff: {  	v24 =	vld [tilespmem:s16+$0x3800]  }
0x100: {  	v25 =	vld [tilespmem:s17+$0x3800]  }
0x101: {  	v26 =	vld [tilespmem:s18+$0x3800]  }
0x102: {  	v27 =	vld [tilespmem:s19+$0x3800];
	_ =	sdelay $0x3  }
0x103: {  	v3 =	vadd.f32 v21, v3;
	v28 =	vadd.f32 v23, v22  }
0x104: {  	v29 =	vadd.f32 v25, v24;
	v30 =	vadd.f32 v27, v26  }
0x105: {  	v31 =	vld [tilespmem:s12+$0x4000]  }
0x106: {  	v3 =	vadd.f32 v28, v3;
	v32 =	vadd.f32 v30, v29;
	_ =	sdelay $0x1  }
0x107: {  	v3 =	vadd.f32 v32, v3;
	_ =	sdelay $0x1  }
0x108: {  	v3 =	vadd.f32 v3, v31;
	_ =	sdelay $0x1  }
0x109: {  	[tilespmem:s11+$0xC800] =	vst v3  }
0x10a: {  	v3 =	vld [tilespmem:s12+$0x3810]  }
0x10b: {  	v33 =	vld [tilespmem:s13+$0x3810]  }
0x10c: {  	v34 =	vld [tilespmem:s14+$0x3810]  }
0x10d: {  	v35 =	vld [tilespmem:s15+$0x3810]  }
0x10e: {  	v36 =	vld [tilespmem:s16+$0x3810]  }
0x10f: {  	v37 =	vld [tilespmem:s17+$0x3810]  }
0x110: {  	v38 =	vld [tilespmem:s18+$0x3810]  }
0x111: {  	v39 =	vld [tilespmem:s19+$0x3810];
	_ =	sdelay $0x3  }
0x112: {  	v3 =	vadd.f32 v33, v3;
	v40 =	vadd.f32 v35, v34  }
0x113: {  	v41 =	vadd.f32 v37, v36;
	v42 =	vadd.f32 v39, v38  }
0x114: {  	v43 =	vld [tilespmem:s12+$0x4010]  }
0x115: {  	v3 =	vadd.f32 v40, v3;
	v44 =	vadd.f32 v42, v41;
	_ =	sdelay $0x1  }
0x116: {  	v3 =	vadd.f32 v44, v3;
	_ =	sdelay $0x1  }
0x117: {  	v3 =	vadd.f32 v3, v43;
	_ =	sdelay $0x1  }
0x118: {  	[tilespmem:s11+$0xC810] =	vst v3  }
0x119: {  	v3 =	vld [tilespmem:s12+$0x3820]  }
0x11a: {  	v45 =	vld [tilespmem:s13+$0x3820]  }
0x11b: {  	v46 =	vld [tilespmem:s14+$0x3820]  }
0x11c: {  	v47 =	vld [tilespmem:s15+$0x3820]  }
0x11d: {  	v48 =	vld [tilespmem:s16+$0x3820]  }
0x11e: {  	v49 =	vld [tilespmem:s17+$0x3820]  }
0x11f: {  	v50 =	vld [tilespmem:s18+$0x3820]  }
0x120: {  	v51 =	vld [tilespmem:s19+$0x3820];
	_ =	sdelay $0x3  }
0x121: {  	v3 =	vadd.f32 v45, v3;
	v52 =	vadd.f32 v47, v46  }
0x122: {  	v53 =	vadd.f32 v49, v48;
	v54 =	vadd.f32 v51, v50  }
0x123: {  	v55 =	vld [tilespmem:s12+$0x4020]  }
0x124: {  	v3 =	vadd.f32 v52, v3;
	v56 =	vadd.f32 v54, v53;
	_ =	sdelay $0x1  }
0x125: {  	v3 =	vadd.f32 v56, v3;
	_ =	sdelay $0x1  }
0x126: {  	v3 =	vadd.f32 v3, v55;
	_ =	sdelay $0x1  }
0x127: {  	[tilespmem:s11+$0xC820] =	vst v3  }
0x128: {  	v3 =	vld [tilespmem:s12+$0x3830]  }
0x129: {  	v57 =	vld [tilespmem:s13+$0x3830]  }
0x12a: {  	v58 =	vld [tilespmem:s14+$0x3830]  }
0x12b: {  	v59 =	vld [tilespmem:s15+$0x3830]  }
0x12c: {  	v60 =	vld [tilespmem:s16+$0x3830]  }
0x12d: {  	v61 =	vld [tilespmem:s17+$0x3830]  }
0x12e: {  	v62 =	vld [tilespmem:s18+$0x3830]  }
0x12f: {  	v63 =	vld [tilespmem:s19+$0x3830];
	_ =	sdelay $0x3  }
0x130: {  	v3 =	vadd.f32 v57, v3;
	v11 =	vadd.f32 v59, v58  }
0x131: {  	v12 =	vadd.f32 v61, v60;
	v13 =	vadd.f32 v63, v62  }
0x132: {  	v14 =	vld [tilespmem:s12+$0x4030]  }
0x133: {  	v3 =	vadd.f32 v11, v3;
	v15 =	vadd.f32 v13, v12;
	_ =	sdelay $0x1  }
0x134: {  	v3 =	vadd.f32 v15, v3;
	_ =	sdelay $0x1  }
0x135: {  	v3 =	vadd.f32 v3, v14;
	_ =	sdelay $0x1  }
0x136: {  	[tilespmem:s11+$0xC830] =	vst v3  }
0x137: {  	v3 =	vld [tilespmem:s12+$0x3840]  }
0x138: {  	v16 =	vld [tilespmem:s13+$0x3840]  }
0x139: {  	v17 =	vld [tilespmem:s14+$0x3840]  }
0x13a: {  	v18 =	vld [tilespmem:s15+$0x3840]  }
0x13b: {  	v19 =	vld [tilespmem:s16+$0x3840]  }
0x13c: {  	v20 =	vld [tilespmem:s17+$0x3840]  }
0x13d: {  	v21 =	vld [tilespmem:s18+$0x3840]  }
0x13e: {  	v22 =	vld [tilespmem:s19+$0x3840];
	_ =	sdelay $0x3  }
0x13f: {  	v3 =	vadd.f32 v16, v3;
	v23 =	vadd.f32 v18, v17  }
0x140: {  	v24 =	vadd.f32 v20, v19;
	v25 =	vadd.f32 v22, v21  }
0x141: {  	v26 =	vld [tilespmem:s12+$0x4040]  }
0x142: {  	v3 =	vadd.f32 v23, v3;
	v27 =	vadd.f32 v25, v24;
	_ =	sdelay $0x1  }
0x143: {  	v3 =	vadd.f32 v27, v3;
	_ =	sdelay $0x1  }
0x144: {  	v3 =	vadd.f32 v3, v26;
	_ =	sdelay $0x1  }
0x145: {  	[tilespmem:s11+$0xC840] =	vst v3  }
0x146: {  	v3 =	vld [tilespmem:s12+$0x3850]  }
0x147: {  	v28 =	vld [tilespmem:s13+$0x3850]  }
0x148: {  	v29 =	vld [tilespmem:s14+$0x3850]  }
0x149: {  	v30 =	vld [tilespmem:s15+$0x3850]  }
0x14a: {  	v31 =	vld [tilespmem:s16+$0x3850]  }
0x14b: {  	v32 =	vld [tilespmem:s17+$0x3850]  }
0x14c: {  	v33 =	vld [tilespmem:s18+$0x3850]  }
0x14d: {  	v34 =	vld [tilespmem:s19+$0x3850];
	_ =	sdelay $0x3  }
0x14e: {  	v3 =	vadd.f32 v28, v3;
	v35 =	vadd.f32 v30, v29  }
0x14f: {  	v36 =	vadd.f32 v32, v31;
	v37 =	vadd.f32 v34, v33  }
0x150: {  	v38 =	vld [tilespmem:s12+$0x4050]  }
0x151: {  	v3 =	vadd.f32 v35, v3;
	v39 =	vadd.f32 v37, v36;
	_ =	sdelay $0x1  }
0x152: {  	v3 =	vadd.f32 v39, v3;
	_ =	sdelay $0x1  }
0x153: {  	v3 =	vadd.f32 v3, v38;
	_ =	sdelay $0x1  }
0x154: {  	[tilespmem:s11+$0xC850] =	vst v3  }
0x155: {  	v3 =	vld [tilespmem:s12+$0x3860]  }
0x156: {  	v40 =	vld [tilespmem:s13+$0x3860]  }
0x157: {  	v41 =	vld [tilespmem:s14+$0x3860]  }
0x158: {  	v42 =	vld [tilespmem:s15+$0x3860]  }
0x159: {  	v43 =	vld [tilespmem:s16+$0x3860]  }
0x15a: {  	v44 =	vld [tilespmem:s17+$0x3860]  }
0x15b: {  	v45 =	vld [tilespmem:s18+$0x3860]  }
0x15c: {  	v46 =	vld [tilespmem:s19+$0x3860];
	_ =	sdelay $0x3  }
0x15d: {  	v3 =	vadd.f32 v40, v3;
	v47 =	vadd.f32 v42, v41  }
0x15e: {  	v48 =	vadd.f32 v44, v43;
	v49 =	vadd.f32 v46, v45  }
0x15f: {  	v50 =	vld [tilespmem:s12+$0x4060]  }
0x160: {  	v3 =	vadd.f32 v47, v3;
	v51 =	vadd.f32 v49, v48;
	_ =	sdelay $0x1  }
0x161: {  	v3 =	vadd.f32 v51, v3;
	_ =	sdelay $0x1  }
0x162: {  	v3 =	vadd.f32 v3, v50;
	_ =	sdelay $0x1  }
0x163: {  	[tilespmem:s11+$0xC860] =	vst v3  }
0x164: {  	v3 =	vld [tilespmem:s12+$0x3870]  }
0x165: {  	v52 =	vld [tilespmem:s13+$0x3870]  }
0x166: {  	v53 =	vld [tilespmem:s14+$0x3870]  }
0x167: {  	v54 =	vld [tilespmem:s15+$0x3870]  }
0x168: {  	v55 =	vld [tilespmem:s16+$0x3870]  }
0x169: {  	v56 =	vld [tilespmem:s17+$0x3870]  }
0x16a: {  	v57 =	vld [tilespmem:s18+$0x3870]  }
0x16b: {  	v58 =	vld [tilespmem:s19+$0x3870];
	_ =	sdelay $0x3  }
0x16c: {  	v3 =	vadd.f32 v52, v3;
	v59 =	vadd.f32 v54, v53  }
0x16d: {  	v60 =	vadd.f32 v56, v55;
	v61 =	vadd.f32 v58, v57  }
0x16e: {  	v62 =	vld [tilespmem:s12+$0x4070]  }
0x16f: {  	v3 =	vadd.f32 v59, v3;
	v63 =	vadd.f32 v61, v60  }
0x170: {  	p0 =	sne.s32 s10, $0xE00  }
.Ltmp0:
0x171: {  	v3 =	vadd.f32 v63, v3;
	(pc) =	sbr.rel @p0 .LBB2_3-.Ltmp0, $3  }
0x172: {  	_ = 	snop  }
0x173: {  	v3 =	vadd.f32 v3, v62;
	_ =	sdelay $0x1  }
0x174: {  	s10 =	sadd.s32 $0x200, s10;
	s8 =	sadd.s32 $0x900, s8;
	s0 =	sadd.s32 $0x480, s0;
	[tilespmem:s11+$0xC870] =	vst v3  }
0x175: {  	s0 =	sshll.u32 s1, $0xC  }
0x176: {  	s0 =	sadd.s32 s5, s0  }
0x177: {  	p0 =	seq.s32 s1, $0x30;
	s0 =	sshrl.u32 s0, $0x3  }
.Ltmp1:
0x178: {  	s0 =	sadd.s32 s4, s0;
	(pc) =	sbr.rel @p0 .LBB2_6-.Ltmp1, $4  }
0x179: {  	[hbm4b:s0+s2] =	stream.linear.scatter [tilespmem:s30], [sflag:$0x3], $0x800, $0x38;
	[tilespmem:$0xCC00] =	vst v63  }
0x17a: {  	_ =	swait.ge [sflag:s9], $0x800  }
0x17b: {  	[sflag:s9] =	ssyncset.done $0x0  }
0x17c: {  	[sflag:s9] =	ssyncadd.s32 $0xFFFFF800  }
0x17d: {  	s0 =	sshll.u32 s1, $0x8  }
0x17e: {  	s0 =	sand.u32 $0x3FFFFF00, s0  }
0x17f: {  	v3 =	vld [tilespmem:s0+$0x100];
	_ =	sdelay $0x4  }
0x180: {  	v4 =	vshll.u32 v3, $0x1  }
0x181: {  	v3 =	vand.u32 $0x7, v3;
	v4 =	vand.u32 $0xFFFFFFF0, v4  }
0x182: {  	v3 =	vor.u32 v3, v4  }
0x183: {  	v4 =	vperm.xlane v3, v0;
	_ =	sdelay $0x1  }
0x184: {  	v3 =	vperm.xlane v3, v2;
	v4 =	vadd.s32 v1, v4;
	_ =	sdelay $0x1  }
0x185: {  	v3 =	vadd.s32 v1, v3;
	_ =	sdelay $0x1  }
0x186: {  	s8 =	simm.s32 $0x3400  }
0x187: {  	[tilespmem:s8], [sflag:$0x1] =	stream.indirect_vreg.gather [hbm4b:s3+s2], $0x80, v4, vm0, $0xb8;
	[tilespmem:$0xCC00] =	vst v63  }
0x188: {  	s13 =	simm.s32 $0x3C00  }
0x189: {  	[tilespmem:s13], [sflag:$0x1] =	stream.indirect_vreg.gather [hbm4b:s3+s2], $0x80, v3, vm0, $0xb8;
	[tilespmem:$0xCC00] =	vst v63  }
0x18a: {  	v3 =	vld [tilespmem:s0+$0x110];
	_ =	sdelay $0x4  }
0x18b: {  	v60 =	vshll.u32 v3, $0x1  }
0x18c: {  	v3 =	vand.u32 $0x7, v3;
	v4 =	vand.u32 $0xFFFFFFF0, v60  }
0x18d: {  	v3 =	vor.u32 v3, v4  }
0x18e: {  	v4 =	vperm.xlane v3, v0;
	_ =	sdelay $0x1  }
0x18f: {  	v3 =	vperm.xlane v3, v2;
	v4 =	vadd.s32 v1, v4;
	_ =	sdelay $0x1  }
0x190: {  	v3 =	vadd.s32 v1, v3;
	_ =	sdelay $0x1  }
0x191: {  	s14 =	simm.s32 $0x4400  }
0x192: {  	[tilespmem:s14], [sflag:$0x1] =	stream.indirect_vreg.gather [hbm4b:s3+s2], $0x80, v4, vm0, $0xb8;
	[tilespmem:$0xCC00] =	vst v63  }
0x193: {  	s15 =	simm.s32 $0x4C00  }
0x194: {  	[tilespmem:s15], [sflag:$0x1] =	stream.indirect_vreg.gather [hbm4b:s3+s2], $0x80, v3, vm0, $0xb8;
	[tilespmem:$0xCC00] =	vst v63  }
0x195: {  	v3 =	vld [tilespmem:s0+$0x120];
	_ =	sdelay $0x4  }
0x196: {  	v61 =	vshll.u32 v3, $0x1  }
0x197: {  	v3 =	vand.u32 $0x7, v3;
	v4 =	vand.u32 $0xFFFFFFF0, v61  }
0x198: {  	v3 =	vor.u32 v3, v4  }
0x199: {  	v4 =	vperm.xlane v3, v0;
	_ =	sdelay $0x1  }
0x19a: {  	v3 =	vperm.xlane v3, v2;
	v4 =	vadd.s32 v1, v4;
	_ =	sdelay $0x1  }
0x19b: {  	v3 =	vadd.s32 v1, v3;
	_ =	sdelay $0x1  }
0x19c: {  	s16 =	simm.s32 $0x5400  }
0x19d: {  	[tilespmem:s16], [sflag:$0x1] =	stream.indirect_vreg.gather [hbm4b:s3+s2], $0x80, v4, vm0, $0xb8;
	[tilespmem:$0xCC00] =	vst v63  }
0x19e: {  	s17 =	simm.s32 $0x5C00  }
0x19f: {  	[tilespmem:s17], [sflag:$0x1] =	stream.indirect_vreg.gather [hbm4b:s3+s2], $0x80, v3, vm0, $0xb8;
	[tilespmem:$0xCC00] =	vst v63  }
0x1a0: {  	v3 =	vld [tilespmem:s0+$0x130];
	_ =	sdelay $0x4  }
0x1a1: {  	v62 =	vshll.u32 v3, $0x1  }
0x1a2: {  	v3 =	vand.u32 $0x7, v3;
	v4 =	vand.u32 $0xFFFFFFF0, v62  }
0x1a3: {  	v3 =	vor.u32 v3, v4  }
0x1a4: {  	v4 =	vperm.xlane v3, v0;
	_ =	sdelay $0x1  }
0x1a5: {  	v3 =	vperm.xlane v3, v2;
	v4 =	vadd.s32 v1, v4;
	_ =	sdelay $0x1  }
0x1a6: {  	v3 =	vadd.s32 v1, v3;
	_ =	sdelay $0x1  }
0x1a7: {  	s18 =	simm.s32 $0x6400  }
0x1a8: {  	[tilespmem:s18], [sflag:$0x1] =	stream.indirect_vreg.gather [hbm4b:s3+s2], $0x80, v4, vm0, $0xb8;
	[tilespmem:$0xCC00] =	vst v63  }
0x1a9: {  	s19 =	simm.s32 $0x6C00  }
0x1aa: {  	[tilespmem:s19], [sflag:$0x1] =	stream.indirect_vreg.gather [hbm4b:s3+s2], $0x80, v3, vm0, $0xb8;
	[tilespmem:$0xCC00] =	vst v63  }
0x1ab: {  	v3 =	vld.msk [tilespmem:s0+$0x140], $0xff;
	_ =	sdelay $0x4  }
0x1ac: {  	v63 =	vshll.u32 v3, $0x1  }
0x1ad: {  	v3 =	vand.u32 $0x7, v3;
	v4 =	vand.u32 $0xFFFFFFF0, v63  }
0x1ae: {  	v3 =	vor.u32 v3, v4  }
0x1af: {  	v3 =	vperm.xlane v3, v0;
	_ =	sdelay $0x1  }
0x1b0: {  	v3 =	vadd.s32 v1, v3;
	_ =	sdelay $0x3  }
0x1b1: {  	s20 =	simm.s32 $0x7400  }
0x1b2: {  	[tilespmem:s20], [sflag:$0x1] =	stream.indirect_vreg.gather [hbm4b:s3+s2], $0x80, v3, vm0, $0xb8;
	[tilespmem:$0xCC00] =	vst v63  }
.LBB2_6:
0x1b3: {  	_ =	swait.ge [sflag:s31], $0x4800  }
0x1b4: {  	s1 =	sadd.s32 $0x1, s1;
	s8 =	simm.s32 $0x0;
	[sflag:s31] =	ssyncset.done $0x0  }
0x1b5: {  	s0 =	simm.s32 $0x380;
	s10 =	simm.s32 $0x0;
	[sflag:s31] =	ssyncadd.s32 $0xFFFFB800  }
.LBB2_7:
0x1b6: {  	s12 =	sand.u32 $0x3FFFF800, s8;
	s11 =	sshra.s32 s10, $0x2;
	s13 =	sadd.s32 $0x100, s8  }
0x1b7: {  	s14 =	sadd.s32 $0xFFFFFD00, s0;
	s15 =	sadd.s32 $0x200, s8;
	s16 =	sadd.s32 $0xFFFFFD80, s0  }
0x1b8: {  	s18 =	sadd.s32 $0x300, s8;
	s19 =	sadd.s32 $0xFFFFFE00, s0;
	s20 =	sadd.s32 $0xFFFFFE80, s0  }
0x1b9: {  	s12 =	sadd.s32 s11, s12;
	s13 =	sand.u32 $0x7800, s13;
	s14 =	sand.u32 $0x380, s14  }
0x1ba: {  	s15 =	sand.u32 $0x7800, s15;
	s17 =	sand.u32 $0x380, s16;
	s16 =	sand.u32 $0x380, s19  }
0x1bb: {  	s19 =	sadd.s32 $0xFFFFFF00, s0;
	s13 =	sor.u32 s14, s13;
	s14 =	sor.u32 s17, s15  }
0x1bc: {  	s15 =	sand.u32 $0x7800, s18;
	s17 =	sadd.s32 $0x400, s8;
	v3 =	vld [tilespmem:s12+$0x7C00];
	s18 =	sadd.s32 $0x500, s8  }
0x1bd: {  	s15 =	sor.u32 s16, s15;
	s16 =	sand.u32 $0x7800, s17;
	v4 =	vld [tilespmem:s13+$0x7C00];
	s17 =	sand.u32 $0x380, s20  }
0x1be: {  	v5 =	vld [tilespmem:s14+$0x7C00];
	s18 =	sand.u32 $0x7800, s18;
	s20 =	sand.u32 $0x380, s19;
	s19 =	sadd.s32 $0x600, s8  }
0x1bf: {  	s16 =	sor.u32 s17, s16;
	v6 =	vld [tilespmem:s15+$0x7C00];
	s17 =	sor.u32 s20, s18;
	s20 =	sadd.s32 $0xFFFFFF80, s0  }
0x1c0: {  	s18 =	sand.u32 $0x7800, s19;
	v7 =	vld [tilespmem:s16+$0x7C00];
	s19 =	sand.u32 $0x380, s20;
	s20 =	sadd.s32 $0x700, s8  }
0x1c1: {  	v8 =	vld [tilespmem:s17+$0x7C00];
	s18 =	sor.u32 s19, s18;
	s19 =	sand.u32 $0x7800, s20;
	s20 =	sand.u32 $0x380, s0  }
0x1c2: {  	v9 =	vld [tilespmem:s18+$0x7C00];
	s19 =	sor.u32 s20, s19  }
0x1c3: {  	v10 =	vld [tilespmem:s19+$0x7C00];
	_ =	sdelay $0x3  }
0x1c4: {  	v3 =	vadd.f32 v4, v3;
	v38 =	vadd.f32 v6, v5  }
0x1c5: {  	v39 =	vadd.f32 v8, v7;
	v40 =	vadd.f32 v10, v9  }
0x1c6: {  	v41 =	vld [tilespmem:s12+$0x8400]  }
0x1c7: {  	v3 =	vadd.f32 v38, v3;
	v42 =	vadd.f32 v40, v39;
	_ =	sdelay $0x1  }
0x1c8: {  	v3 =	vadd.f32 v42, v3;
	_ =	sdelay $0x1  }
0x1c9: {  	v3 =	vadd.f32 v3, v41;
	_ =	sdelay $0x1  }
0x1ca: {  	[tilespmem:s11+$0xC400] =	vst v3  }
0x1cb: {  	v3 =	vld [tilespmem:s12+$0x7C10]  }
0x1cc: {  	v43 =	vld [tilespmem:s13+$0x7C10]  }
0x1cd: {  	v44 =	vld [tilespmem:s14+$0x7C10]  }
0x1ce: {  	v45 =	vld [tilespmem:s15+$0x7C10]  }
0x1cf: {  	v46 =	vld [tilespmem:s16+$0x7C10]  }
0x1d0: {  	v47 =	vld [tilespmem:s17+$0x7C10]  }
0x1d1: {  	v48 =	vld [tilespmem:s18+$0x7C10]  }
0x1d2: {  	v49 =	vld [tilespmem:s19+$0x7C10];
	_ =	sdelay $0x3  }
0x1d3: {  	v3 =	vadd.f32 v43, v3;
	v50 =	vadd.f32 v45, v44  }
0x1d4: {  	v51 =	vadd.f32 v47, v46;
	v52 =	vadd.f32 v49, v48  }
0x1d5: {  	v53 =	vld [tilespmem:s12+$0x8410]  }
0x1d6: {  	v3 =	vadd.f32 v50, v3;
	v54 =	vadd.f32 v52, v51;
	_ =	sdelay $0x1  }
0x1d7: {  	v3 =	vadd.f32 v54, v3;
	_ =	sdelay $0x1  }
0x1d8: {  	v3 =	vadd.f32 v3, v53;
	_ =	sdelay $0x1  }
0x1d9: {  	[tilespmem:s11+$0xC410] =	vst v3  }
0x1da: {  	v3 =	vld [tilespmem:s12+$0x7C20]  }
0x1db: {  	v55 =	vld [tilespmem:s13+$0x7C20]  }
0x1dc: {  	v56 =	vld [tilespmem:s14+$0x7C20]  }
0x1dd: {  	v57 =	vld [tilespmem:s15+$0x7C20]  }
0x1de: {  	v58 =	vld [tilespmem:s16+$0x7C20]  }
0x1df: {  	v59 =	vld [tilespmem:s17+$0x7C20]  }
0x1e0: {  	v60 =	vld [tilespmem:s18+$0x7C20]  }
0x1e1: {  	v61 =	vld [tilespmem:s19+$0x7C20];
	_ =	sdelay $0x3  }
0x1e2: {  	v3 =	vadd.f32 v55, v3;
	v62 =	vadd.f32 v57, v56  }
0x1e3: {  	v63 =	vadd.f32 v59, v58;
	v10 =	vadd.f32 v61, v60  }
0x1e4: {  	v11 =	vld [tilespmem:s12+$0x8420]  }
0x1e5: {  	v3 =	vadd.f32 v62, v3;
	v12 =	vadd.f32 v10, v63;
	_ =	sdelay $0x1  }
0x1e6: {  	v3 =	vadd.f32 v12, v3;
	_ =	sdelay $0x1  }
0x1e7: {  	v3 =	vadd.f32 v3, v11;
	_ =	sdelay $0x1  }
0x1e8: {  	[tilespmem:s11+$0xC420] =	vst v3  }
0x1e9: {  	v3 =	vld [tilespmem:s12+$0x7C30]  }
0x1ea: {  	v13 =	vld [tilespmem:s13+$0x7C30]  }
0x1eb: {  	v14 =	vld [tilespmem:s14+$0x7C30]  }
0x1ec: {  	v15 =	vld [tilespmem:s15+$0x7C30]  }
0x1ed: {  	v16 =	vld [tilespmem:s16+$0x7C30]  }
0x1ee: {  	v17 =	vld [tilespmem:s17+$0x7C30]  }
0x1ef: {  	v18 =	vld [tilespmem:s18+$0x7C30]  }
0x1f0: {  	v19 =	vld [tilespmem:s19+$0x7C30];
	_ =	sdelay $0x3  }
0x1f1: {  	v3 =	vadd.f32 v13, v3;
	v20 =	vadd.f32 v15, v14  }
0x1f2: {  	v21 =	vadd.f32 v17, v16;
	v22 =	vadd.f32 v19, v18  }
0x1f3: {  	v23 =	vld [tilespmem:s12+$0x8430]  }
0x1f4: {  	v3 =	vadd.f32 v20, v3;
	v24 =	vadd.f32 v22, v21;
	_ =	sdelay $0x1  }
0x1f5: {  	v3 =	vadd.f32 v24, v3;
	_ =	sdelay $0x1  }
0x1f6: {  	v3 =	vadd.f32 v3, v23;
	_ =	sdelay $0x1  }
0x1f7: {  	[tilespmem:s11+$0xC430] =	vst v3  }
0x1f8: {  	v3 =	vld [tilespmem:s12+$0x7C40]  }
0x1f9: {  	v25 =	vld [tilespmem:s13+$0x7C40]  }
0x1fa: {  	v26 =	vld [tilespmem:s14+$0x7C40]  }
0x1fb: {  	v27 =	vld [tilespmem:s15+$0x7C40]  }
0x1fc: {  	v28 =	vld [tilespmem:s16+$0x7C40]  }
0x1fd: {  	v29 =	vld [tilespmem:s17+$0x7C40]  }
0x1fe: {  	v30 =	vld [tilespmem:s18+$0x7C40]  }
0x1ff: {  	v31 =	vld [tilespmem:s19+$0x7C40];
	_ =	sdelay $0x3  }
0x200: {  	v3 =	vadd.f32 v25, v3;
	v32 =	vadd.f32 v27, v26  }
0x201: {  	v33 =	vadd.f32 v29, v28;
	v34 =	vadd.f32 v31, v30  }
0x202: {  	v35 =	vld [tilespmem:s12+$0x8440]  }
0x203: {  	v3 =	vadd.f32 v32, v3;
	v36 =	vadd.f32 v34, v33;
	_ =	sdelay $0x1  }
0x204: {  	v3 =	vadd.f32 v36, v3;
	_ =	sdelay $0x1  }
0x205: {  	v3 =	vadd.f32 v3, v35;
	_ =	sdelay $0x1  }
0x206: {  	[tilespmem:s11+$0xC440] =	vst v3  }
0x207: {  	v3 =	vld [tilespmem:s12+$0x7C50]  }
0x208: {  	v37 =	vld [tilespmem:s13+$0x7C50]  }
0x209: {  	v38 =	vld [tilespmem:s14+$0x7C50]  }
0x20a: {  	v39 =	vld [tilespmem:s15+$0x7C50]  }
0x20b: {  	v40 =	vld [tilespmem:s16+$0x7C50]  }
0x20c: {  	v41 =	vld [tilespmem:s17+$0x7C50]  }
0x20d: {  	v42 =	vld [tilespmem:s18+$0x7C50]  }
0x20e: {  	v43 =	vld [tilespmem:s19+$0x7C50];
	_ =	sdelay $0x3  }
0x20f: {  	v3 =	vadd.f32 v37, v3;
	v44 =	vadd.f32 v39, v38  }
0x210: {  	v45 =	vadd.f32 v41, v40;
	v46 =	vadd.f32 v43, v42  }
0x211: {  	v47 =	vld [tilespmem:s12+$0x8450]  }
0x212: {  	v3 =	vadd.f32 v44, v3;
	v48 =	vadd.f32 v46, v45;
	_ =	sdelay $0x1  }
0x213: {  	v3 =	vadd.f32 v48, v3;
	_ =	sdelay $0x1  }
0x214: {  	v3 =	vadd.f32 v3, v47;
	_ =	sdelay $0x1  }
0x215: {  	[tilespmem:s11+$0xC450] =	vst v3  }
0x216: {  	v3 =	vld [tilespmem:s12+$0x7C60]  }
0x217: {  	v49 =	vld [tilespmem:s13+$0x7C60]  }
0x218: {  	v50 =	vld [tilespmem:s14+$0x7C60]  }
0x219: {  	v51 =	vld [tilespmem:s15+$0x7C60]  }
0x21a: {  	v52 =	vld [tilespmem:s16+$0x7C60]  }
0x21b: {  	v53 =	vld [tilespmem:s17+$0x7C60]  }
0x21c: {  	v54 =	vld [tilespmem:s18+$0x7C60]  }
0x21d: {  	v55 =	vld [tilespmem:s19+$0x7C60];
	_ =	sdelay $0x3  }
0x21e: {  	v3 =	vadd.f32 v49, v3;
	v56 =	vadd.f32 v51, v50  }
0x21f: {  	v57 =	vadd.f32 v53, v52;
	v58 =	vadd.f32 v55, v54  }
0x220: {  	v59 =	vld [tilespmem:s12+$0x8460]  }
0x221: {  	v3 =	vadd.f32 v56, v3;
	v60 =	vadd.f32 v58, v57;
	_ =	sdelay $0x1  }
0x222: {  	v3 =	vadd.f32 v60, v3;
	_ =	sdelay $0x1  }
0x223: {  	v3 =	vadd.f32 v3, v59;
	_ =	sdelay $0x1  }
0x224: {  	[tilespmem:s11+$0xC460] =	vst v3  }
0x225: {  	v3 =	vld [tilespmem:s12+$0x7C70]  }
0x226: {  	v61 =	vld [tilespmem:s13+$0x7C70]  }
0x227: {  	v62 =	vld [tilespmem:s14+$0x7C70]  }
0x228: {  	v63 =	vld [tilespmem:s15+$0x7C70]  }
0x229: {  	v12 =	vld [tilespmem:s16+$0x7C70]  }
0x22a: {  	v13 =	vld [tilespmem:s17+$0x7C70]  }
0x22b: {  	v14 =	vld [tilespmem:s18+$0x7C70]  }
0x22c: {  	v15 =	vld [tilespmem:s19+$0x7C70];
	_ =	sdelay $0x3  }
0x22d: {  	v3 =	vadd.f32 v61, v3;
	v16 =	vadd.f32 v63, v62  }
0x22e: {  	v17 =	vadd.f32 v13, v12;
	v18 =	vadd.f32 v15, v14  }
0x22f: {  	v19 =	vld [tilespmem:s12+$0x8470]  }
0x230: {  	v3 =	vadd.f32 v16, v3;
	v20 =	vadd.f32 v18, v17;
	_ =	sdelay $0x1  }
0x231: {  	v3 =	vadd.f32 v20, v3;
	_ =	sdelay $0x1  }
0x232: {  	v3 =	vadd.f32 v3, v19;
	_ =	sdelay $0x1  }
0x233: {  	[tilespmem:s11+$0xC470] =	vst v3  }
0x234: {  	v3 =	vld [tilespmem:s12+$0x8000]  }
0x235: {  	v21 =	vld [tilespmem:s13+$0x8000]  }
0x236: {  	v22 =	vld [tilespmem:s14+$0x8000]  }
0x237: {  	v23 =	vld [tilespmem:s15+$0x8000]  }
0x238: {  	v24 =	vld [tilespmem:s16+$0x8000]  }
0x239: {  	v25 =	vld [tilespmem:s17+$0x8000]  }
0x23a: {  	v26 =	vld [tilespmem:s18+$0x8000]  }
0x23b: {  	v27 =	vld [tilespmem:s19+$0x8000];
	_ =	sdelay $0x3  }
0x23c: {  	v3 =	vadd.f32 v21, v3;
	v28 =	vadd.f32 v23, v22  }
0x23d: {  	v29 =	vadd.f32 v25, v24;
	v30 =	vadd.f32 v27, v26  }
0x23e: {  	v31 =	vld [tilespmem:s12+$0x8800]  }
0x23f: {  	v3 =	vadd.f32 v28, v3;
	v32 =	vadd.f32 v30, v29;
	_ =	sdelay $0x1  }
0x240: {  	v3 =	vadd.f32 v32, v3;
	_ =	sdelay $0x1  }
0x241: {  	v3 =	vadd.f32 v3, v31;
	_ =	sdelay $0x1  }
0x242: {  	[tilespmem:s11+$0xC800] =	vst v3  }
0x243: {  	v3 =	vld [tilespmem:s12+$0x8010]  }
0x244: {  	v33 =	vld [tilespmem:s13+$0x8010]  }
0x245: {  	v34 =	vld [tilespmem:s14+$0x8010]  }
0x246: {  	v35 =	vld [tilespmem:s15+$0x8010]  }
0x247: {  	v36 =	vld [tilespmem:s16+$0x8010]  }
0x248: {  	v37 =	vld [tilespmem:s17+$0x8010]  }
0x249: {  	v38 =	vld [tilespmem:s18+$0x8010]  }
0x24a: {  	v39 =	vld [tilespmem:s19+$0x8010];
	_ =	sdelay $0x3  }
0x24b: {  	v3 =	vadd.f32 v33, v3;
	v40 =	vadd.f32 v35, v34  }
0x24c: {  	v41 =	vadd.f32 v37, v36;
	v42 =	vadd.f32 v39, v38  }
0x24d: {  	v43 =	vld [tilespmem:s12+$0x8810]  }
0x24e: {  	v3 =	vadd.f32 v40, v3;
	v44 =	vadd.f32 v42, v41;
	_ =	sdelay $0x1  }
0x24f: {  	v3 =	vadd.f32 v44, v3;
	_ =	sdelay $0x1  }
0x250: {  	v3 =	vadd.f32 v3, v43;
	_ =	sdelay $0x1  }
0x251: {  	[tilespmem:s11+$0xC810] =	vst v3  }
0x252: {  	v3 =	vld [tilespmem:s12+$0x8020]  }
0x253: {  	v45 =	vld [tilespmem:s13+$0x8020]  }
0x254: {  	v46 =	vld [tilespmem:s14+$0x8020]  }
0x255: {  	v47 =	vld [tilespmem:s15+$0x8020]  }
0x256: {  	v48 =	vld [tilespmem:s16+$0x8020]  }
0x257: {  	v49 =	vld [tilespmem:s17+$0x8020]  }
0x258: {  	v50 =	vld [tilespmem:s18+$0x8020]  }
0x259: {  	v51 =	vld [tilespmem:s19+$0x8020];
	_ =	sdelay $0x3  }
0x25a: {  	v3 =	vadd.f32 v45, v3;
	v52 =	vadd.f32 v47, v46  }
0x25b: {  	v53 =	vadd.f32 v49, v48;
	v54 =	vadd.f32 v51, v50  }
0x25c: {  	v55 =	vld [tilespmem:s12+$0x8820]  }
0x25d: {  	v3 =	vadd.f32 v52, v3;
	v56 =	vadd.f32 v54, v53;
	_ =	sdelay $0x1  }
0x25e: {  	v3 =	vadd.f32 v56, v3;
	_ =	sdelay $0x1  }
0x25f: {  	v3 =	vadd.f32 v3, v55;
	_ =	sdelay $0x1  }
0x260: {  	[tilespmem:s11+$0xC820] =	vst v3  }
0x261: {  	v3 =	vld [tilespmem:s12+$0x8030]  }
0x262: {  	v57 =	vld [tilespmem:s13+$0x8030]  }
0x263: {  	v58 =	vld [tilespmem:s14+$0x8030]  }
0x264: {  	v59 =	vld [tilespmem:s15+$0x8030]  }
0x265: {  	v60 =	vld [tilespmem:s16+$0x8030]  }
0x266: {  	v61 =	vld [tilespmem:s17+$0x8030]  }
0x267: {  	v62 =	vld [tilespmem:s18+$0x8030]  }
0x268: {  	v63 =	vld [tilespmem:s19+$0x8030];
	_ =	sdelay $0x3  }
0x269: {  	v3 =	vadd.f32 v57, v3;
	v11 =	vadd.f32 v59, v58  }
0x26a: {  	v12 =	vadd.f32 v61, v60;
	v13 =	vadd.f32 v63, v62  }
0x26b: {  	v14 =	vld [tilespmem:s12+$0x8830]  }
0x26c: {  	v3 =	vadd.f32 v11, v3;
	v15 =	vadd.f32 v13, v12;
	_ =	sdelay $0x1  }
0x26d: {  	v3 =	vadd.f32 v15, v3;
	_ =	sdelay $0x1  }
0x26e: {  	v3 =	vadd.f32 v3, v14;
	_ =	sdelay $0x1  }
0x26f: {  	[tilespmem:s11+$0xC830] =	vst v3  }
0x270: {  	v3 =	vld [tilespmem:s12+$0x8040]  }
0x271: {  	v16 =	vld [tilespmem:s13+$0x8040]  }
0x272: {  	v17 =	vld [tilespmem:s14+$0x8040]  }
0x273: {  	v18 =	vld [tilespmem:s15+$0x8040]  }
0x274: {  	v19 =	vld [tilespmem:s16+$0x8040]  }
0x275: {  	v20 =	vld [tilespmem:s17+$0x8040]  }
0x276: {  	v21 =	vld [tilespmem:s18+$0x8040]  }
0x277: {  	v22 =	vld [tilespmem:s19+$0x8040];
	_ =	sdelay $0x3  }
0x278: {  	v3 =	vadd.f32 v16, v3;
	v23 =	vadd.f32 v18, v17  }
0x279: {  	v24 =	vadd.f32 v20, v19;
	v25 =	vadd.f32 v22, v21  }
0x27a: {  	v26 =	vld [tilespmem:s12+$0x8840]  }
0x27b: {  	v3 =	vadd.f32 v23, v3;
	v27 =	vadd.f32 v25, v24;
	_ =	sdelay $0x1  }
0x27c: {  	v3 =	vadd.f32 v27, v3;
	_ =	sdelay $0x1  }
0x27d: {  	v3 =	vadd.f32 v3, v26;
	_ =	sdelay $0x1  }
0x27e: {  	[tilespmem:s11+$0xC840] =	vst v3  }
0x27f: {  	v3 =	vld [tilespmem:s12+$0x8050]  }
0x280: {  	v28 =	vld [tilespmem:s13+$0x8050]  }
0x281: {  	v29 =	vld [tilespmem:s14+$0x8050]  }
0x282: {  	v30 =	vld [tilespmem:s15+$0x8050]  }
0x283: {  	v31 =	vld [tilespmem:s16+$0x8050]  }
0x284: {  	v32 =	vld [tilespmem:s17+$0x8050]  }
0x285: {  	v33 =	vld [tilespmem:s18+$0x8050]  }
0x286: {  	v34 =	vld [tilespmem:s19+$0x8050];
	_ =	sdelay $0x3  }
0x287: {  	v3 =	vadd.f32 v28, v3;
	v35 =	vadd.f32 v30, v29  }
0x288: {  	v36 =	vadd.f32 v32, v31;
	v37 =	vadd.f32 v34, v33  }
0x289: {  	v38 =	vld [tilespmem:s12+$0x8850]  }
0x28a: {  	v3 =	vadd.f32 v35, v3;
	v39 =	vadd.f32 v37, v36;
	_ =	sdelay $0x1  }
0x28b: {  	v3 =	vadd.f32 v39, v3;
	_ =	sdelay $0x1  }
0x28c: {  	v3 =	vadd.f32 v3, v38;
	_ =	sdelay $0x1  }
0x28d: {  	[tilespmem:s11+$0xC850] =	vst v3  }
0x28e: {  	v3 =	vld [tilespmem:s12+$0x8060]  }
0x28f: {  	v40 =	vld [tilespmem:s13+$0x8060]  }
0x290: {  	v41 =	vld [tilespmem:s14+$0x8060]  }
0x291: {  	v42 =	vld [tilespmem:s15+$0x8060]  }
0x292: {  	v43 =	vld [tilespmem:s16+$0x8060]  }
0x293: {  	v44 =	vld [tilespmem:s17+$0x8060]  }
0x294: {  	v45 =	vld [tilespmem:s18+$0x8060]  }
0x295: {  	v46 =	vld [tilespmem:s19+$0x8060];
	_ =	sdelay $0x3  }
0x296: {  	v3 =	vadd.f32 v40, v3;
	v47 =	vadd.f32 v42, v41  }
0x297: {  	v48 =	vadd.f32 v44, v43;
	v49 =	vadd.f32 v46, v45  }
0x298: {  	v50 =	vld [tilespmem:s12+$0x8860]  }
0x299: {  	v3 =	vadd.f32 v47, v3;
	v51 =	vadd.f32 v49, v48;
	_ =	sdelay $0x1  }
0x29a: {  	v3 =	vadd.f32 v51, v3;
	_ =	sdelay $0x1  }
0x29b: {  	v3 =	vadd.f32 v3, v50;
	_ =	sdelay $0x1  }
0x29c: {  	[tilespmem:s11+$0xC860] =	vst v3  }
0x29d: {  	v3 =	vld [tilespmem:s12+$0x8070]  }
0x29e: {  	v52 =	vld [tilespmem:s13+$0x8070]  }
0x29f: {  	v53 =	vld [tilespmem:s14+$0x8070]  }
0x2a0: {  	v54 =	vld [tilespmem:s15+$0x8070]  }
0x2a1: {  	v55 =	vld [tilespmem:s16+$0x8070]  }
0x2a2: {  	v56 =	vld [tilespmem:s17+$0x8070]  }
0x2a3: {  	v57 =	vld [tilespmem:s18+$0x8070]  }
0x2a4: {  	v58 =	vld [tilespmem:s19+$0x8070];
	_ =	sdelay $0x3  }
0x2a5: {  	v3 =	vadd.f32 v52, v3;
	v59 =	vadd.f32 v54, v53  }
0x2a6: {  	v60 =	vadd.f32 v56, v55;
	v61 =	vadd.f32 v58, v57  }
0x2a7: {  	v62 =	vld [tilespmem:s12+$0x8870]  }
0x2a8: {  	v3 =	vadd.f32 v59, v3;
	v63 =	vadd.f32 v61, v60  }
0x2a9: {  	p0 =	sne.s32 s10, $0xE00  }
.Ltmp2:
0x2aa: {  	v3 =	vadd.f32 v63, v3;
	(pc) =	sbr.rel @p0 .LBB2_7-.Ltmp2, $3  }
0x2ab: {  	_ = 	snop  }
0x2ac: {  	v3 =	vadd.f32 v3, v62;
	_ =	sdelay $0x1  }
0x2ad: {  	s10 =	sadd.s32 $0x200, s10;
	s8 =	sadd.s32 $0x900, s8;
	s0 =	sadd.s32 $0x480, s0;
	[tilespmem:s11+$0xC870] =	vst v3  }
0x2ae: {  	s0 =	sadd.s32 s7, s6  }
0x2af: {  	s0 =	sshll.u32 s0, $0x8  }
0x2b0: {  	p0 =	sne.s32 s1, $0x31;
	s0 =	sand.u32 $0x1FFFFF00, s0  }
.Ltmp3:
0x2b1: {  	s0 =	sadd.s32 s4, s0;
	(pc) =	sbr.rel @p0 .LBB2_2-.Ltmp3, $4  }
0x2b2: {  	[hbm4b:s0+s2] =	stream.linear.scatter [tilespmem:s30], [sflag:$0x3], $0x800, $0x38;
	[tilespmem:$0xCC00] =	vst v63  }
0x2b3: {  	_ =	swait.ge [sflag:s9], $0x800  }
0x2b4: {  	[sflag:s9] =	ssyncset.done $0x0  }
0x2b5: {  	[sflag:s9] =	ssyncadd.s32 $0xFFFFF800  }
0x2b6: {  	s1 =	rddreg [dreg:$0x5]  }
0x2b7: {  	s0 =	rddreg [dreg:$0x4];
	s1 =	sadd.s32 $0x1, s1  }
0x2b8: {  	p0 =	sne.s32 s1, s0  }
.Ltmp4:
0x2b9: {  	_ = 	snop;
	(pc) =	sbr.rel @p0 .LBB2_1-.Ltmp4, $1  }
0x2ba: {  	_ =	sdelay $0x3  }
0x2bb: {  	_ =	sfence.sel $0x180000  }
0x2bc: {  	[bflag:$0x0] =	sbarrier.arrive $0xFFFF  }
0x2bd: {  	_ =	strace $0x90000047  }
0x2be: {  	s0 =	stileid.u32;
	[bflag:$0x2] =	sbarrier.arrive $0xFFFF  }
0x2bf: {  	p0 =	sne.s32 s0, $0x0;
	s0 =	rddreg [dreg:$0x2]  }
0x2c0: {  	s0 =	sadd.s32 @!p0 $0x100000, s0  }
0x2c1: {  	[sflag:s0] =	ssyncadd.tile.s32 @!p0 $0x1;
	_ =	shalt  }
.Lfunc_end2:
_tile_overlayer_lowered:
.L_overlay_start_2:
0x2c2: {  	(tag) =	ssettag $0x2  }
0x2c3: {  	s0 =	rddreg [dreg:$0x0];
	s2 =	stileid.u32  }
0x2c4: {  	s1 =	rddreg [dreg:$0x1];
	p0 =	sne.s32 s2, $0x0  }
0x2c5: {  	s3 =	rddreg [dreg:$0x2];
	[bflag:$0x3] =	sbarrier.arrive $0xFFFF;
	s2 =	simm.s32 @!p0 $0x1C03  }
0x2c6: {  	[timem:s3], [sflag:s2] =	dma.local @!p0 [hbm:s0], s1  }
0x2c7: {  	s0 =	simm.s32 @!p0 $0x3  }
0x2c8: {  	_ =	swait.ge @!p0 [sflag:s0], s1  }
0x2c9: {  	s1 =	ssub.s32 @!p0 $0x0, s1;
	[sflag:s0] =	ssyncset.done @!p0 $0x0  }
0x2ca: {  	[sflag:s0] =	ssyncadd.s32 @!p0 s1  }
0x2cb: {  	[bflag:$0x3] =	sbarrier.arrive $0xFFFF  }
0x2cc: {  	_ =	shalt  }

</sc_bundles>
